<compile_context>
chip_gen: v7x
topology: tpu7x:2x2x1
jax: 0.10.2.dev20260603
libtpu: 0.0.44.dev20260713+nightly
codegen_flags: <defaults>
</compile_context>

<pallas_src>
import functools

import jax
import jax.numpy as jnp
from jax import lax
from jax.experimental import pallas as pl
from jax.experimental.pallas import tpu as pltpu
from jax.experimental.pallas import tpu_sc as plsc

_H = 16
_S = 2048
_NB = 15
_RB = _S // 8
_W2 = 4112

_mesh = plsc.VectorSubcoreMesh(
    core_axis_name="c", subcore_axis_name="s", num_cores=2, num_subcores=16
)


@functools.partial(
    pl.kernel,
    out_type=jax.ShapeDtypeStruct((_H, _S, _S), jnp.float32),
    mesh=_mesh,
    scratch_types=[
        pltpu.VMEM((_NB * _NB * _H,), jnp.float32),
        pltpu.VMEM((16, _W2), jnp.float32),
        pltpu.SemaphoreType.DMA,
    ],
    compiler_params=pltpu.CompilerParams(
        needs_layout_passes=False, use_tc_tiling_on_sc=False
    ),
)
def _rpb_sc(table_hbm, out_hbm, table_v, strip_v, sem):
    h = lax.axis_index("s")
    half = lax.axis_index("c")

    pltpu.sync_copy(table_hbm, table_v)

    iota = lax.iota(jnp.int32, 16)
    fj = iota & 7
    ksub = iota >> 3

    def tab_idx(fi, fjv, idx1):
        return (fi - fjv + 7) * (_NB * _H) + idx1 * _H + h

    pat_l = [plsc.load_gather(table_v, [tab_idx(fi, fj, 14)]) for fi in range(8)]
    pat_r = [plsc.load_gather(table_v, [tab_idx(fi, fj, 0)]) for fi in range(8)]

    for fi in range(8):
        for u in range(7):
            idx1 = 14 - (2 * u + ksub)
            vals = plsc.load_gather(table_v, [tab_idx(fi, fj, idx1)])
            strip_v[fi, pl.ds(1992 + 16 * u, 16)] = vals
            strip_v[8 + fi, pl.ds(2000 + 16 * u, 16)] = vals

    def fill_body(t, carry):
        c = 16 * t
        for fi in range(8):
            strip_v[fi, pl.ds(8 + c, 16)] = pat_l[fi]
            strip_v[8 + fi, pl.ds(16 + c, 16)] = pat_l[fi]
            strip_v[fi, pl.ds(2104 + c, 16)] = pat_r[fi]
            strip_v[8 + fi, pl.ds(2112 + c, 16)] = pat_r[fi]
        return carry

    lax.fori_loop(0, 124, fill_body, 0)
    for fi in range(8):
        strip_v[fi, pl.ds(4080, 16)] = pat_r[fi]
        strip_v[8 + fi, pl.ds(4096, 16)] = pat_r[fi]

    r0 = half * (_RB // 2)

    def pair_copy(t):
        ri = r0 + 2 * t
        c0 = 8 * (_RB - ri)
        return pltpu.make_async_copy(
            strip_v.at[:, pl.ds(c0, _S)],
            out_hbm.at[h, pl.ds(8 * ri, 16), :],
            sem,
        )

    def write_body(t, carry):
        pair_copy(t).start()

        @pl.when(t >= 3)
        def _():
            pair_copy(0).wait()

        return carry

    lax.fori_loop(0, _RB // 4, write_body, 0)
    for _ in range(3):
        pair_copy(0).wait()


def kernel(seq_len, table):
    del seq_len
    out = _rpb_sc(table.reshape(-1))
    return out[None]

# --- scband reference (transcript-rebuilt; emitter-appended) ---
"""Pipeline reference for scband-relative-position-bias-22582938043045 (READ-ONLY COPY).

The authoritative reference and input builder live on the scoring server;
editing this copy changes nothing except your own understanding.
"""

import jax, jax.numpy as jnp
import numpy as np

MAX_REL = 7
NUM_HEADS = 16


def setup_inputs(seed: int = 0) -> dict:
    key = jax.random.key(seed)
    num_buckets = 2 * MAX_REL + 1
    table = jax.random.normal(key, (num_buckets, num_buckets, NUM_HEADS), dtype=jnp.float32) * 0.02
    return {"seq_len": 2048, "table": table}


def reference(seq_len, table):
    positions = jnp.arange(2048) + (seq_len - seq_len)
    from_files = positions % 8
    from_ranks = positions // 8
    to_files = positions % 8
    to_ranks = positions // 8
    rel_files = from_files[:, None] - to_files[None, :]
    rel_ranks = from_ranks[:, None] - to_ranks[None, :]
    rel_files = jnp.clip(rel_files, -MAX_REL, MAX_REL)
    rel_ranks = jnp.clip(rel_ranks, -MAX_REL, MAX_REL)
    rel_file_idx = rel_files + MAX_REL
    rel_rank_idx = rel_ranks + MAX_REL
    bias = table[rel_file_idx, rel_rank_idx]
    return jnp.transpose(bias, (2, 0, 1))[None, ...]

if __name__ == "__main__":
    import jax
    _d = setup_inputs()
    print(jax.jit(kernel)(*tuple(_d.values())))

</pallas_src>

<mosaic_0001>
#map = affine_map<(d0, d1) -> (0)>
#map1 = affine_map<(d0, d1) -> (0, 0, 0)>
module attributes {stable_mosaic.version = 14 : i64} {
  func.func @_rpb_sc(%arg0: i32, %arg1: i32, %arg2: memref<3600xf32, #tpu.memory_space<hbm>>, %arg3: memref<16x2048x2048xf32, #tpu.memory_space<hbm>>, %arg4: memref<3600xf32, #tpu.memory_space<vmem>>, %arg5: memref<16x4112xf32, #tpu.memory_space<vmem>>, %arg6: memref<!tpu.dma_semaphore, #tpu.memory_space<semaphore_mem>>) attributes {dimension_semantics = [#tpu.dimension_semantics<core_parallel>, #tpu.dimension_semantics<subcore_parallel>], iteration_bounds = array<i64: 2, 16>, scalar_prefetch = 0 : i64, scratch_operands = 3 : i64, tpu.core_type = #tpu.core_type<sc_vector_subcore>, window_params = [{transform_indices = #map}, {transform_indices = #map1}]} {
    "tpu.region"() ({
      %run_scoped3A = tpu.sem_alloc : memref<!tpu.dma_semaphore, #tpu.memory_space<semaphore_mem>>
      tpu.enqueue_dma source(%arg2 : memref<3600xf32, #tpu.memory_space<hbm>>) target(%arg4 : memref<3600xf32, #tpu.memory_space<vmem>>) target_semaphore(%run_scoped3A : memref<!tpu.dma_semaphore, #tpu.memory_space<semaphore_mem>>)
      tpu.wait_dma2 semaphore(%run_scoped3A : memref<!tpu.dma_semaphore, #tpu.memory_space<semaphore_mem>>) src(%arg2 : memref<3600xf32, #tpu.memory_space<hbm>>) dst(%arg4 : memref<3600xf32, #tpu.memory_space<vmem>>)
      tpu.yield
    }) : () -> ()
    %iota3A = tpu.iota {dimensions = array<i32: 0>} : vector<16xi32>
    %and3A = arith.constant 7 : i32
    %and3A_0 = vector.broadcast %and3A : i32 to vector<16xi32>
    %and3A_1 = arith.andi %iota3A, %and3A_0 : vector<16xi32>
    %shift_right_arithmetic3A = arith.constant 3 : i32
    %shift_right_arithmetic3A_2 = vector.broadcast %shift_right_arithmetic3A : i32 to vector<16xi32>
    %shift_right_arithmetic3A_3 = arith.shrsi %iota3A, %shift_right_arithmetic3A_2 : vector<16xi32>
    %sub3A = arith.constant 0 : i32
    %sub3A_4 = vector.broadcast %sub3A : i32 to vector<16xi32>
    %sub3A_5 = arith.subi %sub3A_4, %and3A_1 : vector<16xi32>
    %add3A = arith.constant 7 : i32
    %add3A_6 = vector.broadcast %add3A : i32 to vector<16xi32>
    %add3A_7 = arith.addi %sub3A_5, %add3A_6 : vector<16xi32>
    %mul3A = arith.constant 240 : i32
    %mul3A_8 = vector.broadcast %mul3A : i32 to vector<16xi32>
    %mul3A_9 = arith.muli %add3A_7, %mul3A_8 : vector<16xi32>
    %add3A_10 = arith.constant 224 : i32
    %add3A_11 = vector.broadcast %add3A_10 : i32 to vector<16xi32>
    %add3A_12 = arith.addi %mul3A_9, %add3A_11 : vector<16xi32>
    %add3A_13 = vector.broadcast %arg1 : i32 to vector<16xi32>
    %add3A_14 = arith.addi %add3A_12, %add3A_13 : vector<16xi32>
    %gather3A = tpu.vector_load_idx %arg4[%add3A_14] : memref<3600xf32, #tpu.memory_space<vmem>>[vector<16xi32>], vector<16xf32>,
    %sub3A_15 = arith.constant 1 : i32
    %sub3A_16 = vector.broadcast %sub3A_15 : i32 to vector<16xi32>
    %sub3A_17 = arith.subi %sub3A_16, %and3A_1 : vector<16xi32>
    %add3A_18 = arith.constant 7 : i32
    %add3A_19 = vector.broadcast %add3A_18 : i32 to vector<16xi32>
    %add3A_20 = arith.addi %sub3A_17, %add3A_19 : vector<16xi32>
    %mul3A_21 = arith.constant 240 : i32
    %mul3A_22 = vector.broadcast %mul3A_21 : i32 to vector<16xi32>
    %mul3A_23 = arith.muli %add3A_20, %mul3A_22 : vector<16xi32>
    %add3A_24 = arith.constant 224 : i32
    %add3A_25 = vector.broadcast %add3A_24 : i32 to vector<16xi32>
    %add3A_26 = arith.addi %mul3A_23, %add3A_25 : vector<16xi32>
    %add3A_27 = vector.broadcast %arg1 : i32 to vector<16xi32>
    %add3A_28 = arith.addi %add3A_26, %add3A_27 : vector<16xi32>
    %gather3A_29 = tpu.vector_load_idx %arg4[%add3A_28] : memref<3600xf32, #tpu.memory_space<vmem>>[vector<16xi32>], vector<16xf32>,
    %sub3A_30 = arith.constant 2 : i32
    %sub3A_31 = vector.broadcast %sub3A_30 : i32 to vector<16xi32>
    %sub3A_32 = arith.subi %sub3A_31, %and3A_1 : vector<16xi32>
    %add3A_33 = arith.constant 7 : i32
    %add3A_34 = vector.broadcast %add3A_33 : i32 to vector<16xi32>
    %add3A_35 = arith.addi %sub3A_32, %add3A_34 : vector<16xi32>
    %mul3A_36 = arith.constant 240 : i32
    %mul3A_37 = vector.broadcast %mul3A_36 : i32 to vector<16xi32>
    %mul3A_38 = arith.muli %add3A_35, %mul3A_37 : vector<16xi32>
    %add3A_39 = arith.constant 224 : i32
    %add3A_40 = vector.broadcast %add3A_39 : i32 to vector<16xi32>
    %add3A_41 = arith.addi %mul3A_38, %add3A_40 : vector<16xi32>
    %add3A_42 = vector.broadcast %arg1 : i32 to vector<16xi32>
    %add3A_43 = arith.addi %add3A_41, %add3A_42 : vector<16xi32>
    %gather3A_44 = tpu.vector_load_idx %arg4[%add3A_43] : memref<3600xf32, #tpu.memory_space<vmem>>[vector<16xi32>], vector<16xf32>,
    %sub3A_45 = arith.constant 3 : i32
    %sub3A_46 = vector.broadcast %sub3A_45 : i32 to vector<16xi32>
    %sub3A_47 = arith.subi %sub3A_46, %and3A_1 : vector<16xi32>
    %add3A_48 = arith.constant 7 : i32
    %add3A_49 = vector.broadcast %add3A_48 : i32 to vector<16xi32>
    %add3A_50 = arith.addi %sub3A_47, %add3A_49 : vector<16xi32>
    %mul3A_51 = arith.constant 240 : i32
    %mul3A_52 = vector.broadcast %mul3A_51 : i32 to vector<16xi32>
    %mul3A_53 = arith.muli %add3A_50, %mul3A_52 : vector<16xi32>
    %add3A_54 = arith.constant 224 : i32
    %add3A_55 = vector.broadcast %add3A_54 : i32 to vector<16xi32>
    %add3A_56 = arith.addi %mul3A_53, %add3A_55 : vector<16xi32>
    %add3A_57 = vector.broadcast %arg1 : i32 to vector<16xi32>
    %add3A_58 = arith.addi %add3A_56, %add3A_57 : vector<16xi32>
    %gather3A_59 = tpu.vector_load_idx %arg4[%add3A_58] : memref<3600xf32, #tpu.memory_space<vmem>>[vector<16xi32>], vector<16xf32>,
    %sub3A_60 = arith.constant 4 : i32
    %sub3A_61 = vector.broadcast %sub3A_60 : i32 to vector<16xi32>
    %sub3A_62 = arith.subi %sub3A_61, %and3A_1 : vector<16xi32>
    %add3A_63 = arith.constant 7 : i32
    %add3A_64 = vector.broadcast %add3A_63 : i32 to vector<16xi32>
    %add3A_65 = arith.addi %sub3A_62, %add3A_64 : vector<16xi32>
    %mul3A_66 = arith.constant 240 : i32
    %mul3A_67 = vector.broadcast %mul3A_66 : i32 to vector<16xi32>
    %mul3A_68 = arith.muli %add3A_65, %mul3A_67 : vector<16xi32>
    %add3A_69 = arith.constant 224 : i32
    %add3A_70 = vector.broadcast %add3A_69 : i32 to vector<16xi32>
    %add3A_71 = arith.addi %mul3A_68, %add3A_70 : vector<16xi32>
    %add3A_72 = vector.broadcast %arg1 : i32 to vector<16xi32>
    %add3A_73 = arith.addi %add3A_71, %add3A_72 : vector<16xi32>
    %gather3A_74 = tpu.vector_load_idx %arg4[%add3A_73] : memref<3600xf32, #tpu.memory_space<vmem>>[vector<16xi32>], vector<16xf32>,
    %sub3A_75 = arith.constant 5 : i32
    %sub3A_76 = vector.broadcast %sub3A_75 : i32 to vector<16xi32>
    %sub3A_77 = arith.subi %sub3A_76, %and3A_1 : vector<16xi32>
    %add3A_78 = arith.constant 7 : i32
    %add3A_79 = vector.broadcast %add3A_78 : i32 to vector<16xi32>
    %add3A_80 = arith.addi %sub3A_77, %add3A_79 : vector<16xi32>
    %mul3A_81 = arith.constant 240 : i32
    %mul3A_82 = vector.broadcast %mul3A_81 : i32 to vector<16xi32>
    %mul3A_83 = arith.muli %add3A_80, %mul3A_82 : vector<16xi32>
    %add3A_84 = arith.constant 224 : i32
    %add3A_85 = vector.broadcast %add3A_84 : i32 to vector<16xi32>
    %add3A_86 = arith.addi %mul3A_83, %add3A_85 : vector<16xi32>
    %add3A_87 = vector.broadcast %arg1 : i32 to vector<16xi32>
    %add3A_88 = arith.addi %add3A_86, %add3A_87 : vector<16xi32>
    %gather3A_89 = tpu.vector_load_idx %arg4[%add3A_88] : memref<3600xf32, #tpu.memory_space<vmem>>[vector<16xi32>], vector<16xf32>,
    %sub3A_90 = arith.constant 6 : i32
    %sub3A_91 = vector.broadcast %sub3A_90 : i32 to vector<16xi32>
    %sub3A_92 = arith.subi %sub3A_91, %and3A_1 : vector<16xi32>
    %add3A_93 = arith.constant 7 : i32
    %add3A_94 = vector.broadcast %add3A_93 : i32 to vector<16xi32>
    %add3A_95 = arith.addi %sub3A_92, %add3A_94 : vector<16xi32>
    %mul3A_96 = arith.constant 240 : i32
    %mul3A_97 = vector.broadcast %mul3A_96 : i32 to vector<16xi32>
    %mul3A_98 = arith.muli %add3A_95, %mul3A_97 : vector<16xi32>
    %add3A_99 = arith.constant 224 : i32
    %add3A_100 = vector.broadcast %add3A_99 : i32 to vector<16xi32>
    %add3A_101 = arith.addi %mul3A_98, %add3A_100 : vector<16xi32>
    %add3A_102 = vector.broadcast %arg1 : i32 to vector<16xi32>
    %add3A_103 = arith.addi %add3A_101, %add3A_102 : vector<16xi32>
    %gather3A_104 = tpu.vector_load_idx %arg4[%add3A_103] : memref<3600xf32, #tpu.memory_space<vmem>>[vector<16xi32>], vector<16xf32>,
    %sub3A_105 = arith.constant 7 : i32
    %sub3A_106 = vector.broadcast %sub3A_105 : i32 to vector<16xi32>
    %sub3A_107 = arith.subi %sub3A_106, %and3A_1 : vector<16xi32>
    %add3A_108 = arith.constant 7 : i32
    %add3A_109 = vector.broadcast %add3A_108 : i32 to vector<16xi32>
    %add3A_110 = arith.addi %sub3A_107, %add3A_109 : vector<16xi32>
    %mul3A_111 = arith.constant 240 : i32
    %mul3A_112 = vector.broadcast %mul3A_111 : i32 to vector<16xi32>
    %mul3A_113 = arith.muli %add3A_110, %mul3A_112 : vector<16xi32>
    %add3A_114 = arith.constant 224 : i32
    %add3A_115 = vector.broadcast %add3A_114 : i32 to vector<16xi32>
    %add3A_116 = arith.addi %mul3A_113, %add3A_115 : vector<16xi32>
    %add3A_117 = vector.broadcast %arg1 : i32 to vector<16xi32>
    %add3A_118 = arith.addi %add3A_116, %add3A_117 : vector<16xi32>
    %gather3A_119 = tpu.vector_load_idx %arg4[%add3A_118] : memref<3600xf32, #tpu.memory_space<vmem>>[vector<16xi32>], vector<16xf32>,
    %sub3A_120 = arith.constant 0 : i32
    %sub3A_121 = vector.broadcast %sub3A_120 : i32 to vector<16xi32>
    %sub3A_122 = arith.subi %sub3A_121, %and3A_1 : vector<16xi32>
    %add3A_123 = arith.constant 7 : i32
    %add3A_124 = vector.broadcast %add3A_123 : i32 to vector<16xi32>
    %add3A_125 = arith.addi %sub3A_122, %add3A_124 : vector<16xi32>
    %mul3A_126 = arith.constant 240 : i32
    %mul3A_127 = vector.broadcast %mul3A_126 : i32 to vector<16xi32>
    %mul3A_128 = arith.muli %add3A_125, %mul3A_127 : vector<16xi32>
    %add3A_129 = arith.constant 0 : i32
    %add3A_130 = vector.broadcast %add3A_129 : i32 to vector<16xi32>
    %add3A_131 = arith.addi %mul3A_128, %add3A_130 : vector<16xi32>
    %add3A_132 = vector.broadcast %arg1 : i32 to vector<16xi32>
    %add3A_133 = arith.addi %add3A_131, %add3A_132 : vector<16xi32>
    %gather3A_134 = tpu.vector_load_idx %arg4[%add3A_133] : memref<3600xf32, #tpu.memory_space<vmem>>[vector<16xi32>], vector<16xf32>,
    %sub3A_135 = arith.constant 1 : i32
    %sub3A_136 = vector.broadcast %sub3A_135 : i32 to vector<16xi32>
    %sub3A_137 = arith.subi %sub3A_136, %and3A_1 : vector<16xi32>
    %add3A_138 = arith.constant 7 : i32
    %add3A_139 = vector.broadcast %add3A_138 : i32 to vector<16xi32>
    %add3A_140 = arith.addi %sub3A_137, %add3A_139 : vector<16xi32>
    %mul3A_141 = arith.constant 240 : i32
    %mul3A_142 = vector.broadcast %mul3A_141 : i32 to vector<16xi32>
    %mul3A_143 = arith.muli %add3A_140, %mul3A_142 : vector<16xi32>
    %add3A_144 = arith.constant 0 : i32
    %add3A_145 = vector.broadcast %add3A_144 : i32 to vector<16xi32>
    %add3A_146 = arith.addi %mul3A_143, %add3A_145 : vector<16xi32>
    %add3A_147 = vector.broadcast %arg1 : i32 to vector<16xi32>
    %add3A_148 = arith.addi %add3A_146, %add3A_147 : vector<16xi32>
    %gather3A_149 = tpu.vector_load_idx %arg4[%add3A_148] : memref<3600xf32, #tpu.memory_space<vmem>>[vector<16xi32>], vector<16xf32>,
    %sub3A_150 = arith.constant 2 : i32
    %sub3A_151 = vector.broadcast %sub3A_150 : i32 to vector<16xi32>
    %sub3A_152 = arith.subi %sub3A_151, %and3A_1 : vector<16xi32>
    %add3A_153 = arith.constant 7 : i32
    %add3A_154 = vector.broadcast %add3A_153 : i32 to vector<16xi32>
    %add3A_155 = arith.addi %sub3A_152, %add3A_154 : vector<16xi32>
    %mul3A_156 = arith.constant 240 : i32
    %mul3A_157 = vector.broadcast %mul3A_156 : i32 to vector<16xi32>
    %mul3A_158 = arith.muli %add3A_155, %mul3A_157 : vector<16xi32>
    %add3A_159 = arith.constant 0 : i32
    %add3A_160 = vector.broadcast %add3A_159 : i32 to vector<16xi32>
    %add3A_161 = arith.addi %mul3A_158, %add3A_160 : vector<16xi32>
    %add3A_162 = vector.broadcast %arg1 : i32 to vector<16xi32>
    %add3A_163 = arith.addi %add3A_161, %add3A_162 : vector<16xi32>
    %gather3A_164 = tpu.vector_load_idx %arg4[%add3A_163] : memref<3600xf32, #tpu.memory_space<vmem>>[vector<16xi32>], vector<16xf32>,
    %sub3A_165 = arith.constant 3 : i32
    %sub3A_166 = vector.broadcast %sub3A_165 : i32 to vector<16xi32>
    %sub3A_167 = arith.subi %sub3A_166, %and3A_1 : vector<16xi32>
    %add3A_168 = arith.constant 7 : i32
    %add3A_169 = vector.broadcast %add3A_168 : i32 to vector<16xi32>
    %add3A_170 = arith.addi %sub3A_167, %add3A_169 : vector<16xi32>
    %mul3A_171 = arith.constant 240 : i32
    %mul3A_172 = vector.broadcast %mul3A_171 : i32 to vector<16xi32>
    %mul3A_173 = arith.muli %add3A_170, %mul3A_172 : vector<16xi32>
    %add3A_174 = arith.constant 0 : i32
    %add3A_175 = vector.broadcast %add3A_174 : i32 to vector<16xi32>
    %add3A_176 = arith.addi %mul3A_173, %add3A_175 : vector<16xi32>
    %add3A_177 = vector.broadcast %arg1 : i32 to vector<16xi32>
    %add3A_178 = arith.addi %add3A_176, %add3A_177 : vector<16xi32>
    %gather3A_179 = tpu.vector_load_idx %arg4[%add3A_178] : memref<3600xf32, #tpu.memory_space<vmem>>[vector<16xi32>], vector<16xf32>,
    %sub3A_180 = arith.constant 4 : i32
    %sub3A_181 = vector.broadcast %sub3A_180 : i32 to vector<16xi32>
    %sub3A_182 = arith.subi %sub3A_181, %and3A_1 : vector<16xi32>
    %add3A_183 = arith.constant 7 : i32
    %add3A_184 = vector.broadcast %add3A_183 : i32 to vector<16xi32>
    %add3A_185 = arith.addi %sub3A_182, %add3A_184 : vector<16xi32>
    %mul3A_186 = arith.constant 240 : i32
    %mul3A_187 = vector.broadcast %mul3A_186 : i32 to vector<16xi32>
    %mul3A_188 = arith.muli %add3A_185, %mul3A_187 : vector<16xi32>
    %add3A_189 = arith.constant 0 : i32
    %add3A_190 = vector.broadcast %add3A_189 : i32 to vector<16xi32>
    %add3A_191 = arith.addi %mul3A_188, %add3A_190 : vector<16xi32>
    %add3A_192 = vector.broadcast %arg1 : i32 to vector<16xi32>
    %add3A_193 = arith.addi %add3A_191, %add3A_192 : vector<16xi32>
    %gather3A_194 = tpu.vector_load_idx %arg4[%add3A_193] : memref<3600xf32, #tpu.memory_space<vmem>>[vector<16xi32>], vector<16xf32>,
    %sub3A_195 = arith.constant 5 : i32
    %sub3A_196 = vector.broadcast %sub3A_195 : i32 to vector<16xi32>
    %sub3A_197 = arith.subi %sub3A_196, %and3A_1 : vector<16xi32>
    %add3A_198 = arith.constant 7 : i32
    %add3A_199 = vector.broadcast %add3A_198 : i32 to vector<16xi32>
    %add3A_200 = arith.addi %sub3A_197, %add3A_199 : vector<16xi32>
    %mul3A_201 = arith.constant 240 : i32
    %mul3A_202 = vector.broadcast %mul3A_201 : i32 to vector<16xi32>
    %mul3A_203 = arith.muli %add3A_200, %mul3A_202 : vector<16xi32>
    %add3A_204 = arith.constant 0 : i32
    %add3A_205 = vector.broadcast %add3A_204 : i32 to vector<16xi32>
    %add3A_206 = arith.addi %mul3A_203, %add3A_205 : vector<16xi32>
    %add3A_207 = vector.broadcast %arg1 : i32 to vector<16xi32>
    %add3A_208 = arith.addi %add3A_206, %add3A_207 : vector<16xi32>
    %gather3A_209 = tpu.vector_load_idx %arg4[%add3A_208] : memref<3600xf32, #tpu.memory_space<vmem>>[vector<16xi32>], vector<16xf32>,
    %sub3A_210 = arith.constant 6 : i32
    %sub3A_211 = vector.broadcast %sub3A_210 : i32 to vector<16xi32>
    %sub3A_212 = arith.subi %sub3A_211, %and3A_1 : vector<16xi32>
    %add3A_213 = arith.constant 7 : i32
    %add3A_214 = vector.broadcast %add3A_213 : i32 to vector<16xi32>
    %add3A_215 = arith.addi %sub3A_212, %add3A_214 : vector<16xi32>
    %mul3A_216 = arith.constant 240 : i32
    %mul3A_217 = vector.broadcast %mul3A_216 : i32 to vector<16xi32>
    %mul3A_218 = arith.muli %add3A_215, %mul3A_217 : vector<16xi32>
    %add3A_219 = arith.constant 0 : i32
    %add3A_220 = vector.broadcast %add3A_219 : i32 to vector<16xi32>
    %add3A_221 = arith.addi %mul3A_218, %add3A_220 : vector<16xi32>
    %add3A_222 = vector.broadcast %arg1 : i32 to vector<16xi32>
    %add3A_223 = arith.addi %add3A_221, %add3A_222 : vector<16xi32>
    %gather3A_224 = tpu.vector_load_idx %arg4[%add3A_223] : memref<3600xf32, #tpu.memory_space<vmem>>[vector<16xi32>], vector<16xf32>,
    %sub3A_225 = arith.constant 7 : i32
    %sub3A_226 = vector.broadcast %sub3A_225 : i32 to vector<16xi32>
    %sub3A_227 = arith.subi %sub3A_226, %and3A_1 : vector<16xi32>
    %add3A_228 = arith.constant 7 : i32
    %add3A_229 = vector.broadcast %add3A_228 : i32 to vector<16xi32>
    %add3A_230 = arith.addi %sub3A_227, %add3A_229 : vector<16xi32>
    %mul3A_231 = arith.constant 240 : i32
    %mul3A_232 = vector.broadcast %mul3A_231 : i32 to vector<16xi32>
    %mul3A_233 = arith.muli %add3A_230, %mul3A_232 : vector<16xi32>
    %add3A_234 = arith.constant 0 : i32
    %add3A_235 = vector.broadcast %add3A_234 : i32 to vector<16xi32>
    %add3A_236 = arith.addi %mul3A_233, %add3A_235 : vector<16xi32>
    %add3A_237 = vector.broadcast %arg1 : i32 to vector<16xi32>
    %add3A_238 = arith.addi %add3A_236, %add3A_237 : vector<16xi32>
    %gather3A_239 = tpu.vector_load_idx %arg4[%add3A_238] : memref<3600xf32, #tpu.memory_space<vmem>>[vector<16xi32>], vector<16xf32>,
    %add3A_240 = arith.constant 0 : i32
    %add3A_241 = vector.broadcast %add3A_240 : i32 to vector<16xi32>
    %add3A_242 = arith.addi %add3A_241, %shift_right_arithmetic3A_3 : vector<16xi32>
    %sub3A_243 = arith.constant 14 : i32
    %sub3A_244 = vector.broadcast %sub3A_243 : i32 to vector<16xi32>
    %sub3A_245 = arith.subi %sub3A_244, %add3A_242 : vector<16xi32>
    %sub3A_246 = arith.constant 0 : i32
    %sub3A_247 = vector.broadcast %sub3A_246 : i32 to vector<16xi32>
    %sub3A_248 = arith.subi %sub3A_247, %and3A_1 : vector<16xi32>
    %add3A_249 = arith.constant 7 : i32
    %add3A_250 = vector.broadcast %add3A_249 : i32 to vector<16xi32>
    %add3A_251 = arith.addi %sub3A_248, %add3A_250 : vector<16xi32>
    %mul3A_252 = arith.constant 240 : i32
    %mul3A_253 = vector.broadcast %mul3A_252 : i32 to vector<16xi32>
    %mul3A_254 = arith.muli %add3A_251, %mul3A_253 : vector<16xi32>
    %mul3A_255 = arith.constant 16 : i32
    %mul3A_256 = vector.broadcast %mul3A_255 : i32 to vector<16xi32>
    %mul3A_257 = arith.muli %sub3A_245, %mul3A_256 : vector<16xi32>
    %add3A_258 = arith.addi %mul3A_254, %mul3A_257 : vector<16xi32>
    %add3A_259 = vector.broadcast %arg1 : i32 to vector<16xi32>
    %add3A_260 = arith.addi %add3A_258, %add3A_259 : vector<16xi32>
    %gather3A_261 = tpu.vector_load_idx %arg4[%add3A_260] : memref<3600xf32, #tpu.memory_space<vmem>>[vector<16xi32>], vector<16xf32>,
    %swap3A = arith.constant 0 : i32
    %swap3A_262 = arith.index_cast %swap3A : i32 to index
    %swap3A_263 = arith.constant 1992 : index
    %swap3A_264 = tpu.vector_load %arg5[%swap3A_262, %swap3A_263] {strides = array<i32>} : memref<16x4112xf32, #tpu.memory_space<vmem>>, vector<16xf32>,
    tpu.vector_store %arg5[%swap3A_262, %swap3A_263], %gather3A_261 {strides = array<i32>} : memref<16x4112xf32, #tpu.memory_space<vmem>>, vector<16xf32>,
    %swap3A_265 = arith.constant 8 : i32
    %swap3A_266 = arith.index_cast %swap3A_265 : i32 to index
    %swap3A_267 = arith.constant 2000 : index
    %swap3A_268 = tpu.vector_load %arg5[%swap3A_266, %swap3A_267] {strides = array<i32>} : memref<16x4112xf32, #tpu.memory_space<vmem>>, vector<16xf32>,
    tpu.vector_store %arg5[%swap3A_266, %swap3A_267], %gather3A_261 {strides = array<i32>} : memref<16x4112xf32, #tpu.memory_space<vmem>>, vector<16xf32>,
    %add3A_269 = arith.constant 2 : i32
    %add3A_270 = vector.broadcast %add3A_269 : i32 to vector<16xi32>
    %add3A_271 = arith.addi %add3A_270, %shift_right_arithmetic3A_3 : vector<16xi32>
    %sub3A_272 = arith.constant 14 : i32
    %sub3A_273 = vector.broadcast %sub3A_272 : i32 to vector<16xi32>
    %sub3A_274 = arith.subi %sub3A_273, %add3A_271 : vector<16xi32>
    %sub3A_275 = arith.constant 0 : i32
    %sub3A_276 = vector.broadcast %sub3A_275 : i32 to vector<16xi32>
    %sub3A_277 = arith.subi %sub3A_276, %and3A_1 : vector<16xi32>
    %add3A_278 = arith.constant 7 : i32
    %add3A_279 = vector.broadcast %add3A_278 : i32 to vector<16xi32>
    %add3A_280 = arith.addi %sub3A_277, %add3A_279 : vector<16xi32>
    %mul3A_281 = arith.constant 240 : i32
    %mul3A_282 = vector.broadcast %mul3A_281 : i32 to vector<16xi32>
    %mul3A_283 = arith.muli %add3A_280, %mul3A_282 : vector<16xi32>
    %mul3A_284 = arith.constant 16 : i32
    %mul3A_285 = vector.broadcast %mul3A_284 : i32 to vector<16xi32>
    %mul3A_286 = arith.muli %sub3A_274, %mul3A_285 : vector<16xi32>
    %add3A_287 = arith.addi %mul3A_283, %mul3A_286 : vector<16xi32>
    %add3A_288 = vector.broadcast %arg1 : i32 to vector<16xi32>
    %add3A_289 = arith.addi %add3A_287, %add3A_288 : vector<16xi32>
    %gather3A_290 = tpu.vector_load_idx %arg4[%add3A_289] : memref<3600xf32, #tpu.memory_space<vmem>>[vector<16xi32>], vector<16xf32>,
    %swap3A_291 = arith.constant 0 : i32
    %swap3A_292 = arith.index_cast %swap3A_291 : i32 to index
    %swap3A_293 = arith.constant 2008 : index
    %swap3A_294 = tpu.vector_load %arg5[%swap3A_292, %swap3A_293] {strides = array<i32>} : memref<16x4112xf32, #tpu.memory_space<vmem>>, vector<16xf32>,
    tpu.vector_store %arg5[%swap3A_292, %swap3A_293], %gather3A_290 {strides = array<i32>} : memref<16x4112xf32, #tpu.memory_space<vmem>>, vector<16xf32>,
    %swap3A_295 = arith.constant 8 : i32
    %swap3A_296 = arith.index_cast %swap3A_295 : i32 to index
    %swap3A_297 = arith.constant 2016 : index
    %swap3A_298 = tpu.vector_load %arg5[%swap3A_296, %swap3A_297] {strides = array<i32>} : memref<16x4112xf32, #tpu.memory_space<vmem>>, vector<16xf32>,
    tpu.vector_store %arg5[%swap3A_296, %swap3A_297], %gather3A_290 {strides = array<i32>} : memref<16x4112xf32, #tpu.memory_space<vmem>>, vector<16xf32>,
    %add3A_299 = arith.constant 4 : i32
    %add3A_300 = vector.broadcast %add3A_299 : i32 to vector<16xi32>
    %add3A_301 = arith.addi %add3A_300, %shift_right_arithmetic3A_3 : vector<16xi32>
    %sub3A_302 = arith.constant 14 : i32
    %sub3A_303 = vector.broadcast %sub3A_302 : i32 to vector<16xi32>
    %sub3A_304 = arith.subi %sub3A_303, %add3A_301 : vector<16xi32>
    %sub3A_305 = arith.constant 0 : i32
    %sub3A_306 = vector.broadcast %sub3A_305 : i32 to vector<16xi32>
    %sub3A_307 = arith.subi %sub3A_306, %and3A_1 : vector<16xi32>
    %add3A_308 = arith.constant 7 : i32
    %add3A_309 = vector.broadcast %add3A_308 : i32 to vector<16xi32>
    %add3A_310 = arith.addi %sub3A_307, %add3A_309 : vector<16xi32>
    %mul3A_311 = arith.constant 240 : i32
    %mul3A_312 = vector.broadcast %mul3A_311 : i32 to vector<16xi32>
    %mul3A_313 = arith.muli %add3A_310, %mul3A_312 : vector<16xi32>
    %mul3A_314 = arith.constant 16 : i32
    %mul3A_315 = vector.broadcast %mul3A_314 : i32 to vector<16xi32>
    %mul3A_316 = arith.muli %sub3A_304, %mul3A_315 : vector<16xi32>
    %add3A_317 = arith.addi %mul3A_313, %mul3A_316 : vector<16xi32>
    %add3A_318 = vector.broadcast %arg1 : i32 to vector<16xi32>
    %add3A_319 = arith.addi %add3A_317, %add3A_318 : vector<16xi32>
    %gather3A_320 = tpu.vector_load_idx %arg4[%add3A_319] : memref<3600xf32, #tpu.memory_space<vmem>>[vector<16xi32>], vector<16xf32>,
    %swap3A_321 = arith.constant 0 : i32
    %swap3A_322 = arith.index_cast %swap3A_321 : i32 to index
    %swap3A_323 = arith.constant 2024 : index
    %swap3A_324 = tpu.vector_load %arg5[%swap3A_322, %swap3A_323] {strides = array<i32>} : memref<16x4112xf32, #tpu.memory_space<vmem>>, vector<16xf32>,
    tpu.vector_store %arg5[%swap3A_322, %swap3A_323], %gather3A_320 {strides = array<i32>} : memref<16x4112xf32, #tpu.memory_space<vmem>>, vector<16xf32>,
    %swap3A_325 = arith.constant 8 : i32
    %swap3A_326 = arith.index_cast %swap3A_325 : i32 to index
    %swap3A_327 = arith.constant 2032 : index
    %swap3A_328 = tpu.vector_load %arg5[%swap3A_326, %swap3A_327] {strides = array<i32>} : memref<16x4112xf32, #tpu.memory_space<vmem>>, vector<16xf32>,
    tpu.vector_store %arg5[%swap3A_326, %swap3A_327], %gather3A_320 {strides = array<i32>} : memref<16x4112xf32, #tpu.memory_space<vmem>>, vector<16xf32>,
    %add3A_329 = arith.constant 6 : i32
    %add3A_330 = vector.broadcast %add3A_329 : i32 to vector<16xi32>
    %add3A_331 = arith.addi %add3A_330, %shift_right_arithmetic3A_3 : vector<16xi32>
    %sub3A_332 = arith.constant 14 : i32
    %sub3A_333 = vector.broadcast %sub3A_332 : i32 to vector<16xi32>
    %sub3A_334 = arith.subi %sub3A_333, %add3A_331 : vector<16xi32>
    %sub3A_335 = arith.constant 0 : i32
    %sub3A_336 = vector.broadcast %sub3A_335 : i32 to vector<16xi32>
    %sub3A_337 = arith.subi %sub3A_336, %and3A_1 : vector<16xi32>
    %add3A_338 = arith.constant 7 : i32
    %add3A_339 = vector.broadcast %add3A_338 : i32 to vector<16xi32>
    %add3A_340 = arith.addi %sub3A_337, %add3A_339 : vector<16xi32>
    %mul3A_341 = arith.constant 240 : i32
    %mul3A_342 = vector.broadcast %mul3A_341 : i32 to vector<16xi32>
    %mul3A_343 = arith.muli %add3A_340, %mul3A_342 : vector<16xi32>
    %mul3A_344 = arith.constant 16 : i32
    %mul3A_345 = vector.broadcast %mul3A_344 : i32 to vector<16xi32>
    %mul3A_346 = arith.muli %sub3A_334, %mul3A_345 : vector<16xi32>
    %add3A_347 = arith.addi %mul3A_343, %mul3A_346 : vector<16xi32>
    %add3A_348 = vector.broadcast %arg1 : i32 to vector<16xi32>
    %add3A_349 = arith.addi %add3A_347, %add3A_348 : vector<16xi32>
    %gather3A_350 = tpu.vector_load_idx %arg4[%add3A_349] : memref<3600xf32, #tpu.memory_space<vmem>>[vector<16xi32>], vector<16xf32>,
    %swap3A_351 = arith.constant 0 : i32
    %swap3A_352 = arith.index_cast %swap3A_351 : i32 to index
    %swap3A_353 = arith.constant 2040 : index
    %swap3A_354 = tpu.vector_load %arg5[%swap3A_352, %swap3A_353] {strides = array<i32>} : memref<16x4112xf32, #tpu.memory_space<vmem>>, vector<16xf32>,
    tpu.vector_store %arg5[%swap3A_352, %swap3A_353], %gather3A_350 {strides = array<i32>} : memref<16x4112xf32, #tpu.memory_space<vmem>>, vector<16xf32>,
    %swap3A_355 = arith.constant 8 : i32
    %swap3A_356 = arith.index_cast %swap3A_355 : i32 to index
    %swap3A_357 = arith.constant 2048 : index
    %swap3A_358 = tpu.vector_load %arg5[%swap3A_356, %swap3A_357] {strides = array<i32>} : memref<16x4112xf32, #tpu.memory_space<vmem>>, vector<16xf32>,
    tpu.vector_store %arg5[%swap3A_356, %swap3A_357], %gather3A_350 {strides = array<i32>} : memref<16x4112xf32, #tpu.memory_space<vmem>>, vector<16xf32>,
    %add3A_359 = arith.constant 8 : i32
    %add3A_360 = vector.broadcast %add3A_359 : i32 to vector<16xi32>
    %add3A_361 = arith.addi %add3A_360, %shift_right_arithmetic3A_3 : vector<16xi32>
    %sub3A_362 = arith.constant 14 : i32
    %sub3A_363 = vector.broadcast %sub3A_362 : i32 to vector<16xi32>
    %sub3A_364 = arith.subi %sub3A_363, %add3A_361 : vector<16xi32>
    %sub3A_365 = arith.constant 0 : i32
    %sub3A_366 = vector.broadcast %sub3A_365 : i32 to vector<16xi32>
    %sub3A_367 = arith.subi %sub3A_366, %and3A_1 : vector<16xi32>
    %add3A_368 = arith.constant 7 : i32
    %add3A_369 = vector.broadcast %add3A_368 : i32 to vector<16xi32>
    %add3A_370 = arith.addi %sub3A_367, %add3A_369 : vector<16xi32>
    %mul3A_371 = arith.constant 240 : i32
    %mul3A_372 = vector.broadcast %mul3A_371 : i32 to vector<16xi32>
    %mul3A_373 = arith.muli %add3A_370, %mul3A_372 : vector<16xi32>
    %mul3A_374 = arith.constant 16 : i32
    %mul3A_375 = vector.broadcast %mul3A_374 : i32 to vector<16xi32>
    %mul3A_376 = arith.muli %sub3A_364, %mul3A_375 : vector<16xi32>
    %add3A_377 = arith.addi %mul3A_373, %mul3A_376 : vector<16xi32>
    %add3A_378 = vector.broadcast %arg1 : i32 to vector<16xi32>
    %add3A_379 = arith.addi %add3A_377, %add3A_378 : vector<16xi32>
    %gather3A_380 = tpu.vector_load_idx %arg4[%add3A_379] : memref<3600xf32, #tpu.memory_space<vmem>>[vector<16xi32>], vector<16xf32>,
    %swap3A_381 = arith.constant 0 : i32
    %swap3A_382 = arith.index_cast %swap3A_381 : i32 to index
    %swap3A_383 = arith.constant 2056 : index
    %swap3A_384 = tpu.vector_load %arg5[%swap3A_382, %swap3A_383] {strides = array<i32>} : memref<16x4112xf32, #tpu.memory_space<vmem>>, vector<16xf32>,
    tpu.vector_store %arg5[%swap3A_382, %swap3A_383], %gather3A_380 {strides = array<i32>} : memref<16x4112xf32, #tpu.memory_space<vmem>>, vector<16xf32>,
    %swap3A_385 = arith.constant 8 : i32
    %swap3A_386 = arith.index_cast %swap3A_385 : i32 to index
    %swap3A_387 = arith.constant 2064 : index
    %swap3A_388 = tpu.vector_load %arg5[%swap3A_386, %swap3A_387] {strides = array<i32>} : memref<16x4112xf32, #tpu.memory_space<vmem>>, vector<16xf32>,
    tpu.vector_store %arg5[%swap3A_386, %swap3A_387], %gather3A_380 {strides = array<i32>} : memref<16x4112xf32, #tpu.memory_space<vmem>>, vector<16xf32>,
    %add3A_389 = arith.constant 10 : i32
    %add3A_390 = vector.broadcast %add3A_389 : i32 to vector<16xi32>
    %add3A_391 = arith.addi %add3A_390, %shift_right_arithmetic3A_3 : vector<16xi32>
    %sub3A_392 = arith.constant 14 : i32
    %sub3A_393 = vector.broadcast %sub3A_392 : i32 to vector<16xi32>
    %sub3A_394 = arith.subi %sub3A_393, %add3A_391 : vector<16xi32>
    %sub3A_395 = arith.constant 0 : i32
    %sub3A_396 = vector.broadcast %sub3A_395 : i32 to vector<16xi32>
    %sub3A_397 = arith.subi %sub3A_396, %and3A_1 : vector<16xi32>
    %add3A_398 = arith.constant 7 : i32
    %add3A_399 = vector.broadcast %add3A_398 : i32 to vector<16xi32>
    %add3A_400 = arith.addi %sub3A_397, %add3A_399 : vector<16xi32>
    %mul3A_401 = arith.constant 240 : i32
    %mul3A_402 = vector.broadcast %mul3A_401 : i32 to vector<16xi32>
    %mul3A_403 = arith.muli %add3A_400, %mul3A_402 : vector<16xi32>
    %mul3A_404 = arith.constant 16 : i32
    %mul3A_405 = vector.broadcast %mul3A_404 : i32 to vector<16xi32>
    %mul3A_406 = arith.muli %sub3A_394, %mul3A_405 : vector<16xi32>
    %add3A_407 = arith.addi %mul3A_403, %mul3A_406 : vector<16xi32>
    %add3A_408 = vector.broadcast %arg1 : i32 to vector<16xi32>
    %add3A_409 = arith.addi %add3A_407, %add3A_408 : vector<16xi32>
    %gather3A_410 = tpu.vector_load_idx %arg4[%add3A_409] : memref<3600xf32, #tpu.memory_space<vmem>>[vector<16xi32>], vector<16xf32>,
    %swap3A_411 = arith.constant 0 : i32
    %swap3A_412 = arith.index_cast %swap3A_411 : i32 to index
    %swap3A_413 = arith.constant 2072 : index
    %swap3A_414 = tpu.vector_load %arg5[%swap3A_412, %swap3A_413] {strides = array<i32>} : memref<16x4112xf32, #tpu.memory_space<vmem>>, vector<16xf32>,
    tpu.vector_store %arg5[%swap3A_412, %swap3A_413], %gather3A_410 {strides = array<i32>} : memref<16x4112xf32, #tpu.memory_space<vmem>>, vector<16xf32>,
    %swap3A_415 = arith.constant 8 : i32
    %swap3A_416 = arith.index_cast %swap3A_415 : i32 to index
    %swap3A_417 = arith.constant 2080 : index
    %swap3A_418 = tpu.vector_load %arg5[%swap3A_416, %swap3A_417] {strides = array<i32>} : memref<16x4112xf32, #tpu.memory_space<vmem>>, vector<16xf32>,
    tpu.vector_store %arg5[%swap3A_416, %swap3A_417], %gather3A_410 {strides = array<i32>} : memref<16x4112xf32, #tpu.memory_space<vmem>>, vector<16xf32>,
    %add3A_419 = arith.constant 12 : i32
    %add3A_420 = vector.broadcast %add3A_419 : i32 to vector<16xi32>
    %add3A_421 = arith.addi %add3A_420, %shift_right_arithmetic3A_3 : vector<16xi32>
    %sub3A_422 = arith.constant 14 : i32
    %sub3A_423 = vector.broadcast %sub3A_422 : i32 to vector<16xi32>
    %sub3A_424 = arith.subi %sub3A_423, %add3A_421 : vector<16xi32>
    %sub3A_425 = arith.constant 0 : i32
    %sub3A_426 = vector.broadcast %sub3A_425 : i32 to vector<16xi32>
    %sub3A_427 = arith.subi %sub3A_426, %and3A_1 : vector<16xi32>
    %add3A_428 = arith.constant 7 : i32
    %add3A_429 = vector.broadcast %add3A_428 : i32 to vector<16xi32>
    %add3A_430 = arith.addi %sub3A_427, %add3A_429 : vector<16xi32>
    %mul3A_431 = arith.constant 240 : i32
    %mul3A_432 = vector.broadcast %mul3A_431 : i32 to vector<16xi32>
    %mul3A_433 = arith.muli %add3A_430, %mul3A_432 : vector<16xi32>
    %mul3A_434 = arith.constant 16 : i32
    %mul3A_435 = vector.broadcast %mul3A_434 : i32 to vector<16xi32>
    %mul3A_436 = arith.muli %sub3A_424, %mul3A_435 : vector<16xi32>
    %add3A_437 = arith.addi %mul3A_433, %mul3A_436 : vector<16xi32>
    %add3A_438 = vector.broadcast %arg1 : i32 to vector<16xi32>
    %add3A_439 = arith.addi %add3A_437, %add3A_438 : vector<16xi32>
    %gather3A_440 = tpu.vector_load_idx %arg4[%add3A_439] : memref<3600xf32, #tpu.memory_space<vmem>>[vector<16xi32>], vector<16xf32>,
    %swap3A_441 = arith.constant 0 : i32
    %swap3A_442 = arith.index_cast %swap3A_441 : i32 to index
    %swap3A_443 = arith.constant 2088 : index
    %swap3A_444 = tpu.vector_load %arg5[%swap3A_442, %swap3A_443] {strides = array<i32>} : memref<16x4112xf32, #tpu.memory_space<vmem>>, vector<16xf32>,
    tpu.vector_store %arg5[%swap3A_442, %swap3A_443], %gather3A_440 {strides = array<i32>} : memref<16x4112xf32, #tpu.memory_space<vmem>>, vector<16xf32>,
    %swap3A_445 = arith.constant 8 : i32
    %swap3A_446 = arith.index_cast %swap3A_445 : i32 to index
    %swap3A_447 = arith.constant 2096 : index
    %swap3A_448 = tpu.vector_load %arg5[%swap3A_446, %swap3A_447] {strides = array<i32>} : memref<16x4112xf32, #tpu.memory_space<vmem>>, vector<16xf32>,
    tpu.vector_store %arg5[%swap3A_446, %swap3A_447], %gather3A_440 {strides = array<i32>} : memref<16x4112xf32, #tpu.memory_space<vmem>>, vector<16xf32>,
    %add3A_449 = arith.constant 0 : i32
    %add3A_450 = vector.broadcast %add3A_449 : i32 to vector<16xi32>
    %add3A_451 = arith.addi %add3A_450, %shift_right_arithmetic3A_3 : vector<16xi32>
    %sub3A_452 = arith.constant 14 : i32
    %sub3A_453 = vector.broadcast %sub3A_452 : i32 to vector<16xi32>
    %sub3A_454 = arith.subi %sub3A_453, %add3A_451 : vector<16xi32>
    %sub3A_455 = arith.constant 1 : i32
    %sub3A_456 = vector.broadcast %sub3A_455 : i32 to vector<16xi32>
    %sub3A_457 = arith.subi %sub3A_456, %and3A_1 : vector<16xi32>
    %add3A_458 = arith.constant 7 : i32
    %add3A_459 = vector.broadcast %add3A_458 : i32 to vector<16xi32>
    %add3A_460 = arith.addi %sub3A_457, %add3A_459 : vector<16xi32>
    %mul3A_461 = arith.constant 240 : i32
    %mul3A_462 = vector.broadcast %mul3A_461 : i32 to vector<16xi32>
    %mul3A_463 = arith.muli %add3A_460, %mul3A_462 : vector<16xi32>
    %mul3A_464 = arith.constant 16 : i32
    %mul3A_465 = vector.broadcast %mul3A_464 : i32 to vector<16xi32>
    %mul3A_466 = arith.muli %sub3A_454, %mul3A_465 : vector<16xi32>
    %add3A_467 = arith.addi %mul3A_463, %mul3A_466 : vector<16xi32>
    %add3A_468 = vector.broadcast %arg1 : i32 to vector<16xi32>
    %add3A_469 = arith.addi %add3A_467, %add3A_468 : vector<16xi32>
    %gather3A_470 = tpu.vector_load_idx %arg4[%add3A_469] : memref<3600xf32, #tpu.memory_space<vmem>>[vector<16xi32>], vector<16xf32>,
    %swap3A_471 = arith.constant 1 : i32
    %swap3A_472 = arith.index_cast %swap3A_471 : i32 to index
    %swap3A_473 = arith.constant 1992 : index
    %swap3A_474 = tpu.vector_load %arg5[%swap3A_472, %swap3A_473] {strides = array<i32>} : memref<16x4112xf32, #tpu.memory_space<vmem>>, vector<16xf32>,
    tpu.vector_store %arg5[%swap3A_472, %swap3A_473], %gather3A_470 {strides = array<i32>} : memref<16x4112xf32, #tpu.memory_space<vmem>>, vector<16xf32>,
    %swap3A_475 = arith.constant 9 : i32
    %swap3A_476 = arith.index_cast %swap3A_475 : i32 to index
    %swap3A_477 = arith.constant 2000 : index
    %swap3A_478 = tpu.vector_load %arg5[%swap3A_476, %swap3A_477] {strides = array<i32>} : memref<16x4112xf32, #tpu.memory_space<vmem>>, vector<16xf32>,
    tpu.vector_store %arg5[%swap3A_476, %swap3A_477], %gather3A_470 {strides = array<i32>} : memref<16x4112xf32, #tpu.memory_space<vmem>>, vector<16xf32>,
    %add3A_479 = arith.constant 2 : i32
    %add3A_480 = vector.broadcast %add3A_479 : i32 to vector<16xi32>
    %add3A_481 = arith.addi %add3A_480, %shift_right_arithmetic3A_3 : vector<16xi32>
    %sub3A_482 = arith.constant 14 : i32
    %sub3A_483 = vector.broadcast %sub3A_482 : i32 to vector<16xi32>
    %sub3A_484 = arith.subi %sub3A_483, %add3A_481 : vector<16xi32>
    %sub3A_485 = arith.constant 1 : i32
    %sub3A_486 = vector.broadcast %sub3A_485 : i32 to vector<16xi32>
    %sub3A_487 = arith.subi %sub3A_486, %and3A_1 : vector<16xi32>
    %add3A_488 = arith.constant 7 : i32
    %add3A_489 = vector.broadcast %add3A_488 : i32 to vector<16xi32>
    %add3A_490 = arith.addi %sub3A_487, %add3A_489 : vector<16xi32>
    %mul3A_491 = arith.constant 240 : i32
    %mul3A_492 = vector.broadcast %mul3A_491 : i32 to vector<16xi32>
    %mul3A_493 = arith.muli %add3A_490, %mul3A_492 : vector<16xi32>
    %mul3A_494 = arith.constant 16 : i32
    %mul3A_495 = vector.broadcast %mul3A_494 : i32 to vector<16xi32>
    %mul3A_496 = arith.muli %sub3A_484, %mul3A_495 : vector<16xi32>
    %add3A_497 = arith.addi %mul3A_493, %mul3A_496 : vector<16xi32>
    %add3A_498 = vector.broadcast %arg1 : i32 to vector<16xi32>
    %add3A_499 = arith.addi %add3A_497, %add3A_498 : vector<16xi32>
    %gather3A_500 = tpu.vector_load_idx %arg4[%add3A_499] : memref<3600xf32, #tpu.memory_space<vmem>>[vector<16xi32>], vector<16xf32>,
    %swap3A_501 = arith.constant 1 : i32
    %swap3A_502 = arith.index_cast %swap3A_501 : i32 to index
    %swap3A_503 = arith.constant 2008 : index
    %swap3A_504 = tpu.vector_load %arg5[%swap3A_502, %swap3A_503] {strides = array<i32>} : memref<16x4112xf32, #tpu.memory_space<vmem>>, vector<16xf32>,
    tpu.vector_store %arg5[%swap3A_502, %swap3A_503], %gather3A_500 {strides = array<i32>} : memref<16x4112xf32, #tpu.memory_space<vmem>>, vector<16xf32>,
    %swap3A_505 = arith.constant 9 : i32
    %swap3A_506 = arith.index_cast %swap3A_505 : i32 to index
    %swap3A_507 = arith.constant 2016 : index
    %swap3A_508 = tpu.vector_load %arg5[%swap3A_506, %swap3A_507] {strides = array<i32>} : memref<16x4112xf32, #tpu.memory_space<vmem>>, vector<16xf32>,
    tpu.vector_store %arg5[%swap3A_506, %swap3A_507], %gather3A_500 {strides = array<i32>} : memref<16x4112xf32, #tpu.memory_space<vmem>>, vector<16xf32>,
    %add3A_509 = arith.constant 4 : i32
    %add3A_510 = vector.broadcast %add3A_509 : i32 to vector<16xi32>
    %add3A_511 = arith.addi %add3A_510, %shift_right_arithmetic3A_3 : vector<16xi32>
    %sub3A_512 = arith.constant 14 : i32
    %sub3A_513 = vector.broadcast %sub3A_512 : i32 to vector<16xi32>
    %sub3A_514 = arith.subi %sub3A_513, %add3A_511 : vector<16xi32>
    %sub3A_515 = arith.constant 1 : i32
    %sub3A_516 = vector.broadcast %sub3A_515 : i32 to vector<16xi32>
    %sub3A_517 = arith.subi %sub3A_516, %and3A_1 : vector<16xi32>
    %add3A_518 = arith.constant 7 : i32
    %add3A_519 = vector.broadcast %add3A_518 : i32 to vector<16xi32>
    %add3A_520 = arith.addi %sub3A_517, %add3A_519 : vector<16xi32>
    %mul3A_521 = arith.constant 240 : i32
    %mul3A_522 = vector.broadcast %mul3A_521 : i32 to vector<16xi32>
    %mul3A_523 = arith.muli %add3A_520, %mul3A_522 : vector<16xi32>
    %mul3A_524 = arith.constant 16 : i32
    %mul3A_525 = vector.broadcast %mul3A_524 : i32 to vector<16xi32>
    %mul3A_526 = arith.muli %sub3A_514, %mul3A_525 : vector<16xi32>
    %add3A_527 = arith.addi %mul3A_523, %mul3A_526 : vector<16xi32>
    %add3A_528 = vector.broadcast %arg1 : i32 to vector<16xi32>
    %add3A_529 = arith.addi %add3A_527, %add3A_528 : vector<16xi32>
    %gather3A_530 = tpu.vector_load_idx %arg4[%add3A_529] : memref<3600xf32, #tpu.memory_space<vmem>>[vector<16xi32>], vector<16xf32>,
    %swap3A_531 = arith.constant 1 : i32
    %swap3A_532 = arith.index_cast %swap3A_531 : i32 to index
    %swap3A_533 = arith.constant 2024 : index
    %swap3A_534 = tpu.vector_load %arg5[%swap3A_532, %swap3A_533] {strides = array<i32>} : memref<16x4112xf32, #tpu.memory_space<vmem>>, vector<16xf32>,
    tpu.vector_store %arg5[%swap3A_532, %swap3A_533], %gather3A_530 {strides = array<i32>} : memref<16x4112xf32, #tpu.memory_space<vmem>>, vector<16xf32>,
    %swap3A_535 = arith.constant 9 : i32
    %swap3A_536 = arith.index_cast %swap3A_535 : i32 to index
    %swap3A_537 = arith.constant 2032 : index
    %swap3A_538 = tpu.vector_load %arg5[%swap3A_536, %swap3A_537] {strides = array<i32>} : memref<16x4112xf32, #tpu.memory_space<vmem>>, vector<16xf32>,
    tpu.vector_store %arg5[%swap3A_536, %swap3A_537], %gather3A_530 {strides = array<i32>} : memref<16x4112xf32, #tpu.memory_space<vmem>>, vector<16xf32>,
    %add3A_539 = arith.constant 6 : i32
    %add3A_540 = vector.broadcast %add3A_539 : i32 to vector<16xi32>
    %add3A_541 = arith.addi %add3A_540, %shift_right_arithmetic3A_3 : vector<16xi32>
    %sub3A_542 = arith.constant 14 : i32
    %sub3A_543 = vector.broadcast %sub3A_542 : i32 to vector<16xi32>
    %sub3A_544 = arith.subi %sub3A_543, %add3A_541 : vector<16xi32>
    %sub3A_545 = arith.constant 1 : i32
    %sub3A_546 = vector.broadcast %sub3A_545 : i32 to vector<16xi32>
    %sub3A_547 = arith.subi %sub3A_546, %and3A_1 : vector<16xi32>
    %add3A_548 = arith.constant 7 : i32
    %add3A_549 = vector.broadcast %add3A_548 : i32 to vector<16xi32>
    %add3A_550 = arith.addi %sub3A_547, %add3A_549 : vector<16xi32>
    %mul3A_551 = arith.constant 240 : i32
    %mul3A_552 = vector.broadcast %mul3A_551 : i32 to vector<16xi32>
    %mul3A_553 = arith.muli %add3A_550, %mul3A_552 : vector<16xi32>
    %mul3A_554 = arith.constant 16 : i32
    %mul3A_555 = vector.broadcast %mul3A_554 : i32 to vector<16xi32>
    %mul3A_556 = arith.muli %sub3A_544, %mul3A_555 : vector<16xi32>
    %add3A_557 = arith.addi %mul3A_553, %mul3A_556 : vector<16xi32>
    %add3A_558 = vector.broadcast %arg1 : i32 to vector<16xi32>
    %add3A_559 = arith.addi %add3A_557, %add3A_558 : vector<16xi32>
    %gather3A_560 = tpu.vector_load_idx %arg4[%add3A_559] : memref<3600xf32, #tpu.memory_space<vmem>>[vector<16xi32>], vector<16xf32>,
    %swap3A_561 = arith.constant 1 : i32
    %swap3A_562 = arith.index_cast %swap3A_561 : i32 to index
    %swap3A_563 = arith.constant 2040 : index
    %swap3A_564 = tpu.vector_load %arg5[%swap3A_562, %swap3A_563] {strides = array<i32>} : memref<16x4112xf32, #tpu.memory_space<vmem>>, vector<16xf32>,
    tpu.vector_store %arg5[%swap3A_562, %swap3A_563], %gather3A_560 {strides = array<i32>} : memref<16x4112xf32, #tpu.memory_space<vmem>>, vector<16xf32>,
    %swap3A_565 = arith.constant 9 : i32
    %swap3A_566 = arith.index_cast %swap3A_565 : i32 to index
    %swap3A_567 = arith.constant 2048 : index
    %swap3A_568 = tpu.vector_load %arg5[%swap3A_566, %swap3A_567] {strides = array<i32>} : memref<16x4112xf32, #tpu.memory_space<vmem>>, vector<16xf32>,
    tpu.vector_store %arg5[%swap3A_566, %swap3A_567], %gather3A_560 {strides = array<i32>} : memref<16x4112xf32, #tpu.memory_space<vmem>>, vector<16xf32>,
    %add3A_569 = arith.constant 8 : i32
    %add3A_570 = vector.broadcast %add3A_569 : i32 to vector<16xi32>
    %add3A_571 = arith.addi %add3A_570, %shift_right_arithmetic3A_3 : vector<16xi32>
    %sub3A_572 = arith.constant 14 : i32
    %sub3A_573 = vector.broadcast %sub3A_572 : i32 to vector<16xi32>
    %sub3A_574 = arith.subi %sub3A_573, %add3A_571 : vector<16xi32>
    %sub3A_575 = arith.constant 1 : i32
    %sub3A_576 = vector.broadcast %sub3A_575 : i32 to vector<16xi32>
    %sub3A_577 = arith.subi %sub3A_576, %and3A_1 : vector<16xi32>
    %add3A_578 = arith.constant 7 : i32
    %add3A_579 = vector.broadcast %add3A_578 : i32 to vector<16xi32>
    %add3A_580 = arith.addi %sub3A_577, %add3A_579 : vector<16xi32>
    %mul3A_581 = arith.constant 240 : i32
    %mul3A_582 = vector.broadcast %mul3A_581 : i32 to vector<16xi32>
    %mul3A_583 = arith.muli %add3A_580, %mul3A_582 : vector<16xi32>
    %mul3A_584 = arith.constant 16 : i32
    %mul3A_585 = vector.broadcast %mul3A_584 : i32 to vector<16xi32>
    %mul3A_586 = arith.muli %sub3A_574, %mul3A_585 : vector<16xi32>
    %add3A_587 = arith.addi %mul3A_583, %mul3A_586 : vector<16xi32>
    %add3A_588 = vector.broadcast %arg1 : i32 to vector<16xi32>
    %add3A_589 = arith.addi %add3A_587, %add3A_588 : vector<16xi32>
    %gather3A_590 = tpu.vector_load_idx %arg4[%add3A_589] : memref<3600xf32, #tpu.memory_space<vmem>>[vector<16xi32>], vector<16xf32>,
    %swap3A_591 = arith.constant 1 : i32
    %swap3A_592 = arith.index_cast %swap3A_591 : i32 to index
    %swap3A_593 = arith.constant 2056 : index
    %swap3A_594 = tpu.vector_load %arg5[%swap3A_592, %swap3A_593] {strides = array<i32>} : memref<16x4112xf32, #tpu.memory_space<vmem>>, vector<16xf32>,
    tpu.vector_store %arg5[%swap3A_592, %swap3A_593], %gather3A_590 {strides = array<i32>} : memref<16x4112xf32, #tpu.memory_space<vmem>>, vector<16xf32>,
    %swap3A_595 = arith.constant 9 : i32
    %swap3A_596 = arith.index_cast %swap3A_595 : i32 to index
    %swap3A_597 = arith.constant 2064 : index
    %swap3A_598 = tpu.vector_load %arg5[%swap3A_596, %swap3A_597] {strides = array<i32>} : memref<16x4112xf32, #tpu.memory_space<vmem>>, vector<16xf32>,
    tpu.vector_store %arg5[%swap3A_596, %swap3A_597], %gather3A_590 {strides = array<i32>} : memref<16x4112xf32, #tpu.memory_space<vmem>>, vector<16xf32>,
    %add3A_599 = arith.constant 10 : i32
    %add3A_600 = vector.broadcast %add3A_599 : i32 to vector<16xi32>
    %add3A_601 = arith.addi %add3A_600, %shift_right_arithmetic3A_3 : vector<16xi32>
    %sub3A_602 = arith.constant 14 : i32
    %sub3A_603 = vector.broadcast %sub3A_602 : i32 to vector<16xi32>
    %sub3A_604 = arith.subi %sub3A_603, %add3A_601 : vector<16xi32>
    %sub3A_605 = arith.constant 1 : i32
    %sub3A_606 = vector.broadcast %sub3A_605 : i32 to vector<16xi32>
    %sub3A_607 = arith.subi %sub3A_606, %and3A_1 : vector<16xi32>
    %add3A_608 = arith.constant 7 : i32
    %add3A_609 = vector.broadcast %add3A_608 : i32 to vector<16xi32>
    %add3A_610 = arith.addi %sub3A_607, %add3A_609 : vector<16xi32>
    %mul3A_611 = arith.constant 240 : i32
    %mul3A_612 = vector.broadcast %mul3A_611 : i32 to vector<16xi32>
    %mul3A_613 = arith.muli %add3A_610, %mul3A_612 : vector<16xi32>
    %mul3A_614 = arith.constant 16 : i32
    %mul3A_615 = vector.broadcast %mul3A_614 : i32 to vector<16xi32>
    %mul3A_616 = arith.muli %sub3A_604, %mul3A_615 : vector<16xi32>
    %add3A_617 = arith.addi %mul3A_613, %mul3A_616 : vector<16xi32>
    %add3A_618 = vector.broadcast %arg1 : i32 to vector<16xi32>
    %add3A_619 = arith.addi %add3A_617, %add3A_618 : vector<16xi32>
    %gather3A_620 = tpu.vector_load_idx %arg4[%add3A_619] : memref<3600xf32, #tpu.memory_space<vmem>>[vector<16xi32>], vector<16xf32>,
    %swap3A_621 = arith.constant 1 : i32
    %swap3A_622 = arith.index_cast %swap3A_621 : i32 to index
    %swap3A_623 = arith.constant 2072 : index
    %swap3A_624 = tpu.vector_load %arg5[%swap3A_622, %swap3A_623] {strides = array<i32>} : memref<16x4112xf32, #tpu.memory_space<vmem>>, vector<16xf32>,
    tpu.vector_store %arg5[%swap3A_622, %swap3A_623], %gather3A_620 {strides = array<i32>} : memref<16x4112xf32, #tpu.memory_space<vmem>>, vector<16xf32>,
    %swap3A_625 = arith.constant 9 : i32
    %swap3A_626 = arith.index_cast %swap3A_625 : i32 to index
    %swap3A_627 = arith.constant 2080 : index
    %swap3A_628 = tpu.vector_load %arg5[%swap3A_626, %swap3A_627] {strides = array<i32>} : memref<16x4112xf32, #tpu.memory_space<vmem>>, vector<16xf32>,
    tpu.vector_store %arg5[%swap3A_626, %swap3A_627], %gather3A_620 {strides = array<i32>} : memref<16x4112xf32, #tpu.memory_space<vmem>>, vector<16xf32>,
    %add3A_629 = arith.constant 12 : i32
    %add3A_630 = vector.broadcast %add3A_629 : i32 to vector<16xi32>
    %add3A_631 = arith.addi %add3A_630, %shift_right_arithmetic3A_3 : vector<16xi32>
    %sub3A_632 = arith.constant 14 : i32
    %sub3A_633 = vector.broadcast %sub3A_632 : i32 to vector<16xi32>
    %sub3A_634 = arith.subi %sub3A_633, %add3A_631 : vector<16xi32>
    %sub3A_635 = arith.constant 1 : i32
    %sub3A_636 = vector.broadcast %sub3A_635 : i32 to vector<16xi32>
    %sub3A_637 = arith.subi %sub3A_636, %and3A_1 : vector<16xi32>
    %add3A_638 = arith.constant 7 : i32
    %add3A_639 = vector.broadcast %add3A_638 : i32 to vector<16xi32>
    %add3A_640 = arith.addi %sub3A_637, %add3A_639 : vector<16xi32>
    %mul3A_641 = arith.constant 240 : i32
    %mul3A_642 = vector.broadcast %mul3A_641 : i32 to vector<16xi32>
    %mul3A_643 = arith.muli %add3A_640, %mul3A_642 : vector<16xi32>
    %mul3A_644 = arith.constant 16 : i32
    %mul3A_645 = vector.broadcast %mul3A_644 : i32 to vector<16xi32>
    %mul3A_646 = arith.muli %sub3A_634, %mul3A_645 : vector<16xi32>
    %add3A_647 = arith.addi %mul3A_643, %mul3A_646 : vector<16xi32>
    %add3A_648 = vector.broadcast %arg1 : i32 to vector<16xi32>
    %add3A_649 = arith.addi %add3A_647, %add3A_648 : vector<16xi32>
    %gather3A_650 = tpu.vector_load_idx %arg4[%add3A_649] : memref<3600xf32, #tpu.memory_space<vmem>>[vector<16xi32>], vector<16xf32>,
    %swap3A_651 = arith.constant 1 : i32
    %swap3A_652 = arith.index_cast %swap3A_651 : i32 to index
    %swap3A_653 = arith.constant 2088 : index
    %swap3A_654 = tpu.vector_load %arg5[%swap3A_652, %swap3A_653] {strides = array<i32>} : memref<16x4112xf32, #tpu.memory_space<vmem>>, vector<16xf32>,
    tpu.vector_store %arg5[%swap3A_652, %swap3A_653], %gather3A_650 {strides = array<i32>} : memref<16x4112xf32, #tpu.memory_space<vmem>>, vector<16xf32>,
    %swap3A_655 = arith.constant 9 : i32
    %swap3A_656 = arith.index_cast %swap3A_655 : i32 to index
    %swap3A_657 = arith.constant 2096 : index
    %swap3A_658 = tpu.vector_load %arg5[%swap3A_656, %swap3A_657] {strides = array<i32>} : memref<16x4112xf32, #tpu.memory_space<vmem>>, vector<16xf32>,
    tpu.vector_store %arg5[%swap3A_656, %swap3A_657], %gather3A_650 {strides = array<i32>} : memref<16x4112xf32, #tpu.memory_space<vmem>>, vector<16xf32>,
    %add3A_659 = arith.constant 0 : i32
    %add3A_660 = vector.broadcast %add3A_659 : i32 to vector<16xi32>
    %add3A_661 = arith.addi %add3A_660, %shift_right_arithmetic3A_3 : vector<16xi32>
    %sub3A_662 = arith.constant 14 : i32
    %sub3A_663 = vector.broadcast %sub3A_662 : i32 to vector<16xi32>
    %sub3A_664 = arith.subi %sub3A_663, %add3A_661 : vector<16xi32>
    %sub3A_665 = arith.constant 2 : i32
    %sub3A_666 = vector.broadcast %sub3A_665 : i32 to vector<16xi32>
    %sub3A_667 = arith.subi %sub3A_666, %and3A_1 : vector<16xi32>
    %add3A_668 = arith.constant 7 : i32
    %add3A_669 = vector.broadcast %add3A_668 : i32 to vector<16xi32>
    %add3A_670 = arith.addi %sub3A_667, %add3A_669 : vector<16xi32>
    %mul3A_671 = arith.constant 240 : i32
    %mul3A_672 = vector.broadcast %mul3A_671 : i32 to vector<16xi32>
    %mul3A_673 = arith.muli %add3A_670, %mul3A_672 : vector<16xi32>
    %mul3A_674 = arith.constant 16 : i32
    %mul3A_675 = vector.broadcast %mul3A_674 : i32 to vector<16xi32>
    %mul3A_676 = arith.muli %sub3A_664, %mul3A_675 : vector<16xi32>
    %add3A_677 = arith.addi %mul3A_673, %mul3A_676 : vector<16xi32>
    %add3A_678 = vector.broadcast %arg1 : i32 to vector<16xi32>
    %add3A_679 = arith.addi %add3A_677, %add3A_678 : vector<16xi32>
    %gather3A_680 = tpu.vector_load_idx %arg4[%add3A_679] : memref<3600xf32, #tpu.memory_space<vmem>>[vector<16xi32>], vector<16xf32>,
    %swap3A_681 = arith.constant 2 : i32
    %swap3A_682 = arith.index_cast %swap3A_681 : i32 to index
    %swap3A_683 = arith.constant 1992 : index
    %swap3A_684 = tpu.vector_load %arg5[%swap3A_682, %swap3A_683] {strides = array<i32>} : memref<16x4112xf32, #tpu.memory_space<vmem>>, vector<16xf32>,
    tpu.vector_store %arg5[%swap3A_682, %swap3A_683], %gather3A_680 {strides = array<i32>} : memref<16x4112xf32, #tpu.memory_space<vmem>>, vector<16xf32>,
    %swap3A_685 = arith.constant 10 : i32
    %swap3A_686 = arith.index_cast %swap3A_685 : i32 to index
    %swap3A_687 = arith.constant 2000 : index
    %swap3A_688 = tpu.vector_load %arg5[%swap3A_686, %swap3A_687] {strides = array<i32>} : memref<16x4112xf32, #tpu.memory_space<vmem>>, vector<16xf32>,
    tpu.vector_store %arg5[%swap3A_686, %swap3A_687], %gather3A_680 {strides = array<i32>} : memref<16x4112xf32, #tpu.memory_space<vmem>>, vector<16xf32>,
    %add3A_689 = arith.constant 2 : i32
    %add3A_690 = vector.broadcast %add3A_689 : i32 to vector<16xi32>
    %add3A_691 = arith.addi %add3A_690, %shift_right_arithmetic3A_3 : vector<16xi32>
    %sub3A_692 = arith.constant 14 : i32
    %sub3A_693 = vector.broadcast %sub3A_692 : i32 to vector<16xi32>
    %sub3A_694 = arith.subi %sub3A_693, %add3A_691 : vector<16xi32>
    %sub3A_695 = arith.constant 2 : i32
    %sub3A_696 = vector.broadcast %sub3A_695 : i32 to vector<16xi32>
    %sub3A_697 = arith.subi %sub3A_696, %and3A_1 : vector<16xi32>
    %add3A_698 = arith.constant 7 : i32
    %add3A_699 = vector.broadcast %add3A_698 : i32 to vector<16xi32>
    %add3A_700 = arith.addi %sub3A_697, %add3A_699 : vector<16xi32>
    %mul3A_701 = arith.constant 240 : i32
    %mul3A_702 = vector.broadcast %mul3A_701 : i32 to vector<16xi32>
    %mul3A_703 = arith.muli %add3A_700, %mul3A_702 : vector<16xi32>
    %mul3A_704 = arith.constant 16 : i32
    %mul3A_705 = vector.broadcast %mul3A_704 : i32 to vector<16xi32>
    %mul3A_706 = arith.muli %sub3A_694, %mul3A_705 : vector<16xi32>
    %add3A_707 = arith.addi %mul3A_703, %mul3A_706 : vector<16xi32>
    %add3A_708 = vector.broadcast %arg1 : i32 to vector<16xi32>
    %add3A_709 = arith.addi %add3A_707, %add3A_708 : vector<16xi32>
    %gather3A_710 = tpu.vector_load_idx %arg4[%add3A_709] : memref<3600xf32, #tpu.memory_space<vmem>>[vector<16xi32>], vector<16xf32>,
    %swap3A_711 = arith.constant 2 : i32
    %swap3A_712 = arith.index_cast %swap3A_711 : i32 to index
    %swap3A_713 = arith.constant 2008 : index
    %swap3A_714 = tpu.vector_load %arg5[%swap3A_712, %swap3A_713] {strides = array<i32>} : memref<16x4112xf32, #tpu.memory_space<vmem>>, vector<16xf32>,
    tpu.vector_store %arg5[%swap3A_712, %swap3A_713], %gather3A_710 {strides = array<i32>} : memref<16x4112xf32, #tpu.memory_space<vmem>>, vector<16xf32>,
    %swap3A_715 = arith.constant 10 : i32
    %swap3A_716 = arith.index_cast %swap3A_715 : i32 to index
    %swap3A_717 = arith.constant 2016 : index
    %swap3A_718 = tpu.vector_load %arg5[%swap3A_716, %swap3A_717] {strides = array<i32>} : memref<16x4112xf32, #tpu.memory_space<vmem>>, vector<16xf32>,
    tpu.vector_store %arg5[%swap3A_716, %swap3A_717], %gather3A_710 {strides = array<i32>} : memref<16x4112xf32, #tpu.memory_space<vmem>>, vector<16xf32>,
    %add3A_719 = arith.constant 4 : i32
    %add3A_720 = vector.broadcast %add3A_719 : i32 to vector<16xi32>
    %add3A_721 = arith.addi %add3A_720, %shift_right_arithmetic3A_3 : vector<16xi32>
    %sub3A_722 = arith.constant 14 : i32
    %sub3A_723 = vector.broadcast %sub3A_722 : i32 to vector<16xi32>
    %sub3A_724 = arith.subi %sub3A_723, %add3A_721 : vector<16xi32>
    %sub3A_725 = arith.constant 2 : i32
    %sub3A_726 = vector.broadcast %sub3A_725 : i32 to vector<16xi32>
    %sub3A_727 = arith.subi %sub3A_726, %and3A_1 : vector<16xi32>
    %add3A_728 = arith.constant 7 : i32
    %add3A_729 = vector.broadcast %add3A_728 : i32 to vector<16xi32>
    %add3A_730 = arith.addi %sub3A_727, %add3A_729 : vector<16xi32>
    %mul3A_731 = arith.constant 240 : i32
    %mul3A_732 = vector.broadcast %mul3A_731 : i32 to vector<16xi32>
    %mul3A_733 = arith.muli %add3A_730, %mul3A_732 : vector<16xi32>
    %mul3A_734 = arith.constant 16 : i32
    %mul3A_735 = vector.broadcast %mul3A_734 : i32 to vector<16xi32>
    %mul3A_736 = arith.muli %sub3A_724, %mul3A_735 : vector<16xi32>
    %add3A_737 = arith.addi %mul3A_733, %mul3A_736 : vector<16xi32>
    %add3A_738 = vector.broadcast %arg1 : i32 to vector<16xi32>
    %add3A_739 = arith.addi %add3A_737, %add3A_738 : vector<16xi32>
    %gather3A_740 = tpu.vector_load_idx %arg4[%add3A_739] : memref<3600xf32, #tpu.memory_space<vmem>>[vector<16xi32>], vector<16xf32>,
    %swap3A_741 = arith.constant 2 : i32
    %swap3A_742 = arith.index_cast %swap3A_741 : i32 to index
    %swap3A_743 = arith.constant 2024 : index
    %swap3A_744 = tpu.vector_load %arg5[%swap3A_742, %swap3A_743] {strides = array<i32>} : memref<16x4112xf32, #tpu.memory_space<vmem>>, vector<16xf32>,
    tpu.vector_store %arg5[%swap3A_742, %swap3A_743], %gather3A_740 {strides = array<i32>} : memref<16x4112xf32, #tpu.memory_space<vmem>>, vector<16xf32>,
    %swap3A_745 = arith.constant 10 : i32
    %swap3A_746 = arith.index_cast %swap3A_745 : i32 to index
    %swap3A_747 = arith.constant 2032 : index
    %swap3A_748 = tpu.vector_load %arg5[%swap3A_746, %swap3A_747] {strides = array<i32>} : memref<16x4112xf32, #tpu.memory_space<vmem>>, vector<16xf32>,
    tpu.vector_store %arg5[%swap3A_746, %swap3A_747], %gather3A_740 {strides = array<i32>} : memref<16x4112xf32, #tpu.memory_space<vmem>>, vector<16xf32>,
    %add3A_749 = arith.constant 6 : i32
    %add3A_750 = vector.broadcast %add3A_749 : i32 to vector<16xi32>
    %add3A_751 = arith.addi %add3A_750, %shift_right_arithmetic3A_3 : vector<16xi32>
    %sub3A_752 = arith.constant 14 : i32
    %sub3A_753 = vector.broadcast %sub3A_752 : i32 to vector<16xi32>
    %sub3A_754 = arith.subi %sub3A_753, %add3A_751 : vector<16xi32>
    %sub3A_755 = arith.constant 2 : i32
    %sub3A_756 = vector.broadcast %sub3A_755 : i32 to vector<16xi32>
    %sub3A_757 = arith.subi %sub3A_756, %and3A_1 : vector<16xi32>
    %add3A_758 = arith.constant 7 : i32
    %add3A_759 = vector.broadcast %add3A_758 : i32 to vector<16xi32>
    %add3A_760 = arith.addi %sub3A_757, %add3A_759 : vector<16xi32>
    %mul3A_761 = arith.constant 240 : i32
    %mul3A_762 = vector.broadcast %mul3A_761 : i32 to vector<16xi32>
    %mul3A_763 = arith.muli %add3A_760, %mul3A_762 : vector<16xi32>
    %mul3A_764 = arith.constant 16 : i32
    %mul3A_765 = vector.broadcast %mul3A_764 : i32 to vector<16xi32>
    %mul3A_766 = arith.muli %sub3A_754, %mul3A_765 : vector<16xi32>
    %add3A_767 = arith.addi %mul3A_763, %mul3A_766 : vector<16xi32>
    %add3A_768 = vector.broadcast %arg1 : i32 to vector<16xi32>
    %add3A_769 = arith.addi %add3A_767, %add3A_768 : vector<16xi32>
    %gather3A_770 = tpu.vector_load_idx %arg4[%add3A_769] : memref<3600xf32, #tpu.memory_space<vmem>>[vector<16xi32>], vector<16xf32>,
    %swap3A_771 = arith.constant 2 : i32
    %swap3A_772 = arith.index_cast %swap3A_771 : i32 to index
    %swap3A_773 = arith.constant 2040 : index
    %swap3A_774 = tpu.vector_load %arg5[%swap3A_772, %swap3A_773] {strides = array<i32>} : memref<16x4112xf32, #tpu.memory_space<vmem>>, vector<16xf32>,
    tpu.vector_store %arg5[%swap3A_772, %swap3A_773], %gather3A_770 {strides = array<i32>} : memref<16x4112xf32, #tpu.memory_space<vmem>>, vector<16xf32>,
    %swap3A_775 = arith.constant 10 : i32
    %swap3A_776 = arith.index_cast %swap3A_775 : i32 to index
    %swap3A_777 = arith.constant 2048 : index
    %swap3A_778 = tpu.vector_load %arg5[%swap3A_776, %swap3A_777] {strides = array<i32>} : memref<16x4112xf32, #tpu.memory_space<vmem>>, vector<16xf32>,
    tpu.vector_store %arg5[%swap3A_776, %swap3A_777], %gather3A_770 {strides = array<i32>} : memref<16x4112xf32, #tpu.memory_space<vmem>>, vector<16xf32>,
    %add3A_779 = arith.constant 8 : i32
    %add3A_780 = vector.broadcast %add3A_779 : i32 to vector<16xi32>
    %add3A_781 = arith.addi %add3A_780, %shift_right_arithmetic3A_3 : vector<16xi32>
    %sub3A_782 = arith.constant 14 : i32
    %sub3A_783 = vector.broadcast %sub3A_782 : i32 to vector<16xi32>
    %sub3A_784 = arith.subi %sub3A_783, %add3A_781 : vector<16xi32>
    %sub3A_785 = arith.constant 2 : i32
    %sub3A_786 = vector.broadcast %sub3A_785 : i32 to vector<16xi32>
    %sub3A_787 = arith.subi %sub3A_786, %and3A_1 : vector<16xi32>
    %add3A_788 = arith.constant 7 : i32
    %add3A_789 = vector.broadcast %add3A_788 : i32 to vector<16xi32>
    %add3A_790 = arith.addi %sub3A_787, %add3A_789 : vector<16xi32>
    %mul3A_791 = arith.constant 240 : i32
    %mul3A_792 = vector.broadcast %mul3A_791 : i32 to vector<16xi32>
    %mul3A_793 = arith.muli %add3A_790, %mul3A_792 : vector<16xi32>
    %mul3A_794 = arith.constant 16 : i32
    %mul3A_795 = vector.broadcast %mul3A_794 : i32 to vector<16xi32>
    %mul3A_796 = arith.muli %sub3A_784, %mul3A_795 : vector<16xi32>
    %add3A_797 = arith.addi %mul3A_793, %mul3A_796 : vector<16xi32>
    %add3A_798 = vector.broadcast %arg1 : i32 to vector<16xi32>
    %add3A_799 = arith.addi %add3A_797, %add3A_798 : vector<16xi32>
    %gather3A_800 = tpu.vector_load_idx %arg4[%add3A_799] : memref<3600xf32, #tpu.memory_space<vmem>>[vector<16xi32>], vector<16xf32>,
    %swap3A_801 = arith.constant 2 : i32
    %swap3A_802 = arith.index_cast %swap3A_801 : i32 to index
    %swap3A_803 = arith.constant 2056 : index
    %swap3A_804 = tpu.vector_load %arg5[%swap3A_802, %swap3A_803] {strides = array<i32>} : memref<16x4112xf32, #tpu.memory_space<vmem>>, vector<16xf32>,
    tpu.vector_store %arg5[%swap3A_802, %swap3A_803], %gather3A_800 {strides = array<i32>} : memref<16x4112xf32, #tpu.memory_space<vmem>>, vector<16xf32>,
    %swap3A_805 = arith.constant 10 : i32
    %swap3A_806 = arith.index_cast %swap3A_805 : i32 to index
    %swap3A_807 = arith.constant 2064 : index
    %swap3A_808 = tpu.vector_load %arg5[%swap3A_806, %swap3A_807] {strides = array<i32>} : memref<16x4112xf32, #tpu.memory_space<vmem>>, vector<16xf32>,
    tpu.vector_store %arg5[%swap3A_806, %swap3A_807], %gather3A_800 {strides = array<i32>} : memref<16x4112xf32, #tpu.memory_space<vmem>>, vector<16xf32>,
    %add3A_809 = arith.constant 10 : i32
    %add3A_810 = vector.broadcast %add3A_809 : i32 to vector<16xi32>
    %add3A_811 = arith.addi %add3A_810, %shift_right_arithmetic3A_3 : vector<16xi32>
    %sub3A_812 = arith.constant 14 : i32
    %sub3A_813 = vector.broadcast %sub3A_812 : i32 to vector<16xi32>
    %sub3A_814 = arith.subi %sub3A_813, %add3A_811 : vector<16xi32>
    %sub3A_815 = arith.constant 2 : i32
    %sub3A_816 = vector.broadcast %sub3A_815 : i32 to vector<16xi32>
    %sub3A_817 = arith.subi %sub3A_816, %and3A_1 : vector<16xi32>
    %add3A_818 = arith.constant 7 : i32
    %add3A_819 = vector.broadcast %add3A_818 : i32 to vector<16xi32>
    %add3A_820 = arith.addi %sub3A_817, %add3A_819 : vector<16xi32>
    %mul3A_821 = arith.constant 240 : i32
    %mul3A_822 = vector.broadcast %mul3A_821 : i32 to vector<16xi32>
    %mul3A_823 = arith.muli %add3A_820, %mul3A_822 : vector<16xi32>
    %mul3A_824 = arith.constant 16 : i32
    %mul3A_825 = vector.broadcast %mul3A_824 : i32 to vector<16xi32>
    %mul3A_826 = arith.muli %sub3A_814, %mul3A_825 : vector<16xi32>
    %add3A_827 = arith.addi %mul3A_823, %mul3A_826 : vector<16xi32>
    %add3A_828 = vector.broadcast %arg1 : i32 to vector<16xi32>
    %add3A_829 = arith.addi %add3A_827, %add3A_828 : vector<16xi32>
    %gather3A_830 = tpu.vector_load_idx %arg4[%add3A_829] : memref<3600xf32, #tpu.memory_space<vmem>>[vector<16xi32>], vector<16xf32>,
    %swap3A_831 = arith.constant 2 : i32
    %swap3A_832 = arith.index_cast %swap3A_831 : i32 to index
    %swap3A_833 = arith.constant 2072 : index
    %swap3A_834 = tpu.vector_load %arg5[%swap3A_832, %swap3A_833] {strides = array<i32>} : memref<16x4112xf32, #tpu.memory_space<vmem>>, vector<16xf32>,
    tpu.vector_store %arg5[%swap3A_832, %swap3A_833], %gather3A_830 {strides = array<i32>} : memref<16x4112xf32, #tpu.memory_space<vmem>>, vector<16xf32>,
    %swap3A_835 = arith.constant 10 : i32
    %swap3A_836 = arith.index_cast %swap3A_835 : i32 to index
    %swap3A_837 = arith.constant 2080 : index
    %swap3A_838 = tpu.vector_load %arg5[%swap3A_836, %swap3A_837] {strides = array<i32>} : memref<16x4112xf32, #tpu.memory_space<vmem>>, vector<16xf32>,
    tpu.vector_store %arg5[%swap3A_836, %swap3A_837], %gather3A_830 {strides = array<i32>} : memref<16x4112xf32, #tpu.memory_space<vmem>>, vector<16xf32>,
    %add3A_839 = arith.constant 12 : i32
    %add3A_840 = vector.broadcast %add3A_839 : i32 to vector<16xi32>
    %add3A_841 = arith.addi %add3A_840, %shift_right_arithmetic3A_3 : vector<16xi32>
    %sub3A_842 = arith.constant 14 : i32
    %sub3A_843 = vector.broadcast %sub3A_842 : i32 to vector<16xi32>
    %sub3A_844 = arith.subi %sub3A_843, %add3A_841 : vector<16xi32>
    %sub3A_845 = arith.constant 2 : i32
    %sub3A_846 = vector.broadcast %sub3A_845 : i32 to vector<16xi32>
    %sub3A_847 = arith.subi %sub3A_846, %and3A_1 : vector<16xi32>
    %add3A_848 = arith.constant 7 : i32
    %add3A_849 = vector.broadcast %add3A_848 : i32 to vector<16xi32>
    %add3A_850 = arith.addi %sub3A_847, %add3A_849 : vector<16xi32>
    %mul3A_851 = arith.constant 240 : i32
    %mul3A_852 = vector.broadcast %mul3A_851 : i32 to vector<16xi32>
    %mul3A_853 = arith.muli %add3A_850, %mul3A_852 : vector<16xi32>
    %mul3A_854 = arith.constant 16 : i32
    %mul3A_855 = vector.broadcast %mul3A_854 : i32 to vector<16xi32>
    %mul3A_856 = arith.muli %sub3A_844, %mul3A_855 : vector<16xi32>
    %add3A_857 = arith.addi %mul3A_853, %mul3A_856 : vector<16xi32>
    %add3A_858 = vector.broadcast %arg1 : i32 to vector<16xi32>
    %add3A_859 = arith.addi %add3A_857, %add3A_858 : vector<16xi32>
    %gather3A_860 = tpu.vector_load_idx %arg4[%add3A_859] : memref<3600xf32, #tpu.memory_space<vmem>>[vector<16xi32>], vector<16xf32>,
    %swap3A_861 = arith.constant 2 : i32
    %swap3A_862 = arith.index_cast %swap3A_861 : i32 to index
    %swap3A_863 = arith.constant 2088 : index
    %swap3A_864 = tpu.vector_load %arg5[%swap3A_862, %swap3A_863] {strides = array<i32>} : memref<16x4112xf32, #tpu.memory_space<vmem>>, vector<16xf32>,
    tpu.vector_store %arg5[%swap3A_862, %swap3A_863], %gather3A_860 {strides = array<i32>} : memref<16x4112xf32, #tpu.memory_space<vmem>>, vector<16xf32>,
    %swap3A_865 = arith.constant 10 : i32
    %swap3A_866 = arith.index_cast %swap3A_865 : i32 to index
    %swap3A_867 = arith.constant 2096 : index
    %swap3A_868 = tpu.vector_load %arg5[%swap3A_866, %swap3A_867] {strides = array<i32>} : memref<16x4112xf32, #tpu.memory_space<vmem>>, vector<16xf32>,
    tpu.vector_store %arg5[%swap3A_866, %swap3A_867], %gather3A_860 {strides = array<i32>} : memref<16x4112xf32, #tpu.memory_space<vmem>>, vector<16xf32>,
    %add3A_869 = arith.constant 0 : i32
    %add3A_870 = vector.broadcast %add3A_869 : i32 to vector<16xi32>
    %add3A_871 = arith.addi %add3A_870, %shift_right_arithmetic3A_3 : vector<16xi32>
    %sub3A_872 = arith.constant 14 : i32
    %sub3A_873 = vector.broadcast %sub3A_872 : i32 to vector<16xi32>
    %sub3A_874 = arith.subi %sub3A_873, %add3A_871 : vector<16xi32>
    %sub3A_875 = arith.constant 3 : i32
    %sub3A_876 = vector.broadcast %sub3A_875 : i32 to vector<16xi32>
    %sub3A_877 = arith.subi %sub3A_876, %and3A_1 : vector<16xi32>
    %add3A_878 = arith.constant 7 : i32
    %add3A_879 = vector.broadcast %add3A_878 : i32 to vector<16xi32>
    %add3A_880 = arith.addi %sub3A_877, %add3A_879 : vector<16xi32>
    %mul3A_881 = arith.constant 240 : i32
    %mul3A_882 = vector.broadcast %mul3A_881 : i32 to vector<16xi32>
    %mul3A_883 = arith.muli %add3A_880, %mul3A_882 : vector<16xi32>
    %mul3A_884 = arith.constant 16 : i32
    %mul3A_885 = vector.broadcast %mul3A_884 : i32 to vector<16xi32>
    %mul3A_886 = arith.muli %sub3A_874, %mul3A_885 : vector<16xi32>
    %add3A_887 = arith.addi %mul3A_883, %mul3A_886 : vector<16xi32>
    %add3A_888 = vector.broadcast %arg1 : i32 to vector<16xi32>
    %add3A_889 = arith.addi %add3A_887, %add3A_888 : vector<16xi32>
    %gather3A_890 = tpu.vector_load_idx %arg4[%add3A_889] : memref<3600xf32, #tpu.memory_space<vmem>>[vector<16xi32>], vector<16xf32>,
    %swap3A_891 = arith.constant 3 : i32
    %swap3A_892 = arith.index_cast %swap3A_891 : i32 to index
    %swap3A_893 = arith.constant 1992 : index
    %swap3A_894 = tpu.vector_load %arg5[%swap3A_892, %swap3A_893] {strides = array<i32>} : memref<16x4112xf32, #tpu.memory_space<vmem>>, vector<16xf32>,
    tpu.vector_store %arg5[%swap3A_892, %swap3A_893], %gather3A_890 {strides = array<i32>} : memref<16x4112xf32, #tpu.memory_space<vmem>>, vector<16xf32>,
    %swap3A_895 = arith.constant 11 : i32
    %swap3A_896 = arith.index_cast %swap3A_895 : i32 to index
    %swap3A_897 = arith.constant 2000 : index
    %swap3A_898 = tpu.vector_load %arg5[%swap3A_896, %swap3A_897] {strides = array<i32>} : memref<16x4112xf32, #tpu.memory_space<vmem>>, vector<16xf32>,
    tpu.vector_store %arg5[%swap3A_896, %swap3A_897], %gather3A_890 {strides = array<i32>} : memref<16x4112xf32, #tpu.memory_space<vmem>>, vector<16xf32>,
    %add3A_899 = arith.constant 2 : i32
    %add3A_900 = vector.broadcast %add3A_899 : i32 to vector<16xi32>
    %add3A_901 = arith.addi %add3A_900, %shift_right_arithmetic3A_3 : vector<16xi32>
    %sub3A_902 = arith.constant 14 : i32
    %sub3A_903 = vector.broadcast %sub3A_902 : i32 to vector<16xi32>
    %sub3A_904 = arith.subi %sub3A_903, %add3A_901 : vector<16xi32>
    %sub3A_905 = arith.constant 3 : i32
    %sub3A_906 = vector.broadcast %sub3A_905 : i32 to vector<16xi32>
    %sub3A_907 = arith.subi %sub3A_906, %and3A_1 : vector<16xi32>
    %add3A_908 = arith.constant 7 : i32
    %add3A_909 = vector.broadcast %add3A_908 : i32 to vector<16xi32>
    %add3A_910 = arith.addi %sub3A_907, %add3A_909 : vector<16xi32>
    %mul3A_911 = arith.constant 240 : i32
    %mul3A_912 = vector.broadcast %mul3A_911 : i32 to vector<16xi32>
    %mul3A_913 = arith.muli %add3A_910, %mul3A_912 : vector<16xi32>
    %mul3A_914 = arith.constant 16 : i32
    %mul3A_915 = vector.broadcast %mul3A_914 : i32 to vector<16xi32>
    %mul3A_916 = arith.muli %sub3A_904, %mul3A_915 : vector<16xi32>
    %add3A_917 = arith.addi %mul3A_913, %mul3A_916 : vector<16xi32>
    %add3A_918 = vector.broadcast %arg1 : i32 to vector<16xi32>
    %add3A_919 = arith.addi %add3A_917, %add3A_918 : vector<16xi32>
    %gather3A_920 = tpu.vector_load_idx %arg4[%add3A_919] : memref<3600xf32, #tpu.memory_space<vmem>>[vector<16xi32>], vector<16xf32>,
    %swap3A_921 = arith.constant 3 : i32
    %swap3A_922 = arith.index_cast %swap3A_921 : i32 to index
    %swap3A_923 = arith.constant 2008 : index
    %swap3A_924 = tpu.vector_load %arg5[%swap3A_922, %swap3A_923] {strides = array<i32>} : memref<16x4112xf32, #tpu.memory_space<vmem>>, vector<16xf32>,
    tpu.vector_store %arg5[%swap3A_922, %swap3A_923], %gather3A_920 {strides = array<i32>} : memref<16x4112xf32, #tpu.memory_space<vmem>>, vector<16xf32>,
    %swap3A_925 = arith.constant 11 : i32
    %swap3A_926 = arith.index_cast %swap3A_925 : i32 to index
    %swap3A_927 = arith.constant 2016 : index
    %swap3A_928 = tpu.vector_load %arg5[%swap3A_926, %swap3A_927] {strides = array<i32>} : memref<16x4112xf32, #tpu.memory_space<vmem>>, vector<16xf32>,
    tpu.vector_store %arg5[%swap3A_926, %swap3A_927], %gather3A_920 {strides = array<i32>} : memref<16x4112xf32, #tpu.memory_space<vmem>>, vector<16xf32>,
    %add3A_929 = arith.constant 4 : i32
    %add3A_930 = vector.broadcast %add3A_929 : i32 to vector<16xi32>
    %add3A_931 = arith.addi %add3A_930, %shift_right_arithmetic3A_3 : vector<16xi32>
    %sub3A_932 = arith.constant 14 : i32
    %sub3A_933 = vector.broadcast %sub3A_932 : i32 to vector<16xi32>
    %sub3A_934 = arith.subi %sub3A_933, %add3A_931 : vector<16xi32>
    %sub3A_935 = arith.constant 3 : i32
    %sub3A_936 = vector.broadcast %sub3A_935 : i32 to vector<16xi32>
    %sub3A_937 = arith.subi %sub3A_936, %and3A_1 : vector<16xi32>
    %add3A_938 = arith.constant 7 : i32
    %add3A_939 = vector.broadcast %add3A_938 : i32 to vector<16xi32>
    %add3A_940 = arith.addi %sub3A_937, %add3A_939 : vector<16xi32>
    %mul3A_941 = arith.constant 240 : i32
    %mul3A_942 = vector.broadcast %mul3A_941 : i32 to vector<16xi32>
    %mul3A_943 = arith.muli %add3A_940, %mul3A_942 : vector<16xi32>
    %mul3A_944 = arith.constant 16 : i32
    %mul3A_945 = vector.broadcast %mul3A_944 : i32 to vector<16xi32>
    %mul3A_946 = arith.muli %sub3A_934, %mul3A_945 : vector<16xi32>
    %add3A_947 = arith.addi %mul3A_943, %mul3A_946 : vector<16xi32>
    %add3A_948 = vector.broadcast %arg1 : i32 to vector<16xi32>
    %add3A_949 = arith.addi %add3A_947, %add3A_948 : vector<16xi32>
    %gather3A_950 = tpu.vector_load_idx %arg4[%add3A_949] : memref<3600xf32, #tpu.memory_space<vmem>>[vector<16xi32>], vector<16xf32>,
    %swap3A_951 = arith.constant 3 : i32
    %swap3A_952 = arith.index_cast %swap3A_951 : i32 to index
    %swap3A_953 = arith.constant 2024 : index
    %swap3A_954 = tpu.vector_load %arg5[%swap3A_952, %swap3A_953] {strides = array<i32>} : memref<16x4112xf32, #tpu.memory_space<vmem>>, vector<16xf32>,
    tpu.vector_store %arg5[%swap3A_952, %swap3A_953], %gather3A_950 {strides = array<i32>} : memref<16x4112xf32, #tpu.memory_space<vmem>>, vector<16xf32>,
    %swap3A_955 = arith.constant 11 : i32
    %swap3A_956 = arith.index_cast %swap3A_955 : i32 to index
    %swap3A_957 = arith.constant 2032 : index
    %swap3A_958 = tpu.vector_load %arg5[%swap3A_956, %swap3A_957] {strides = array<i32>} : memref<16x4112xf32, #tpu.memory_space<vmem>>, vector<16xf32>,
    tpu.vector_store %arg5[%swap3A_956, %swap3A_957], %gather3A_950 {strides = array<i32>} : memref<16x4112xf32, #tpu.memory_space<vmem>>, vector<16xf32>,
    %add3A_959 = arith.constant 6 : i32
    %add3A_960 = vector.broadcast %add3A_959 : i32 to vector<16xi32>
    %add3A_961 = arith.addi %add3A_960, %shift_right_arithmetic3A_3 : vector<16xi32>
    %sub3A_962 = arith.constant 14 : i32
    %sub3A_963 = vector.broadcast %sub3A_962 : i32 to vector<16xi32>
    %sub3A_964 = arith.subi %sub3A_963, %add3A_961 : vector<16xi32>
    %sub3A_965 = arith.constant 3 : i32
    %sub3A_966 = vector.broadcast %sub3A_965 : i32 to vector<16xi32>
    %sub3A_967 = arith.subi %sub3A_966, %and3A_1 : vector<16xi32>
    %add3A_968 = arith.constant 7 : i32
    %add3A_969 = vector.broadcast %add3A_968 : i32 to vector<16xi32>
    %add3A_970 = arith.addi %sub3A_967, %add3A_969 : vector<16xi32>
    %mul3A_971 = arith.constant 240 : i32
    %mul3A_972 = vector.broadcast %mul3A_971 : i32 to vector<16xi32>
    %mul3A_973 = arith.muli %add3A_970, %mul3A_972 : vector<16xi32>
    %mul3A_974 = arith.constant 16 : i32
    %mul3A_975 = vector.broadcast %mul3A_974 : i32 to vector<16xi32>
    %mul3A_976 = arith.muli %sub3A_964, %mul3A_975 : vector<16xi32>
    %add3A_977 = arith.addi %mul3A_973, %mul3A_976 : vector<16xi32>
    %add3A_978 = vector.broadcast %arg1 : i32 to vector<16xi32>
    %add3A_979 = arith.addi %add3A_977, %add3A_978 : vector<16xi32>
    %gather3A_980 = tpu.vector_load_idx %arg4[%add3A_979] : memref<3600xf32, #tpu.memory_space<vmem>>[vector<16xi32>], vector<16xf32>,
    %swap3A_981 = arith.constant 3 : i32
    %swap3A_982 = arith.index_cast %swap3A_981 : i32 to index
    %swap3A_983 = arith.constant 2040 : index
    %swap3A_984 = tpu.vector_load %arg5[%swap3A_982, %swap3A_983] {strides = array<i32>} : memref<16x4112xf32, #tpu.memory_space<vmem>>, vector<16xf32>,
    tpu.vector_store %arg5[%swap3A_982, %swap3A_983], %gather3A_980 {strides = array<i32>} : memref<16x4112xf32, #tpu.memory_space<vmem>>, vector<16xf32>,
    %swap3A_985 = arith.constant 11 : i32
    %swap3A_986 = arith.index_cast %swap3A_985 : i32 to index
    %swap3A_987 = arith.constant 2048 : index
    %swap3A_988 = tpu.vector_load %arg5[%swap3A_986, %swap3A_987] {strides = array<i32>} : memref<16x4112xf32, #tpu.memory_space<vmem>>, vector<16xf32>,
    tpu.vector_store %arg5[%swap3A_986, %swap3A_987], %gather3A_980 {strides = array<i32>} : memref<16x4112xf32, #tpu.memory_space<vmem>>, vector<16xf32>,
    %add3A_989 = arith.constant 8 : i32
    %add3A_990 = vector.broadcast %add3A_989 : i32 to vector<16xi32>
    %add3A_991 = arith.addi %add3A_990, %shift_right_arithmetic3A_3 : vector<16xi32>
    %sub3A_992 = arith.constant 14 : i32
    %sub3A_993 = vector.broadcast %sub3A_992 : i32 to vector<16xi32>
    %sub3A_994 = arith.subi %sub3A_993, %add3A_991 : vector<16xi32>
    %sub3A_995 = arith.constant 3 : i32
    %sub3A_996 = vector.broadcast %sub3A_995 : i32 to vector<16xi32>
    %sub3A_997 = arith.subi %sub3A_996, %and3A_1 : vector<16xi32>
    %add3A_998 = arith.constant 7 : i32
    %add3A_999 = vector.broadcast %add3A_998 : i32 to vector<16xi32>
    %add3A_1000 = arith.addi %sub3A_997, %add3A_999 : vector<16xi32>
    %mul3A_1001 = arith.constant 240 : i32
    %mul3A_1002 = vector.broadcast %mul3A_1001 : i32 to vector<16xi32>
    %mul3A_1003 = arith.muli %add3A_1000, %mul3A_1002 : vector<16xi32>
    %mul3A_1004 = arith.constant 16 : i32
    %mul3A_1005 = vector.broadcast %mul3A_1004 : i32 to vector<16xi32>
    %mul3A_1006 = arith.muli %sub3A_994, %mul3A_1005 : vector<16xi32>
    %add3A_1007 = arith.addi %mul3A_1003, %mul3A_1006 : vector<16xi32>
    %add3A_1008 = vector.broadcast %arg1 : i32 to vector<16xi32>
    %add3A_1009 = arith.addi %add3A_1007, %add3A_1008 : vector<16xi32>
    %gather3A_1010 = tpu.vector_load_idx %arg4[%add3A_1009] : memref<3600xf32, #tpu.memory_space<vmem>>[vector<16xi32>], vector<16xf32>,
    %swap3A_1011 = arith.constant 3 : i32
    %swap3A_1012 = arith.index_cast %swap3A_1011 : i32 to index
    %swap3A_1013 = arith.constant 2056 : index
    %swap3A_1014 = tpu.vector_load %arg5[%swap3A_1012, %swap3A_1013] {strides = array<i32>} : memref<16x4112xf32, #tpu.memory_space<vmem>>, vector<16xf32>,
    tpu.vector_store %arg5[%swap3A_1012, %swap3A_1013], %gather3A_1010 {strides = array<i32>} : memref<16x4112xf32, #tpu.memory_space<vmem>>, vector<16xf32>,
    %swap3A_1015 = arith.constant 11 : i32
    %swap3A_1016 = arith.index_cast %swap3A_1015 : i32 to index
    %swap3A_1017 = arith.constant 2064 : index
    %swap3A_1018 = tpu.vector_load %arg5[%swap3A_1016, %swap3A_1017] {strides = array<i32>} : memref<16x4112xf32, #tpu.memory_space<vmem>>, vector<16xf32>,
    tpu.vector_store %arg5[%swap3A_1016, %swap3A_1017], %gather3A_1010 {strides = array<i32>} : memref<16x4112xf32, #tpu.memory_space<vmem>>, vector<16xf32>,
    %add3A_1019 = arith.constant 10 : i32
    %add3A_1020 = vector.broadcast %add3A_1019 : i32 to vector<16xi32>
    %add3A_1021 = arith.addi %add3A_1020, %shift_right_arithmetic3A_3 : vector<16xi32>
    %sub3A_1022 = arith.constant 14 : i32
    %sub3A_1023 = vector.broadcast %sub3A_1022 : i32 to vector<16xi32>
    %sub3A_1024 = arith.subi %sub3A_1023, %add3A_1021 : vector<16xi32>
    %sub3A_1025 = arith.constant 3 : i32
    %sub3A_1026 = vector.broadcast %sub3A_1025 : i32 to vector<16xi32>
    %sub3A_1027 = arith.subi %sub3A_1026, %and3A_1 : vector<16xi32>
    %add3A_1028 = arith.constant 7 : i32
    %add3A_1029 = vector.broadcast %add3A_1028 : i32 to vector<16xi32>
    %add3A_1030 = arith.addi %sub3A_1027, %add3A_1029 : vector<16xi32>
    %mul3A_1031 = arith.constant 240 : i32
    %mul3A_1032 = vector.broadcast %mul3A_1031 : i32 to vector<16xi32>
    %mul3A_1033 = arith.muli %add3A_1030, %mul3A_1032 : vector<16xi32>
    %mul3A_1034 = arith.constant 16 : i32
    %mul3A_1035 = vector.broadcast %mul3A_1034 : i32 to vector<16xi32>
    %mul3A_1036 = arith.muli %sub3A_1024, %mul3A_1035 : vector<16xi32>
    %add3A_1037 = arith.addi %mul3A_1033, %mul3A_1036 : vector<16xi32>
    %add3A_1038 = vector.broadcast %arg1 : i32 to vector<16xi32>
    %add3A_1039 = arith.addi %add3A_1037, %add3A_1038 : vector<16xi32>
    %gather3A_1040 = tpu.vector_load_idx %arg4[%add3A_1039] : memref<3600xf32, #tpu.memory_space<vmem>>[vector<16xi32>], vector<16xf32>,
    %swap3A_1041 = arith.constant 3 : i32
    %swap3A_1042 = arith.index_cast %swap3A_1041 : i32 to index
    %swap3A_1043 = arith.constant 2072 : index
    %swap3A_1044 = tpu.vector_load %arg5[%swap3A_1042, %swap3A_1043] {strides = array<i32>} : memref<16x4112xf32, #tpu.memory_space<vmem>>, vector<16xf32>,
    tpu.vector_store %arg5[%swap3A_1042, %swap3A_1043], %gather3A_1040 {strides = array<i32>} : memref<16x4112xf32, #tpu.memory_space<vmem>>, vector<16xf32>,
    %swap3A_1045 = arith.constant 11 : i32
    %swap3A_1046 = arith.index_cast %swap3A_1045 : i32 to index
    %swap3A_1047 = arith.constant 2080 : index
    %swap3A_1048 = tpu.vector_load %arg5[%swap3A_1046, %swap3A_1047] {strides = array<i32>} : memref<16x4112xf32, #tpu.memory_space<vmem>>, vector<16xf32>,
    tpu.vector_store %arg5[%swap3A_1046, %swap3A_1047], %gather3A_1040 {strides = array<i32>} : memref<16x4112xf32, #tpu.memory_space<vmem>>, vector<16xf32>,
    %add3A_1049 = arith.constant 12 : i32
    %add3A_1050 = vector.broadcast %add3A_1049 : i32 to vector<16xi32>
    %add3A_1051 = arith.addi %add3A_1050, %shift_right_arithmetic3A_3 : vector<16xi32>
    %sub3A_1052 = arith.constant 14 : i32
    %sub3A_1053 = vector.broadcast %sub3A_1052 : i32 to vector<16xi32>
    %sub3A_1054 = arith.subi %sub3A_1053, %add3A_1051 : vector<16xi32>
    %sub3A_1055 = arith.constant 3 : i32
    %sub3A_1056 = vector.broadcast %sub3A_1055 : i32 to vector<16xi32>
    %sub3A_1057 = arith.subi %sub3A_1056, %and3A_1 : vector<16xi32>
    %add3A_1058 = arith.constant 7 : i32
    %add3A_1059 = vector.broadcast %add3A_1058 : i32 to vector<16xi32>
    %add3A_1060 = arith.addi %sub3A_1057, %add3A_1059 : vector<16xi32>
    %mul3A_1061 = arith.constant 240 : i32
    %mul3A_1062 = vector.broadcast %mul3A_1061 : i32 to vector<16xi32>
    %mul3A_1063 = arith.muli %add3A_1060, %mul3A_1062 : vector<16xi32>
    %mul3A_1064 = arith.constant 16 : i32
    %mul3A_1065 = vector.broadcast %mul3A_1064 : i32 to vector<16xi32>
    %mul3A_1066 = arith.muli %sub3A_1054, %mul3A_1065 : vector<16xi32>
    %add3A_1067 = arith.addi %mul3A_1063, %mul3A_1066 : vector<16xi32>
    %add3A_1068 = vector.broadcast %arg1 : i32 to vector<16xi32>
    %add3A_1069 = arith.addi %add3A_1067, %add3A_1068 : vector<16xi32>
    %gather3A_1070 = tpu.vector_load_idx %arg4[%add3A_1069] : memref<3600xf32, #tpu.memory_space<vmem>>[vector<16xi32>], vector<16xf32>,
    %swap3A_1071 = arith.constant 3 : i32
    %swap3A_1072 = arith.index_cast %swap3A_1071 : i32 to index
    %swap3A_1073 = arith.constant 2088 : index
    %swap3A_1074 = tpu.vector_load %arg5[%swap3A_1072, %swap3A_1073] {strides = array<i32>} : memref<16x4112xf32, #tpu.memory_space<vmem>>, vector<16xf32>,
    tpu.vector_store %arg5[%swap3A_1072, %swap3A_1073], %gather3A_1070 {strides = array<i32>} : memref<16x4112xf32, #tpu.memory_space<vmem>>, vector<16xf32>,
    %swap3A_1075 = arith.constant 11 : i32
    %swap3A_1076 = arith.index_cast %swap3A_1075 : i32 to index
    %swap3A_1077 = arith.constant 2096 : index
    %swap3A_1078 = tpu.vector_load %arg5[%swap3A_1076, %swap3A_1077] {strides = array<i32>} : memref<16x4112xf32, #tpu.memory_space<vmem>>, vector<16xf32>,
    tpu.vector_store %arg5[%swap3A_1076, %swap3A_1077], %gather3A_1070 {strides = array<i32>} : memref<16x4112xf32, #tpu.memory_space<vmem>>, vector<16xf32>,
    %add3A_1079 = arith.constant 0 : i32
    %add3A_1080 = vector.broadcast %add3A_1079 : i32 to vector<16xi32>
    %add3A_1081 = arith.addi %add3A_1080, %shift_right_arithmetic3A_3 : vector<16xi32>
    %sub3A_1082 = arith.constant 14 : i32
    %sub3A_1083 = vector.broadcast %sub3A_1082 : i32 to vector<16xi32>
    %sub3A_1084 = arith.subi %sub3A_1083, %add3A_1081 : vector<16xi32>
    %sub3A_1085 = arith.constant 4 : i32
    %sub3A_1086 = vector.broadcast %sub3A_1085 : i32 to vector<16xi32>
    %sub3A_1087 = arith.subi %sub3A_1086, %and3A_1 : vector<16xi32>
    %add3A_1088 = arith.constant 7 : i32
    %add3A_1089 = vector.broadcast %add3A_1088 : i32 to vector<16xi32>
    %add3A_1090 = arith.addi %sub3A_1087, %add3A_1089 : vector<16xi32>
    %mul3A_1091 = arith.constant 240 : i32
    %mul3A_1092 = vector.broadcast %mul3A_1091 : i32 to vector<16xi32>
    %mul3A_1093 = arith.muli %add3A_1090, %mul3A_1092 : vector<16xi32>
    %mul3A_1094 = arith.constant 16 : i32
    %mul3A_1095 = vector.broadcast %mul3A_1094 : i32 to vector<16xi32>
    %mul3A_1096 = arith.muli %sub3A_1084, %mul3A_1095 : vector<16xi32>
    %add3A_1097 = arith.addi %mul3A_1093, %mul3A_1096 : vector<16xi32>
    %add3A_1098 = vector.broadcast %arg1 : i32 to vector<16xi32>
    %add3A_1099 = arith.addi %add3A_1097, %add3A_1098 : vector<16xi32>
    %gather3A_1100 = tpu.vector_load_idx %arg4[%add3A_1099] : memref<3600xf32, #tpu.memory_space<vmem>>[vector<16xi32>], vector<16xf32>,
    %swap3A_1101 = arith.constant 4 : i32
    %swap3A_1102 = arith.index_cast %swap3A_1101 : i32 to index
    %swap3A_1103 = arith.constant 1992 : index
    %swap3A_1104 = tpu.vector_load %arg5[%swap3A_1102, %swap3A_1103] {strides = array<i32>} : memref<16x4112xf32, #tpu.memory_space<vmem>>, vector<16xf32>,
    tpu.vector_store %arg5[%swap3A_1102, %swap3A_1103], %gather3A_1100 {strides = array<i32>} : memref<16x4112xf32, #tpu.memory_space<vmem>>, vector<16xf32>,
    %swap3A_1105 = arith.constant 12 : i32
    %swap3A_1106 = arith.index_cast %swap3A_1105 : i32 to index
    %swap3A_1107 = arith.constant 2000 : index
    %swap3A_1108 = tpu.vector_load %arg5[%swap3A_1106, %swap3A_1107] {strides = array<i32>} : memref<16x4112xf32, #tpu.memory_space<vmem>>, vector<16xf32>,
    tpu.vector_store %arg5[%swap3A_1106, %swap3A_1107], %gather3A_1100 {strides = array<i32>} : memref<16x4112xf32, #tpu.memory_space<vmem>>, vector<16xf32>,
    %add3A_1109 = arith.constant 2 : i32
    %add3A_1110 = vector.broadcast %add3A_1109 : i32 to vector<16xi32>
    %add3A_1111 = arith.addi %add3A_1110, %shift_right_arithmetic3A_3 : vector<16xi32>
    %sub3A_1112 = arith.constant 14 : i32
    %sub3A_1113 = vector.broadcast %sub3A_1112 : i32 to vector<16xi32>
    %sub3A_1114 = arith.subi %sub3A_1113, %add3A_1111 : vector<16xi32>
    %sub3A_1115 = arith.constant 4 : i32
    %sub3A_1116 = vector.broadcast %sub3A_1115 : i32 to vector<16xi32>
    %sub3A_1117 = arith.subi %sub3A_1116, %and3A_1 : vector<16xi32>
    %add3A_1118 = arith.constant 7 : i32
    %add3A_1119 = vector.broadcast %add3A_1118 : i32 to vector<16xi32>
    %add3A_1120 = arith.addi %sub3A_1117, %add3A_1119 : vector<16xi32>
    %mul3A_1121 = arith.constant 240 : i32
    %mul3A_1122 = vector.broadcast %mul3A_1121 : i32 to vector<16xi32>
    %mul3A_1123 = arith.muli %add3A_1120, %mul3A_1122 : vector<16xi32>
    %mul3A_1124 = arith.constant 16 : i32
    %mul3A_1125 = vector.broadcast %mul3A_1124 : i32 to vector<16xi32>
    %mul3A_1126 = arith.muli %sub3A_1114, %mul3A_1125 : vector<16xi32>
    %add3A_1127 = arith.addi %mul3A_1123, %mul3A_1126 : vector<16xi32>
    %add3A_1128 = vector.broadcast %arg1 : i32 to vector<16xi32>
    %add3A_1129 = arith.addi %add3A_1127, %add3A_1128 : vector<16xi32>
    %gather3A_1130 = tpu.vector_load_idx %arg4[%add3A_1129] : memref<3600xf32, #tpu.memory_space<vmem>>[vector<16xi32>], vector<16xf32>,
    %swap3A_1131 = arith.constant 4 : i32
    %swap3A_1132 = arith.index_cast %swap3A_1131 : i32 to index
    %swap3A_1133 = arith.constant 2008 : index
    %swap3A_1134 = tpu.vector_load %arg5[%swap3A_1132, %swap3A_1133] {strides = array<i32>} : memref<16x4112xf32, #tpu.memory_space<vmem>>, vector<16xf32>,
    tpu.vector_store %arg5[%swap3A_1132, %swap3A_1133], %gather3A_1130 {strides = array<i32>} : memref<16x4112xf32, #tpu.memory_space<vmem>>, vector<16xf32>,
    %swap3A_1135 = arith.constant 12 : i32
    %swap3A_1136 = arith.index_cast %swap3A_1135 : i32 to index
    %swap3A_1137 = arith.constant 2016 : index
    %swap3A_1138 = tpu.vector_load %arg5[%swap3A_1136, %swap3A_1137] {strides = array<i32>} : memref<16x4112xf32, #tpu.memory_space<vmem>>, vector<16xf32>,
    tpu.vector_store %arg5[%swap3A_1136, %swap3A_1137], %gather3A_1130 {strides = array<i32>} : memref<16x4112xf32, #tpu.memory_space<vmem>>, vector<16xf32>,
    %add3A_1139 = arith.constant 4 : i32
    %add3A_1140 = vector.broadcast %add3A_1139 : i32 to vector<16xi32>
    %add3A_1141 = arith.addi %add3A_1140, %shift_right_arithmetic3A_3 : vector<16xi32>
    %sub3A_1142 = arith.constant 14 : i32
    %sub3A_1143 = vector.broadcast %sub3A_1142 : i32 to vector<16xi32>
    %sub3A_1144 = arith.subi %sub3A_1143, %add3A_1141 : vector<16xi32>
    %sub3A_1145 = arith.constant 4 : i32
    %sub3A_1146 = vector.broadcast %sub3A_1145 : i32 to vector<16xi32>
    %sub3A_1147 = arith.subi %sub3A_1146, %and3A_1 : vector<16xi32>
    %add3A_1148 = arith.constant 7 : i32
    %add3A_1149 = vector.broadcast %add3A_1148 : i32 to vector<16xi32>
    %add3A_1150 = arith.addi %sub3A_1147, %add3A_1149 : vector<16xi32>
    %mul3A_1151 = arith.constant 240 : i32
    %mul3A_1152 = vector.broadcast %mul3A_1151 : i32 to vector<16xi32>
    %mul3A_1153 = arith.muli %add3A_1150, %mul3A_1152 : vector<16xi32>
    %mul3A_1154 = arith.constant 16 : i32
    %mul3A_1155 = vector.broadcast %mul3A_1154 : i32 to vector<16xi32>
    %mul3A_1156 = arith.muli %sub3A_1144, %mul3A_1155 : vector<16xi32>
    %add3A_1157 = arith.addi %mul3A_1153, %mul3A_1156 : vector<16xi32>
    %add3A_1158 = vector.broadcast %arg1 : i32 to vector<16xi32>
    %add3A_1159 = arith.addi %add3A_1157, %add3A_1158 : vector<16xi32>
    %gather3A_1160 = tpu.vector_load_idx %arg4[%add3A_1159] : memref<3600xf32, #tpu.memory_space<vmem>>[vector<16xi32>], vector<16xf32>,
    %swap3A_1161 = arith.constant 4 : i32
    %swap3A_1162 = arith.index_cast %swap3A_1161 : i32 to index
    %swap3A_1163 = arith.constant 2024 : index
    %swap3A_1164 = tpu.vector_load %arg5[%swap3A_1162, %swap3A_1163] {strides = array<i32>} : memref<16x4112xf32, #tpu.memory_space<vmem>>, vector<16xf32>,
    tpu.vector_store %arg5[%swap3A_1162, %swap3A_1163], %gather3A_1160 {strides = array<i32>} : memref<16x4112xf32, #tpu.memory_space<vmem>>, vector<16xf32>,
    %swap3A_1165 = arith.constant 12 : i32
    %swap3A_1166 = arith.index_cast %swap3A_1165 : i32 to index
    %swap3A_1167 = arith.constant 2032 : index
    %swap3A_1168 = tpu.vector_load %arg5[%swap3A_1166, %swap3A_1167] {strides = array<i32>} : memref<16x4112xf32, #tpu.memory_space<vmem>>, vector<16xf32>,
    tpu.vector_store %arg5[%swap3A_1166, %swap3A_1167], %gather3A_1160 {strides = array<i32>} : memref<16x4112xf32, #tpu.memory_space<vmem>>, vector<16xf32>,
    %add3A_1169 = arith.constant 6 : i32
    %add3A_1170 = vector.broadcast %add3A_1169 : i32 to vector<16xi32>
    %add3A_1171 = arith.addi %add3A_1170, %shift_right_arithmetic3A_3 : vector<16xi32>
    %sub3A_1172 = arith.constant 14 : i32
    %sub3A_1173 = vector.broadcast %sub3A_1172 : i32 to vector<16xi32>
    %sub3A_1174 = arith.subi %sub3A_1173, %add3A_1171 : vector<16xi32>
    %sub3A_1175 = arith.constant 4 : i32
    %sub3A_1176 = vector.broadcast %sub3A_1175 : i32 to vector<16xi32>
    %sub3A_1177 = arith.subi %sub3A_1176, %and3A_1 : vector<16xi32>
    %add3A_1178 = arith.constant 7 : i32
    %add3A_1179 = vector.broadcast %add3A_1178 : i32 to vector<16xi32>
    %add3A_1180 = arith.addi %sub3A_1177, %add3A_1179 : vector<16xi32>
    %mul3A_1181 = arith.constant 240 : i32
    %mul3A_1182 = vector.broadcast %mul3A_1181 : i32 to vector<16xi32>
    %mul3A_1183 = arith.muli %add3A_1180, %mul3A_1182 : vector<16xi32>
    %mul3A_1184 = arith.constant 16 : i32
    %mul3A_1185 = vector.broadcast %mul3A_1184 : i32 to vector<16xi32>
    %mul3A_1186 = arith.muli %sub3A_1174, %mul3A_1185 : vector<16xi32>
    %add3A_1187 = arith.addi %mul3A_1183, %mul3A_1186 : vector<16xi32>
    %add3A_1188 = vector.broadcast %arg1 : i32 to vector<16xi32>
    %add3A_1189 = arith.addi %add3A_1187, %add3A_1188 : vector<16xi32>
    %gather3A_1190 = tpu.vector_load_idx %arg4[%add3A_1189] : memref<3600xf32, #tpu.memory_space<vmem>>[vector<16xi32>], vector<16xf32>,
    %swap3A_1191 = arith.constant 4 : i32
    %swap3A_1192 = arith.index_cast %swap3A_1191 : i32 to index
    %swap3A_1193 = arith.constant 2040 : index
    %swap3A_1194 = tpu.vector_load %arg5[%swap3A_1192, %swap3A_1193] {strides = array<i32>} : memref<16x4112xf32, #tpu.memory_space<vmem>>, vector<16xf32>,
    tpu.vector_store %arg5[%swap3A_1192, %swap3A_1193], %gather3A_1190 {strides = array<i32>} : memref<16x4112xf32, #tpu.memory_space<vmem>>, vector<16xf32>,
    %swap3A_1195 = arith.constant 12 : i32
    %swap3A_1196 = arith.index_cast %swap3A_1195 : i32 to index
    %swap3A_1197 = arith.constant 2048 : index
    %swap3A_1198 = tpu.vector_load %arg5[%swap3A_1196, %swap3A_1197] {strides = array<i32>} : memref<16x4112xf32, #tpu.memory_space<vmem>>, vector<16xf32>,
    tpu.vector_store %arg5[%swap3A_1196, %swap3A_1197], %gather3A_1190 {strides = array<i32>} : memref<16x4112xf32, #tpu.memory_space<vmem>>, vector<16xf32>,
    %add3A_1199 = arith.constant 8 : i32
    %add3A_1200 = vector.broadcast %add3A_1199 : i32 to vector<16xi32>
    %add3A_1201 = arith.addi %add3A_1200, %shift_right_arithmetic3A_3 : vector<16xi32>
    %sub3A_1202 = arith.constant 14 : i32
    %sub3A_1203 = vector.broadcast %sub3A_1202 : i32 to vector<16xi32>
    %sub3A_1204 = arith.subi %sub3A_1203, %add3A_1201 : vector<16xi32>
    %sub3A_1205 = arith.constant 4 : i32
    %sub3A_1206 = vector.broadcast %sub3A_1205 : i32 to vector<16xi32>
    %sub3A_1207 = arith.subi %sub3A_1206, %and3A_1 : vector<16xi32>
    %add3A_1208 = arith.constant 7 : i32
    %add3A_1209 = vector.broadcast %add3A_1208 : i32 to vector<16xi32>
    %add3A_1210 = arith.addi %sub3A_1207, %add3A_1209 : vector<16xi32>
    %mul3A_1211 = arith.constant 240 : i32
    %mul3A_1212 = vector.broadcast %mul3A_1211 : i32 to vector<16xi32>
    %mul3A_1213 = arith.muli %add3A_1210, %mul3A_1212 : vector<16xi32>
    %mul3A_1214 = arith.constant 16 : i32
    %mul3A_1215 = vector.broadcast %mul3A_1214 : i32 to vector<16xi32>
    %mul3A_1216 = arith.muli %sub3A_1204, %mul3A_1215 : vector<16xi32>
    %add3A_1217 = arith.addi %mul3A_1213, %mul3A_1216 : vector<16xi32>
    %add3A_1218 = vector.broadcast %arg1 : i32 to vector<16xi32>
    %add3A_1219 = arith.addi %add3A_1217, %add3A_1218 : vector<16xi32>
    %gather3A_1220 = tpu.vector_load_idx %arg4[%add3A_1219] : memref<3600xf32, #tpu.memory_space<vmem>>[vector<16xi32>], vector<16xf32>,
    %swap3A_1221 = arith.constant 4 : i32
    %swap3A_1222 = arith.index_cast %swap3A_1221 : i32 to index
    %swap3A_1223 = arith.constant 2056 : index
    %swap3A_1224 = tpu.vector_load %arg5[%swap3A_1222, %swap3A_1223] {strides = array<i32>} : memref<16x4112xf32, #tpu.memory_space<vmem>>, vector<16xf32>,
    tpu.vector_store %arg5[%swap3A_1222, %swap3A_1223], %gather3A_1220 {strides = array<i32>} : memref<16x4112xf32, #tpu.memory_space<vmem>>, vector<16xf32>,
    %swap3A_1225 = arith.constant 12 : i32
    %swap3A_1226 = arith.index_cast %swap3A_1225 : i32 to index
    %swap3A_1227 = arith.constant 2064 : index
    %swap3A_1228 = tpu.vector_load %arg5[%swap3A_1226, %swap3A_1227] {strides = array<i32>} : memref<16x4112xf32, #tpu.memory_space<vmem>>, vector<16xf32>,
    tpu.vector_store %arg5[%swap3A_1226, %swap3A_1227], %gather3A_1220 {strides = array<i32>} : memref<16x4112xf32, #tpu.memory_space<vmem>>, vector<16xf32>,
    %add3A_1229 = arith.constant 10 : i32
    %add3A_1230 = vector.broadcast %add3A_1229 : i32 to vector<16xi32>
    %add3A_1231 = arith.addi %add3A_1230, %shift_right_arithmetic3A_3 : vector<16xi32>
    %sub3A_1232 = arith.constant 14 : i32
    %sub3A_1233 = vector.broadcast %sub3A_1232 : i32 to vector<16xi32>
    %sub3A_1234 = arith.subi %sub3A_1233, %add3A_1231 : vector<16xi32>
    %sub3A_1235 = arith.constant 4 : i32
    %sub3A_1236 = vector.broadcast %sub3A_1235 : i32 to vector<16xi32>
    %sub3A_1237 = arith.subi %sub3A_1236, %and3A_1 : vector<16xi32>
    %add3A_1238 = arith.constant 7 : i32
    %add3A_1239 = vector.broadcast %add3A_1238 : i32 to vector<16xi32>
    %add3A_1240 = arith.addi %sub3A_1237, %add3A_1239 : vector<16xi32>
    %mul3A_1241 = arith.constant 240 : i32
    %mul3A_1242 = vector.broadcast %mul3A_1241 : i32 to vector<16xi32>
    %mul3A_1243 = arith.muli %add3A_1240, %mul3A_1242 : vector<16xi32>
    %mul3A_1244 = arith.constant 16 : i32
    %mul3A_1245 = vector.broadcast %mul3A_1244 : i32 to vector<16xi32>
    %mul3A_1246 = arith.muli %sub3A_1234, %mul3A_1245 : vector<16xi32>
    %add3A_1247 = arith.addi %mul3A_1243, %mul3A_1246 : vector<16xi32>
    %add3A_1248 = vector.broadcast %arg1 : i32 to vector<16xi32>
    %add3A_1249 = arith.addi %add3A_1247, %add3A_1248 : vector<16xi32>
    %gather3A_1250 = tpu.vector_load_idx %arg4[%add3A_1249] : memref<3600xf32, #tpu.memory_space<vmem>>[vector<16xi32>], vector<16xf32>,
    %swap3A_1251 = arith.constant 4 : i32
    %swap3A_1252 = arith.index_cast %swap3A_1251 : i32 to index
    %swap3A_1253 = arith.constant 2072 : index
    %swap3A_1254 = tpu.vector_load %arg5[%swap3A_1252, %swap3A_1253] {strides = array<i32>} : memref<16x4112xf32, #tpu.memory_space<vmem>>, vector<16xf32>,
    tpu.vector_store %arg5[%swap3A_1252, %swap3A_1253], %gather3A_1250 {strides = array<i32>} : memref<16x4112xf32, #tpu.memory_space<vmem>>, vector<16xf32>,
    %swap3A_1255 = arith.constant 12 : i32
    %swap3A_1256 = arith.index_cast %swap3A_1255 : i32 to index
    %swap3A_1257 = arith.constant 2080 : index
    %swap3A_1258 = tpu.vector_load %arg5[%swap3A_1256, %swap3A_1257] {strides = array<i32>} : memref<16x4112xf32, #tpu.memory_space<vmem>>, vector<16xf32>,
    tpu.vector_store %arg5[%swap3A_1256, %swap3A_1257], %gather3A_1250 {strides = array<i32>} : memref<16x4112xf32, #tpu.memory_space<vmem>>, vector<16xf32>,
    %add3A_1259 = arith.constant 12 : i32
    %add3A_1260 = vector.broadcast %add3A_1259 : i32 to vector<16xi32>
    %add3A_1261 = arith.addi %add3A_1260, %shift_right_arithmetic3A_3 : vector<16xi32>
    %sub3A_1262 = arith.constant 14 : i32
    %sub3A_1263 = vector.broadcast %sub3A_1262 : i32 to vector<16xi32>
    %sub3A_1264 = arith.subi %sub3A_1263, %add3A_1261 : vector<16xi32>
    %sub3A_1265 = arith.constant 4 : i32
    %sub3A_1266 = vector.broadcast %sub3A_1265 : i32 to vector<16xi32>
    %sub3A_1267 = arith.subi %sub3A_1266, %and3A_1 : vector<16xi32>
    %add3A_1268 = arith.constant 7 : i32
    %add3A_1269 = vector.broadcast %add3A_1268 : i32 to vector<16xi32>
    %add3A_1270 = arith.addi %sub3A_1267, %add3A_1269 : vector<16xi32>
    %mul3A_1271 = arith.constant 240 : i32
    %mul3A_1272 = vector.broadcast %mul3A_1271 : i32 to vector<16xi32>
    %mul3A_1273 = arith.muli %add3A_1270, %mul3A_1272 : vector<16xi32>
    %mul3A_1274 = arith.constant 16 : i32
    %mul3A_1275 = vector.broadcast %mul3A_1274 : i32 to vector<16xi32>
    %mul3A_1276 = arith.muli %sub3A_1264, %mul3A_1275 : vector<16xi32>
    %add3A_1277 = arith.addi %mul3A_1273, %mul3A_1276 : vector<16xi32>
    %add3A_1278 = vector.broadcast %arg1 : i32 to vector<16xi32>
    %add3A_1279 = arith.addi %add3A_1277, %add3A_1278 : vector<16xi32>
    %gather3A_1280 = tpu.vector_load_idx %arg4[%add3A_1279] : memref<3600xf32, #tpu.memory_space<vmem>>[vector<16xi32>], vector<16xf32>,
    %swap3A_1281 = arith.constant 4 : i32
    %swap3A_1282 = arith.index_cast %swap3A_1281 : i32 to index
    %swap3A_1283 = arith.constant 2088 : index
    %swap3A_1284 = tpu.vector_load %arg5[%swap3A_1282, %swap3A_1283] {strides = array<i32>} : memref<16x4112xf32, #tpu.memory_space<vmem>>, vector<16xf32>,
    tpu.vector_store %arg5[%swap3A_1282, %swap3A_1283], %gather3A_1280 {strides = array<i32>} : memref<16x4112xf32, #tpu.memory_space<vmem>>, vector<16xf32>,
    %swap3A_1285 = arith.constant 12 : i32
    %swap3A_1286 = arith.index_cast %swap3A_1285 : i32 to index
    %swap3A_1287 = arith.constant 2096 : index
    %swap3A_1288 = tpu.vector_load %arg5[%swap3A_1286, %swap3A_1287] {strides = array<i32>} : memref<16x4112xf32, #tpu.memory_space<vmem>>, vector<16xf32>,
    tpu.vector_store %arg5[%swap3A_1286, %swap3A_1287], %gather3A_1280 {strides = array<i32>} : memref<16x4112xf32, #tpu.memory_space<vmem>>, vector<16xf32>,
    %add3A_1289 = arith.constant 0 : i32
    %add3A_1290 = vector.broadcast %add3A_1289 : i32 to vector<16xi32>
    %add3A_1291 = arith.addi %add3A_1290, %shift_right_arithmetic3A_3 : vector<16xi32>
    %sub3A_1292 = arith.constant 14 : i32
    %sub3A_1293 = vector.broadcast %sub3A_1292 : i32 to vector<16xi32>
    %sub3A_1294 = arith.subi %sub3A_1293, %add3A_1291 : vector<16xi32>
    %sub3A_1295 = arith.constant 5 : i32
    %sub3A_1296 = vector.broadcast %sub3A_1295 : i32 to vector<16xi32>
    %sub3A_1297 = arith.subi %sub3A_1296, %and3A_1 : vector<16xi32>
    %add3A_1298 = arith.constant 7 : i32
    %add3A_1299 = vector.broadcast %add3A_1298 : i32 to vector<16xi32>
    %add3A_1300 = arith.addi %sub3A_1297, %add3A_1299 : vector<16xi32>
    %mul3A_1301 = arith.constant 240 : i32
    %mul3A_1302 = vector.broadcast %mul3A_1301 : i32 to vector<16xi32>
    %mul3A_1303 = arith.muli %add3A_1300, %mul3A_1302 : vector<16xi32>
    %mul3A_1304 = arith.constant 16 : i32
    %mul3A_1305 = vector.broadcast %mul3A_1304 : i32 to vector<16xi32>
    %mul3A_1306 = arith.muli %sub3A_1294, %mul3A_1305 : vector<16xi32>
    %add3A_1307 = arith.addi %mul3A_1303, %mul3A_1306 : vector<16xi32>
    %add3A_1308 = vector.broadcast %arg1 : i32 to vector<16xi32>
    %add3A_1309 = arith.addi %add3A_1307, %add3A_1308 : vector<16xi32>
    %gather3A_1310 = tpu.vector_load_idx %arg4[%add3A_1309] : memref<3600xf32, #tpu.memory_space<vmem>>[vector<16xi32>], vector<16xf32>,
    %swap3A_1311 = arith.constant 5 : i32
    %swap3A_1312 = arith.index_cast %swap3A_1311 : i32 to index
    %swap3A_1313 = arith.constant 1992 : index
    %swap3A_1314 = tpu.vector_load %arg5[%swap3A_1312, %swap3A_1313] {strides = array<i32>} : memref<16x4112xf32, #tpu.memory_space<vmem>>, vector<16xf32>,
    tpu.vector_store %arg5[%swap3A_1312, %swap3A_1313], %gather3A_1310 {strides = array<i32>} : memref<16x4112xf32, #tpu.memory_space<vmem>>, vector<16xf32>,
    %swap3A_1315 = arith.constant 13 : i32
    %swap3A_1316 = arith.index_cast %swap3A_1315 : i32 to index
    %swap3A_1317 = arith.constant 2000 : index
    %swap3A_1318 = tpu.vector_load %arg5[%swap3A_1316, %swap3A_1317] {strides = array<i32>} : memref<16x4112xf32, #tpu.memory_space<vmem>>, vector<16xf32>,
    tpu.vector_store %arg5[%swap3A_1316, %swap3A_1317], %gather3A_1310 {strides = array<i32>} : memref<16x4112xf32, #tpu.memory_space<vmem>>, vector<16xf32>,
    %add3A_1319 = arith.constant 2 : i32
    %add3A_1320 = vector.broadcast %add3A_1319 : i32 to vector<16xi32>
    %add3A_1321 = arith.addi %add3A_1320, %shift_right_arithmetic3A_3 : vector<16xi32>
    %sub3A_1322 = arith.constant 14 : i32
    %sub3A_1323 = vector.broadcast %sub3A_1322 : i32 to vector<16xi32>
    %sub3A_1324 = arith.subi %sub3A_1323, %add3A_1321 : vector<16xi32>
    %sub3A_1325 = arith.constant 5 : i32
    %sub3A_1326 = vector.broadcast %sub3A_1325 : i32 to vector<16xi32>
    %sub3A_1327 = arith.subi %sub3A_1326, %and3A_1 : vector<16xi32>
    %add3A_1328 = arith.constant 7 : i32
    %add3A_1329 = vector.broadcast %add3A_1328 : i32 to vector<16xi32>
    %add3A_1330 = arith.addi %sub3A_1327, %add3A_1329 : vector<16xi32>
    %mul3A_1331 = arith.constant 240 : i32
    %mul3A_1332 = vector.broadcast %mul3A_1331 : i32 to vector<16xi32>
    %mul3A_1333 = arith.muli %add3A_1330, %mul3A_1332 : vector<16xi32>
    %mul3A_1334 = arith.constant 16 : i32
    %mul3A_1335 = vector.broadcast %mul3A_1334 : i32 to vector<16xi32>
    %mul3A_1336 = arith.muli %sub3A_1324, %mul3A_1335 : vector<16xi32>
    %add3A_1337 = arith.addi %mul3A_1333, %mul3A_1336 : vector<16xi32>
    %add3A_1338 = vector.broadcast %arg1 : i32 to vector<16xi32>
    %add3A_1339 = arith.addi %add3A_1337, %add3A_1338 : vector<16xi32>
    %gather3A_1340 = tpu.vector_load_idx %arg4[%add3A_1339] : memref<3600xf32, #tpu.memory_space<vmem>>[vector<16xi32>], vector<16xf32>,
    %swap3A_1341 = arith.constant 5 : i32
    %swap3A_1342 = arith.index_cast %swap3A_1341 : i32 to index
    %swap3A_1343 = arith.constant 2008 : index
    %swap3A_1344 = tpu.vector_load %arg5[%swap3A_1342, %swap3A_1343] {strides = array<i32>} : memref<16x4112xf32, #tpu.memory_space<vmem>>, vector<16xf32>,
    tpu.vector_store %arg5[%swap3A_1342, %swap3A_1343], %gather3A_1340 {strides = array<i32>} : memref<16x4112xf32, #tpu.memory_space<vmem>>, vector<16xf32>,
    %swap3A_1345 = arith.constant 13 : i32
    %swap3A_1346 = arith.index_cast %swap3A_1345 : i32 to index
    %swap3A_1347 = arith.constant 2016 : index
    %swap3A_1348 = tpu.vector_load %arg5[%swap3A_1346, %swap3A_1347] {strides = array<i32>} : memref<16x4112xf32, #tpu.memory_space<vmem>>, vector<16xf32>,
    tpu.vector_store %arg5[%swap3A_1346, %swap3A_1347], %gather3A_1340 {strides = array<i32>} : memref<16x4112xf32, #tpu.memory_space<vmem>>, vector<16xf32>,
    %add3A_1349 = arith.constant 4 : i32
    %add3A_1350 = vector.broadcast %add3A_1349 : i32 to vector<16xi32>
    %add3A_1351 = arith.addi %add3A_1350, %shift_right_arithmetic3A_3 : vector<16xi32>
    %sub3A_1352 = arith.constant 14 : i32
    %sub3A_1353 = vector.broadcast %sub3A_1352 : i32 to vector<16xi32>
    %sub3A_1354 = arith.subi %sub3A_1353, %add3A_1351 : vector<16xi32>
    %sub3A_1355 = arith.constant 5 : i32
    %sub3A_1356 = vector.broadcast %sub3A_1355 : i32 to vector<16xi32>
    %sub3A_1357 = arith.subi %sub3A_1356, %and3A_1 : vector<16xi32>
    %add3A_1358 = arith.constant 7 : i32
    %add3A_1359 = vector.broadcast %add3A_1358 : i32 to vector<16xi32>
    %add3A_1360 = arith.addi %sub3A_1357, %add3A_1359 : vector<16xi32>
    %mul3A_1361 = arith.constant 240 : i32
    %mul3A_1362 = vector.broadcast %mul3A_1361 : i32 to vector<16xi32>
    %mul3A_1363 = arith.muli %add3A_1360, %mul3A_1362 : vector<16xi32>
    %mul3A_1364 = arith.constant 16 : i32
    %mul3A_1365 = vector.broadcast %mul3A_1364 : i32 to vector<16xi32>
    %mul3A_1366 = arith.muli %sub3A_1354, %mul3A_1365 : vector<16xi32>
    %add3A_1367 = arith.addi %mul3A_1363, %mul3A_1366 : vector<16xi32>
    %add3A_1368 = vector.broadcast %arg1 : i32 to vector<16xi32>
    %add3A_1369 = arith.addi %add3A_1367, %add3A_1368 : vector<16xi32>
    %gather3A_1370 = tpu.vector_load_idx %arg4[%add3A_1369] : memref<3600xf32, #tpu.memory_space<vmem>>[vector<16xi32>], vector<16xf32>,
    %swap3A_1371 = arith.constant 5 : i32
    %swap3A_1372 = arith.index_cast %swap3A_1371 : i32 to index
    %swap3A_1373 = arith.constant 2024 : index
    %swap3A_1374 = tpu.vector_load %arg5[%swap3A_1372, %swap3A_1373] {strides = array<i32>} : memref<16x4112xf32, #tpu.memory_space<vmem>>, vector<16xf32>,
    tpu.vector_store %arg5[%swap3A_1372, %swap3A_1373], %gather3A_1370 {strides = array<i32>} : memref<16x4112xf32, #tpu.memory_space<vmem>>, vector<16xf32>,
    %swap3A_1375 = arith.constant 13 : i32
    %swap3A_1376 = arith.index_cast %swap3A_1375 : i32 to index
    %swap3A_1377 = arith.constant 2032 : index
    %swap3A_1378 = tpu.vector_load %arg5[%swap3A_1376, %swap3A_1377] {strides = array<i32>} : memref<16x4112xf32, #tpu.memory_space<vmem>>, vector<16xf32>,
    tpu.vector_store %arg5[%swap3A_1376, %swap3A_1377], %gather3A_1370 {strides = array<i32>} : memref<16x4112xf32, #tpu.memory_space<vmem>>, vector<16xf32>,
    %add3A_1379 = arith.constant 6 : i32
    %add3A_1380 = vector.broadcast %add3A_1379 : i32 to vector<16xi32>
    %add3A_1381 = arith.addi %add3A_1380, %shift_right_arithmetic3A_3 : vector<16xi32>
    %sub3A_1382 = arith.constant 14 : i32
    %sub3A_1383 = vector.broadcast %sub3A_1382 : i32 to vector<16xi32>
    %sub3A_1384 = arith.subi %sub3A_1383, %add3A_1381 : vector<16xi32>
    %sub3A_1385 = arith.constant 5 : i32
    %sub3A_1386 = vector.broadcast %sub3A_1385 : i32 to vector<16xi32>
    %sub3A_1387 = arith.subi %sub3A_1386, %and3A_1 : vector<16xi32>
    %add3A_1388 = arith.constant 7 : i32
    %add3A_1389 = vector.broadcast %add3A_1388 : i32 to vector<16xi32>
    %add3A_1390 = arith.addi %sub3A_1387, %add3A_1389 : vector<16xi32>
    %mul3A_1391 = arith.constant 240 : i32
    %mul3A_1392 = vector.broadcast %mul3A_1391 : i32 to vector<16xi32>
    %mul3A_1393 = arith.muli %add3A_1390, %mul3A_1392 : vector<16xi32>
    %mul3A_1394 = arith.constant 16 : i32
    %mul3A_1395 = vector.broadcast %mul3A_1394 : i32 to vector<16xi32>
    %mul3A_1396 = arith.muli %sub3A_1384, %mul3A_1395 : vector<16xi32>
    %add3A_1397 = arith.addi %mul3A_1393, %mul3A_1396 : vector<16xi32>
    %add3A_1398 = vector.broadcast %arg1 : i32 to vector<16xi32>
    %add3A_1399 = arith.addi %add3A_1397, %add3A_1398 : vector<16xi32>
    %gather3A_1400 = tpu.vector_load_idx %arg4[%add3A_1399] : memref<3600xf32, #tpu.memory_space<vmem>>[vector<16xi32>], vector<16xf32>,
    %swap3A_1401 = arith.constant 5 : i32
    %swap3A_1402 = arith.index_cast %swap3A_1401 : i32 to index
    %swap3A_1403 = arith.constant 2040 : index
    %swap3A_1404 = tpu.vector_load %arg5[%swap3A_1402, %swap3A_1403] {strides = array<i32>} : memref<16x4112xf32, #tpu.memory_space<vmem>>, vector<16xf32>,
    tpu.vector_store %arg5[%swap3A_1402, %swap3A_1403], %gather3A_1400 {strides = array<i32>} : memref<16x4112xf32, #tpu.memory_space<vmem>>, vector<16xf32>,
    %swap3A_1405 = arith.constant 13 : i32
    %swap3A_1406 = arith.index_cast %swap3A_1405 : i32 to index
    %swap3A_1407 = arith.constant 2048 : index
    %swap3A_1408 = tpu.vector_load %arg5[%swap3A_1406, %swap3A_1407] {strides = array<i32>} : memref<16x4112xf32, #tpu.memory_space<vmem>>, vector<16xf32>,
    tpu.vector_store %arg5[%swap3A_1406, %swap3A_1407], %gather3A_1400 {strides = array<i32>} : memref<16x4112xf32, #tpu.memory_space<vmem>>, vector<16xf32>,
    %add3A_1409 = arith.constant 8 : i32
    %add3A_1410 = vector.broadcast %add3A_1409 : i32 to vector<16xi32>
    %add3A_1411 = arith.addi %add3A_1410, %shift_right_arithmetic3A_3 : vector<16xi32>
    %sub3A_1412 = arith.constant 14 : i32
    %sub3A_1413 = vector.broadcast %sub3A_1412 : i32 to vector<16xi32>
    %sub3A_1414 = arith.subi %sub3A_1413, %add3A_1411 : vector<16xi32>
    %sub3A_1415 = arith.constant 5 : i32
    %sub3A_1416 = vector.broadcast %sub3A_1415 : i32 to vector<16xi32>
    %sub3A_1417 = arith.subi %sub3A_1416, %and3A_1 : vector<16xi32>
    %add3A_1418 = arith.constant 7 : i32
    %add3A_1419 = vector.broadcast %add3A_1418 : i32 to vector<16xi32>
    %add3A_1420 = arith.addi %sub3A_1417, %add3A_1419 : vector<16xi32>
    %mul3A_1421 = arith.constant 240 : i32
    %mul3A_1422 = vector.broadcast %mul3A_1421 : i32 to vector<16xi32>
    %mul3A_1423 = arith.muli %add3A_1420, %mul3A_1422 : vector<16xi32>
    %mul3A_1424 = arith.constant 16 : i32
    %mul3A_1425 = vector.broadcast %mul3A_1424 : i32 to vector<16xi32>
    %mul3A_1426 = arith.muli %sub3A_1414, %mul3A_1425 : vector<16xi32>
    %add3A_1427 = arith.addi %mul3A_1423, %mul3A_1426 : vector<16xi32>
    %add3A_1428 = vector.broadcast %arg1 : i32 to vector<16xi32>
    %add3A_1429 = arith.addi %add3A_1427, %add3A_1428 : vector<16xi32>
    %gather3A_1430 = tpu.vector_load_idx %arg4[%add3A_1429] : memref<3600xf32, #tpu.memory_space<vmem>>[vector<16xi32>], vector<16xf32>,
    %swap3A_1431 = arith.constant 5 : i32
    %swap3A_1432 = arith.index_cast %swap3A_1431 : i32 to index
    %swap3A_1433 = arith.constant 2056 : index
    %swap3A_1434 = tpu.vector_load %arg5[%swap3A_1432, %swap3A_1433] {strides = array<i32>} : memref<16x4112xf32, #tpu.memory_space<vmem>>, vector<16xf32>,
    tpu.vector_store %arg5[%swap3A_1432, %swap3A_1433], %gather3A_1430 {strides = array<i32>} : memref<16x4112xf32, #tpu.memory_space<vmem>>, vector<16xf32>,
    %swap3A_1435 = arith.constant 13 : i32
    %swap3A_1436 = arith.index_cast %swap3A_1435 : i32 to index
    %swap3A_1437 = arith.constant 2064 : index
    %swap3A_1438 = tpu.vector_load %arg5[%swap3A_1436, %swap3A_1437] {strides = array<i32>} : memref<16x4112xf32, #tpu.memory_space<vmem>>, vector<16xf32>,
    tpu.vector_store %arg5[%swap3A_1436, %swap3A_1437], %gather3A_1430 {strides = array<i32>} : memref<16x4112xf32, #tpu.memory_space<vmem>>, vector<16xf32>,
    %add3A_1439 = arith.constant 10 : i32
    %add3A_1440 = vector.broadcast %add3A_1439 : i32 to vector<16xi32>
    %add3A_1441 = arith.addi %add3A_1440, %shift_right_arithmetic3A_3 : vector<16xi32>
    %sub3A_1442 = arith.constant 14 : i32
    %sub3A_1443 = vector.broadcast %sub3A_1442 : i32 to vector<16xi32>
    %sub3A_1444 = arith.subi %sub3A_1443, %add3A_1441 : vector<16xi32>
    %sub3A_1445 = arith.constant 5 : i32
    %sub3A_1446 = vector.broadcast %sub3A_1445 : i32 to vector<16xi32>
    %sub3A_1447 = arith.subi %sub3A_1446, %and3A_1 : vector<16xi32>
    %add3A_1448 = arith.constant 7 : i32
    %add3A_1449 = vector.broadcast %add3A_1448 : i32 to vector<16xi32>
    %add3A_1450 = arith.addi %sub3A_1447, %add3A_1449 : vector<16xi32>
    %mul3A_1451 = arith.constant 240 : i32
    %mul3A_1452 = vector.broadcast %mul3A_1451 : i32 to vector<16xi32>
    %mul3A_1453 = arith.muli %add3A_1450, %mul3A_1452 : vector<16xi32>
    %mul3A_1454 = arith.constant 16 : i32
    %mul3A_1455 = vector.broadcast %mul3A_1454 : i32 to vector<16xi32>
    %mul3A_1456 = arith.muli %sub3A_1444, %mul3A_1455 : vector<16xi32>
    %add3A_1457 = arith.addi %mul3A_1453, %mul3A_1456 : vector<16xi32>
    %add3A_1458 = vector.broadcast %arg1 : i32 to vector<16xi32>
    %add3A_1459 = arith.addi %add3A_1457, %add3A_1458 : vector<16xi32>
    %gather3A_1460 = tpu.vector_load_idx %arg4[%add3A_1459] : memref<3600xf32, #tpu.memory_space<vmem>>[vector<16xi32>], vector<16xf32>,
    %swap3A_1461 = arith.constant 5 : i32
    %swap3A_1462 = arith.index_cast %swap3A_1461 : i32 to index
    %swap3A_1463 = arith.constant 2072 : index
    %swap3A_1464 = tpu.vector_load %arg5[%swap3A_1462, %swap3A_1463] {strides = array<i32>} : memref<16x4112xf32, #tpu.memory_space<vmem>>, vector<16xf32>,
    tpu.vector_store %arg5[%swap3A_1462, %swap3A_1463], %gather3A_1460 {strides = array<i32>} : memref<16x4112xf32, #tpu.memory_space<vmem>>, vector<16xf32>,
    %swap3A_1465 = arith.constant 13 : i32
    %swap3A_1466 = arith.index_cast %swap3A_1465 : i32 to index
    %swap3A_1467 = arith.constant 2080 : index
    %swap3A_1468 = tpu.vector_load %arg5[%swap3A_1466, %swap3A_1467] {strides = array<i32>} : memref<16x4112xf32, #tpu.memory_space<vmem>>, vector<16xf32>,
    tpu.vector_store %arg5[%swap3A_1466, %swap3A_1467], %gather3A_1460 {strides = array<i32>} : memref<16x4112xf32, #tpu.memory_space<vmem>>, vector<16xf32>,
    %add3A_1469 = arith.constant 12 : i32
    %add3A_1470 = vector.broadcast %add3A_1469 : i32 to vector<16xi32>
    %add3A_1471 = arith.addi %add3A_1470, %shift_right_arithmetic3A_3 : vector<16xi32>
    %sub3A_1472 = arith.constant 14 : i32
    %sub3A_1473 = vector.broadcast %sub3A_1472 : i32 to vector<16xi32>
    %sub3A_1474 = arith.subi %sub3A_1473, %add3A_1471 : vector<16xi32>
    %sub3A_1475 = arith.constant 5 : i32
    %sub3A_1476 = vector.broadcast %sub3A_1475 : i32 to vector<16xi32>
    %sub3A_1477 = arith.subi %sub3A_1476, %and3A_1 : vector<16xi32>
    %add3A_1478 = arith.constant 7 : i32
    %add3A_1479 = vector.broadcast %add3A_1478 : i32 to vector<16xi32>
    %add3A_1480 = arith.addi %sub3A_1477, %add3A_1479 : vector<16xi32>
    %mul3A_1481 = arith.constant 240 : i32
    %mul3A_1482 = vector.broadcast %mul3A_1481 : i32 to vector<16xi32>
    %mul3A_1483 = arith.muli %add3A_1480, %mul3A_1482 : vector<16xi32>
    %mul3A_1484 = arith.constant 16 : i32
    %mul3A_1485 = vector.broadcast %mul3A_1484 : i32 to vector<16xi32>
    %mul3A_1486 = arith.muli %sub3A_1474, %mul3A_1485 : vector<16xi32>
    %add3A_1487 = arith.addi %mul3A_1483, %mul3A_1486 : vector<16xi32>
    %add3A_1488 = vector.broadcast %arg1 : i32 to vector<16xi32>
    %add3A_1489 = arith.addi %add3A_1487, %add3A_1488 : vector<16xi32>
    %gather3A_1490 = tpu.vector_load_idx %arg4[%add3A_1489] : memref<3600xf32, #tpu.memory_space<vmem>>[vector<16xi32>], vector<16xf32>,
    %swap3A_1491 = arith.constant 5 : i32
    %swap3A_1492 = arith.index_cast %swap3A_1491 : i32 to index
    %swap3A_1493 = arith.constant 2088 : index
    %swap3A_1494 = tpu.vector_load %arg5[%swap3A_1492, %swap3A_1493] {strides = array<i32>} : memref<16x4112xf32, #tpu.memory_space<vmem>>, vector<16xf32>,
    tpu.vector_store %arg5[%swap3A_1492, %swap3A_1493], %gather3A_1490 {strides = array<i32>} : memref<16x4112xf32, #tpu.memory_space<vmem>>, vector<16xf32>,
    %swap3A_1495 = arith.constant 13 : i32
    %swap3A_1496 = arith.index_cast %swap3A_1495 : i32 to index
    %swap3A_1497 = arith.constant 2096 : index
    %swap3A_1498 = tpu.vector_load %arg5[%swap3A_1496, %swap3A_1497] {strides = array<i32>} : memref<16x4112xf32, #tpu.memory_space<vmem>>, vector<16xf32>,
    tpu.vector_store %arg5[%swap3A_1496, %swap3A_1497], %gather3A_1490 {strides = array<i32>} : memref<16x4112xf32, #tpu.memory_space<vmem>>, vector<16xf32>,
    %add3A_1499 = arith.constant 0 : i32
    %add3A_1500 = vector.broadcast %add3A_1499 : i32 to vector<16xi32>
    %add3A_1501 = arith.addi %add3A_1500, %shift_right_arithmetic3A_3 : vector<16xi32>
    %sub3A_1502 = arith.constant 14 : i32
    %sub3A_1503 = vector.broadcast %sub3A_1502 : i32 to vector<16xi32>
    %sub3A_1504 = arith.subi %sub3A_1503, %add3A_1501 : vector<16xi32>
    %sub3A_1505 = arith.constant 6 : i32
    %sub3A_1506 = vector.broadcast %sub3A_1505 : i32 to vector<16xi32>
    %sub3A_1507 = arith.subi %sub3A_1506, %and3A_1 : vector<16xi32>
    %add3A_1508 = arith.constant 7 : i32
    %add3A_1509 = vector.broadcast %add3A_1508 : i32 to vector<16xi32>
    %add3A_1510 = arith.addi %sub3A_1507, %add3A_1509 : vector<16xi32>
    %mul3A_1511 = arith.constant 240 : i32
    %mul3A_1512 = vector.broadcast %mul3A_1511 : i32 to vector<16xi32>
    %mul3A_1513 = arith.muli %add3A_1510, %mul3A_1512 : vector<16xi32>
    %mul3A_1514 = arith.constant 16 : i32
    %mul3A_1515 = vector.broadcast %mul3A_1514 : i32 to vector<16xi32>
    %mul3A_1516 = arith.muli %sub3A_1504, %mul3A_1515 : vector<16xi32>
    %add3A_1517 = arith.addi %mul3A_1513, %mul3A_1516 : vector<16xi32>
    %add3A_1518 = vector.broadcast %arg1 : i32 to vector<16xi32>
    %add3A_1519 = arith.addi %add3A_1517, %add3A_1518 : vector<16xi32>
    %gather3A_1520 = tpu.vector_load_idx %arg4[%add3A_1519] : memref<3600xf32, #tpu.memory_space<vmem>>[vector<16xi32>], vector<16xf32>,
    %swap3A_1521 = arith.constant 6 : i32
    %swap3A_1522 = arith.index_cast %swap3A_1521 : i32 to index
    %swap3A_1523 = arith.constant 1992 : index
    %swap3A_1524 = tpu.vector_load %arg5[%swap3A_1522, %swap3A_1523] {strides = array<i32>} : memref<16x4112xf32, #tpu.memory_space<vmem>>, vector<16xf32>,
    tpu.vector_store %arg5[%swap3A_1522, %swap3A_1523], %gather3A_1520 {strides = array<i32>} : memref<16x4112xf32, #tpu.memory_space<vmem>>, vector<16xf32>,
    %swap3A_1525 = arith.constant 14 : i32
    %swap3A_1526 = arith.index_cast %swap3A_1525 : i32 to index
    %swap3A_1527 = arith.constant 2000 : index
    %swap3A_1528 = tpu.vector_load %arg5[%swap3A_1526, %swap3A_1527] {strides = array<i32>} : memref<16x4112xf32, #tpu.memory_space<vmem>>, vector<16xf32>,
    tpu.vector_store %arg5[%swap3A_1526, %swap3A_1527], %gather3A_1520 {strides = array<i32>} : memref<16x4112xf32, #tpu.memory_space<vmem>>, vector<16xf32>,
    %add3A_1529 = arith.constant 2 : i32
    %add3A_1530 = vector.broadcast %add3A_1529 : i32 to vector<16xi32>
    %add3A_1531 = arith.addi %add3A_1530, %shift_right_arithmetic3A_3 : vector<16xi32>
    %sub3A_1532 = arith.constant 14 : i32
    %sub3A_1533 = vector.broadcast %sub3A_1532 : i32 to vector<16xi32>
    %sub3A_1534 = arith.subi %sub3A_1533, %add3A_1531 : vector<16xi32>
    %sub3A_1535 = arith.constant 6 : i32
    %sub3A_1536 = vector.broadcast %sub3A_1535 : i32 to vector<16xi32>
    %sub3A_1537 = arith.subi %sub3A_1536, %and3A_1 : vector<16xi32>
    %add3A_1538 = arith.constant 7 : i32
    %add3A_1539 = vector.broadcast %add3A_1538 : i32 to vector<16xi32>
    %add3A_1540 = arith.addi %sub3A_1537, %add3A_1539 : vector<16xi32>
    %mul3A_1541 = arith.constant 240 : i32
    %mul3A_1542 = vector.broadcast %mul3A_1541 : i32 to vector<16xi32>
    %mul3A_1543 = arith.muli %add3A_1540, %mul3A_1542 : vector<16xi32>
    %mul3A_1544 = arith.constant 16 : i32
    %mul3A_1545 = vector.broadcast %mul3A_1544 : i32 to vector<16xi32>
    %mul3A_1546 = arith.muli %sub3A_1534, %mul3A_1545 : vector<16xi32>
    %add3A_1547 = arith.addi %mul3A_1543, %mul3A_1546 : vector<16xi32>
    %add3A_1548 = vector.broadcast %arg1 : i32 to vector<16xi32>
    %add3A_1549 = arith.addi %add3A_1547, %add3A_1548 : vector<16xi32>
    %gather3A_1550 = tpu.vector_load_idx %arg4[%add3A_1549] : memref<3600xf32, #tpu.memory_space<vmem>>[vector<16xi32>], vector<16xf32>,
    %swap3A_1551 = arith.constant 6 : i32
    %swap3A_1552 = arith.index_cast %swap3A_1551 : i32 to index
    %swap3A_1553 = arith.constant 2008 : index
    %swap3A_1554 = tpu.vector_load %arg5[%swap3A_1552, %swap3A_1553] {strides = array<i32>} : memref<16x4112xf32, #tpu.memory_space<vmem>>, vector<16xf32>,
    tpu.vector_store %arg5[%swap3A_1552, %swap3A_1553], %gather3A_1550 {strides = array<i32>} : memref<16x4112xf32, #tpu.memory_space<vmem>>, vector<16xf32>,
    %swap3A_1555 = arith.constant 14 : i32
    %swap3A_1556 = arith.index_cast %swap3A_1555 : i32 to index
    %swap3A_1557 = arith.constant 2016 : index
    %swap3A_1558 = tpu.vector_load %arg5[%swap3A_1556, %swap3A_1557] {strides = array<i32>} : memref<16x4112xf32, #tpu.memory_space<vmem>>, vector<16xf32>,
    tpu.vector_store %arg5[%swap3A_1556, %swap3A_1557], %gather3A_1550 {strides = array<i32>} : memref<16x4112xf32, #tpu.memory_space<vmem>>, vector<16xf32>,
    %add3A_1559 = arith.constant 4 : i32
    %add3A_1560 = vector.broadcast %add3A_1559 : i32 to vector<16xi32>
    %add3A_1561 = arith.addi %add3A_1560, %shift_right_arithmetic3A_3 : vector<16xi32>
    %sub3A_1562 = arith.constant 14 : i32
    %sub3A_1563 = vector.broadcast %sub3A_1562 : i32 to vector<16xi32>
    %sub3A_1564 = arith.subi %sub3A_1563, %add3A_1561 : vector<16xi32>
    %sub3A_1565 = arith.constant 6 : i32
    %sub3A_1566 = vector.broadcast %sub3A_1565 : i32 to vector<16xi32>
    %sub3A_1567 = arith.subi %sub3A_1566, %and3A_1 : vector<16xi32>
    %add3A_1568 = arith.constant 7 : i32
    %add3A_1569 = vector.broadcast %add3A_1568 : i32 to vector<16xi32>
    %add3A_1570 = arith.addi %sub3A_1567, %add3A_1569 : vector<16xi32>
    %mul3A_1571 = arith.constant 240 : i32
    %mul3A_1572 = vector.broadcast %mul3A_1571 : i32 to vector<16xi32>
    %mul3A_1573 = arith.muli %add3A_1570, %mul3A_1572 : vector<16xi32>
    %mul3A_1574 = arith.constant 16 : i32
    %mul3A_1575 = vector.broadcast %mul3A_1574 : i32 to vector<16xi32>
    %mul3A_1576 = arith.muli %sub3A_1564, %mul3A_1575 : vector<16xi32>
    %add3A_1577 = arith.addi %mul3A_1573, %mul3A_1576 : vector<16xi32>
    %add3A_1578 = vector.broadcast %arg1 : i32 to vector<16xi32>
    %add3A_1579 = arith.addi %add3A_1577, %add3A_1578 : vector<16xi32>
    %gather3A_1580 = tpu.vector_load_idx %arg4[%add3A_1579] : memref<3600xf32, #tpu.memory_space<vmem>>[vector<16xi32>], vector<16xf32>,
    %swap3A_1581 = arith.constant 6 : i32
    %swap3A_1582 = arith.index_cast %swap3A_1581 : i32 to index
    %swap3A_1583 = arith.constant 2024 : index
    %swap3A_1584 = tpu.vector_load %arg5[%swap3A_1582, %swap3A_1583] {strides = array<i32>} : memref<16x4112xf32, #tpu.memory_space<vmem>>, vector<16xf32>,
    tpu.vector_store %arg5[%swap3A_1582, %swap3A_1583], %gather3A_1580 {strides = array<i32>} : memref<16x4112xf32, #tpu.memory_space<vmem>>, vector<16xf32>,
    %swap3A_1585 = arith.constant 14 : i32
    %swap3A_1586 = arith.index_cast %swap3A_1585 : i32 to index
    %swap3A_1587 = arith.constant 2032 : index
    %swap3A_1588 = tpu.vector_load %arg5[%swap3A_1586, %swap3A_1587] {strides = array<i32>} : memref<16x4112xf32, #tpu.memory_space<vmem>>, vector<16xf32>,
    tpu.vector_store %arg5[%swap3A_1586, %swap3A_1587], %gather3A_1580 {strides = array<i32>} : memref<16x4112xf32, #tpu.memory_space<vmem>>, vector<16xf32>,
    %add3A_1589 = arith.constant 6 : i32
    %add3A_1590 = vector.broadcast %add3A_1589 : i32 to vector<16xi32>
    %add3A_1591 = arith.addi %add3A_1590, %shift_right_arithmetic3A_3 : vector<16xi32>
    %sub3A_1592 = arith.constant 14 : i32
    %sub3A_1593 = vector.broadcast %sub3A_1592 : i32 to vector<16xi32>
    %sub3A_1594 = arith.subi %sub3A_1593, %add3A_1591 : vector<16xi32>
    %sub3A_1595 = arith.constant 6 : i32
    %sub3A_1596 = vector.broadcast %sub3A_1595 : i32 to vector<16xi32>
    %sub3A_1597 = arith.subi %sub3A_1596, %and3A_1 : vector<16xi32>
    %add3A_1598 = arith.constant 7 : i32
    %add3A_1599 = vector.broadcast %add3A_1598 : i32 to vector<16xi32>
    %add3A_1600 = arith.addi %sub3A_1597, %add3A_1599 : vector<16xi32>
    %mul3A_1601 = arith.constant 240 : i32
    %mul3A_1602 = vector.broadcast %mul3A_1601 : i32 to vector<16xi32>
    %mul3A_1603 = arith.muli %add3A_1600, %mul3A_1602 : vector<16xi32>
    %mul3A_1604 = arith.constant 16 : i32
    %mul3A_1605 = vector.broadcast %mul3A_1604 : i32 to vector<16xi32>
    %mul3A_1606 = arith.muli %sub3A_1594, %mul3A_1605 : vector<16xi32>
    %add3A_1607 = arith.addi %mul3A_1603, %mul3A_1606 : vector<16xi32>
    %add3A_1608 = vector.broadcast %arg1 : i32 to vector<16xi32>
    %add3A_1609 = arith.addi %add3A_1607, %add3A_1608 : vector<16xi32>
    %gather3A_1610 = tpu.vector_load_idx %arg4[%add3A_1609] : memref<3600xf32, #tpu.memory_space<vmem>>[vector<16xi32>], vector<16xf32>,
    %swap3A_1611 = arith.constant 6 : i32
    %swap3A_1612 = arith.index_cast %swap3A_1611 : i32 to index
    %swap3A_1613 = arith.constant 2040 : index
    %swap3A_1614 = tpu.vector_load %arg5[%swap3A_1612, %swap3A_1613] {strides = array<i32>} : memref<16x4112xf32, #tpu.memory_space<vmem>>, vector<16xf32>,
    tpu.vector_store %arg5[%swap3A_1612, %swap3A_1613], %gather3A_1610 {strides = array<i32>} : memref<16x4112xf32, #tpu.memory_space<vmem>>, vector<16xf32>,
    %swap3A_1615 = arith.constant 14 : i32
    %swap3A_1616 = arith.index_cast %swap3A_1615 : i32 to index
    %swap3A_1617 = arith.constant 2048 : index
    %swap3A_1618 = tpu.vector_load %arg5[%swap3A_1616, %swap3A_1617] {strides = array<i32>} : memref<16x4112xf32, #tpu.memory_space<vmem>>, vector<16xf32>,
    tpu.vector_store %arg5[%swap3A_1616, %swap3A_1617], %gather3A_1610 {strides = array<i32>} : memref<16x4112xf32, #tpu.memory_space<vmem>>, vector<16xf32>,
    %add3A_1619 = arith.constant 8 : i32
    %add3A_1620 = vector.broadcast %add3A_1619 : i32 to vector<16xi32>
    %add3A_1621 = arith.addi %add3A_1620, %shift_right_arithmetic3A_3 : vector<16xi32>
    %sub3A_1622 = arith.constant 14 : i32
    %sub3A_1623 = vector.broadcast %sub3A_1622 : i32 to vector<16xi32>
    %sub3A_1624 = arith.subi %sub3A_1623, %add3A_1621 : vector<16xi32>
    %sub3A_1625 = arith.constant 6 : i32
    %sub3A_1626 = vector.broadcast %sub3A_1625 : i32 to vector<16xi32>
    %sub3A_1627 = arith.subi %sub3A_1626, %and3A_1 : vector<16xi32>
    %add3A_1628 = arith.constant 7 : i32
    %add3A_1629 = vector.broadcast %add3A_1628 : i32 to vector<16xi32>
    %add3A_1630 = arith.addi %sub3A_1627, %add3A_1629 : vector<16xi32>
    %mul3A_1631 = arith.constant 240 : i32
    %mul3A_1632 = vector.broadcast %mul3A_1631 : i32 to vector<16xi32>
    %mul3A_1633 = arith.muli %add3A_1630, %mul3A_1632 : vector<16xi32>
    %mul3A_1634 = arith.constant 16 : i32
    %mul3A_1635 = vector.broadcast %mul3A_1634 : i32 to vector<16xi32>
    %mul3A_1636 = arith.muli %sub3A_1624, %mul3A_1635 : vector<16xi32>
    %add3A_1637 = arith.addi %mul3A_1633, %mul3A_1636 : vector<16xi32>
    %add3A_1638 = vector.broadcast %arg1 : i32 to vector<16xi32>
    %add3A_1639 = arith.addi %add3A_1637, %add3A_1638 : vector<16xi32>
    %gather3A_1640 = tpu.vector_load_idx %arg4[%add3A_1639] : memref<3600xf32, #tpu.memory_space<vmem>>[vector<16xi32>], vector<16xf32>,
    %swap3A_1641 = arith.constant 6 : i32
    %swap3A_1642 = arith.index_cast %swap3A_1641 : i32 to index
    %swap3A_1643 = arith.constant 2056 : index
    %swap3A_1644 = tpu.vector_load %arg5[%swap3A_1642, %swap3A_1643] {strides = array<i32>} : memref<16x4112xf32, #tpu.memory_space<vmem>>, vector<16xf32>,
    tpu.vector_store %arg5[%swap3A_1642, %swap3A_1643], %gather3A_1640 {strides = array<i32>} : memref<16x4112xf32, #tpu.memory_space<vmem>>, vector<16xf32>,
    %swap3A_1645 = arith.constant 14 : i32
    %swap3A_1646 = arith.index_cast %swap3A_1645 : i32 to index
    %swap3A_1647 = arith.constant 2064 : index
    %swap3A_1648 = tpu.vector_load %arg5[%swap3A_1646, %swap3A_1647] {strides = array<i32>} : memref<16x4112xf32, #tpu.memory_space<vmem>>, vector<16xf32>,
    tpu.vector_store %arg5[%swap3A_1646, %swap3A_1647], %gather3A_1640 {strides = array<i32>} : memref<16x4112xf32, #tpu.memory_space<vmem>>, vector<16xf32>,
    %add3A_1649 = arith.constant 10 : i32
    %add3A_1650 = vector.broadcast %add3A_1649 : i32 to vector<16xi32>
    %add3A_1651 = arith.addi %add3A_1650, %shift_right_arithmetic3A_3 : vector<16xi32>
    %sub3A_1652 = arith.constant 14 : i32
    %sub3A_1653 = vector.broadcast %sub3A_1652 : i32 to vector<16xi32>
    %sub3A_1654 = arith.subi %sub3A_1653, %add3A_1651 : vector<16xi32>
    %sub3A_1655 = arith.constant 6 : i32
    %sub3A_1656 = vector.broadcast %sub3A_1655 : i32 to vector<16xi32>
    %sub3A_1657 = arith.subi %sub3A_1656, %and3A_1 : vector<16xi32>
    %add3A_1658 = arith.constant 7 : i32
    %add3A_1659 = vector.broadcast %add3A_1658 : i32 to vector<16xi32>
    %add3A_1660 = arith.addi %sub3A_1657, %add3A_1659 : vector<16xi32>
    %mul3A_1661 = arith.constant 240 : i32
    %mul3A_1662 = vector.broadcast %mul3A_1661 : i32 to vector<16xi32>
    %mul3A_1663 = arith.muli %add3A_1660, %mul3A_1662 : vector<16xi32>
    %mul3A_1664 = arith.constant 16 : i32
    %mul3A_1665 = vector.broadcast %mul3A_1664 : i32 to vector<16xi32>
    %mul3A_1666 = arith.muli %sub3A_1654, %mul3A_1665 : vector<16xi32>
    %add3A_1667 = arith.addi %mul3A_1663, %mul3A_1666 : vector<16xi32>
    %add3A_1668 = vector.broadcast %arg1 : i32 to vector<16xi32>
    %add3A_1669 = arith.addi %add3A_1667, %add3A_1668 : vector<16xi32>
    %gather3A_1670 = tpu.vector_load_idx %arg4[%add3A_1669] : memref<3600xf32, #tpu.memory_space<vmem>>[vector<16xi32>], vector<16xf32>,
    %swap3A_1671 = arith.constant 6 : i32
    %swap3A_1672 = arith.index_cast %swap3A_1671 : i32 to index
    %swap3A_1673 = arith.constant 2072 : index
    %swap3A_1674 = tpu.vector_load %arg5[%swap3A_1672, %swap3A_1673] {strides = array<i32>} : memref<16x4112xf32, #tpu.memory_space<vmem>>, vector<16xf32>,
    tpu.vector_store %arg5[%swap3A_1672, %swap3A_1673], %gather3A_1670 {strides = array<i32>} : memref<16x4112xf32, #tpu.memory_space<vmem>>, vector<16xf32>,
    %swap3A_1675 = arith.constant 14 : i32
    %swap3A_1676 = arith.index_cast %swap3A_1675 : i32 to index
    %swap3A_1677 = arith.constant 2080 : index
    %swap3A_1678 = tpu.vector_load %arg5[%swap3A_1676, %swap3A_1677] {strides = array<i32>} : memref<16x4112xf32, #tpu.memory_space<vmem>>, vector<16xf32>,
    tpu.vector_store %arg5[%swap3A_1676, %swap3A_1677], %gather3A_1670 {strides = array<i32>} : memref<16x4112xf32, #tpu.memory_space<vmem>>, vector<16xf32>,
    %add3A_1679 = arith.constant 12 : i32
    %add3A_1680 = vector.broadcast %add3A_1679 : i32 to vector<16xi32>
    %add3A_1681 = arith.addi %add3A_1680, %shift_right_arithmetic3A_3 : vector<16xi32>
    %sub3A_1682 = arith.constant 14 : i32
    %sub3A_1683 = vector.broadcast %sub3A_1682 : i32 to vector<16xi32>
    %sub3A_1684 = arith.subi %sub3A_1683, %add3A_1681 : vector<16xi32>
    %sub3A_1685 = arith.constant 6 : i32
    %sub3A_1686 = vector.broadcast %sub3A_1685 : i32 to vector<16xi32>
    %sub3A_1687 = arith.subi %sub3A_1686, %and3A_1 : vector<16xi32>
    %add3A_1688 = arith.constant 7 : i32
    %add3A_1689 = vector.broadcast %add3A_1688 : i32 to vector<16xi32>
    %add3A_1690 = arith.addi %sub3A_1687, %add3A_1689 : vector<16xi32>
    %mul3A_1691 = arith.constant 240 : i32
    %mul3A_1692 = vector.broadcast %mul3A_1691 : i32 to vector<16xi32>
    %mul3A_1693 = arith.muli %add3A_1690, %mul3A_1692 : vector<16xi32>
    %mul3A_1694 = arith.constant 16 : i32
    %mul3A_1695 = vector.broadcast %mul3A_1694 : i32 to vector<16xi32>
    %mul3A_1696 = arith.muli %sub3A_1684, %mul3A_1695 : vector<16xi32>
    %add3A_1697 = arith.addi %mul3A_1693, %mul3A_1696 : vector<16xi32>
    %add3A_1698 = vector.broadcast %arg1 : i32 to vector<16xi32>
    %add3A_1699 = arith.addi %add3A_1697, %add3A_1698 : vector<16xi32>
    %gather3A_1700 = tpu.vector_load_idx %arg4[%add3A_1699] : memref<3600xf32, #tpu.memory_space<vmem>>[vector<16xi32>], vector<16xf32>,
    %swap3A_1701 = arith.constant 6 : i32
    %swap3A_1702 = arith.index_cast %swap3A_1701 : i32 to index
    %swap3A_1703 = arith.constant 2088 : index
    %swap3A_1704 = tpu.vector_load %arg5[%swap3A_1702, %swap3A_1703] {strides = array<i32>} : memref<16x4112xf32, #tpu.memory_space<vmem>>, vector<16xf32>,
    tpu.vector_store %arg5[%swap3A_1702, %swap3A_1703], %gather3A_1700 {strides = array<i32>} : memref<16x4112xf32, #tpu.memory_space<vmem>>, vector<16xf32>,
    %swap3A_1705 = arith.constant 14 : i32
    %swap3A_1706 = arith.index_cast %swap3A_1705 : i32 to index
    %swap3A_1707 = arith.constant 2096 : index
    %swap3A_1708 = tpu.vector_load %arg5[%swap3A_1706, %swap3A_1707] {strides = array<i32>} : memref<16x4112xf32, #tpu.memory_space<vmem>>, vector<16xf32>,
    tpu.vector_store %arg5[%swap3A_1706, %swap3A_1707], %gather3A_1700 {strides = array<i32>} : memref<16x4112xf32, #tpu.memory_space<vmem>>, vector<16xf32>,
    %add3A_1709 = arith.constant 0 : i32
    %add3A_1710 = vector.broadcast %add3A_1709 : i32 to vector<16xi32>
    %add3A_1711 = arith.addi %add3A_1710, %shift_right_arithmetic3A_3 : vector<16xi32>
    %sub3A_1712 = arith.constant 14 : i32
    %sub3A_1713 = vector.broadcast %sub3A_1712 : i32 to vector<16xi32>
    %sub3A_1714 = arith.subi %sub3A_1713, %add3A_1711 : vector<16xi32>
    %sub3A_1715 = arith.constant 7 : i32
    %sub3A_1716 = vector.broadcast %sub3A_1715 : i32 to vector<16xi32>
    %sub3A_1717 = arith.subi %sub3A_1716, %and3A_1 : vector<16xi32>
    %add3A_1718 = arith.constant 7 : i32
    %add3A_1719 = vector.broadcast %add3A_1718 : i32 to vector<16xi32>
    %add3A_1720 = arith.addi %sub3A_1717, %add3A_1719 : vector<16xi32>
    %mul3A_1721 = arith.constant 240 : i32
    %mul3A_1722 = vector.broadcast %mul3A_1721 : i32 to vector<16xi32>
    %mul3A_1723 = arith.muli %add3A_1720, %mul3A_1722 : vector<16xi32>
    %mul3A_1724 = arith.constant 16 : i32
    %mul3A_1725 = vector.broadcast %mul3A_1724 : i32 to vector<16xi32>
    %mul3A_1726 = arith.muli %sub3A_1714, %mul3A_1725 : vector<16xi32>
    %add3A_1727 = arith.addi %mul3A_1723, %mul3A_1726 : vector<16xi32>
    %add3A_1728 = vector.broadcast %arg1 : i32 to vector<16xi32>
    %add3A_1729 = arith.addi %add3A_1727, %add3A_1728 : vector<16xi32>
    %gather3A_1730 = tpu.vector_load_idx %arg4[%add3A_1729] : memref<3600xf32, #tpu.memory_space<vmem>>[vector<16xi32>], vector<16xf32>,
    %swap3A_1731 = arith.constant 7 : i32
    %swap3A_1732 = arith.index_cast %swap3A_1731 : i32 to index
    %swap3A_1733 = arith.constant 1992 : index
    %swap3A_1734 = tpu.vector_load %arg5[%swap3A_1732, %swap3A_1733] {strides = array<i32>} : memref<16x4112xf32, #tpu.memory_space<vmem>>, vector<16xf32>,
    tpu.vector_store %arg5[%swap3A_1732, %swap3A_1733], %gather3A_1730 {strides = array<i32>} : memref<16x4112xf32, #tpu.memory_space<vmem>>, vector<16xf32>,
    %swap3A_1735 = arith.constant 15 : i32
    %swap3A_1736 = arith.index_cast %swap3A_1735 : i32 to index
    %swap3A_1737 = arith.constant 2000 : index
    %swap3A_1738 = tpu.vector_load %arg5[%swap3A_1736, %swap3A_1737] {strides = array<i32>} : memref<16x4112xf32, #tpu.memory_space<vmem>>, vector<16xf32>,
    tpu.vector_store %arg5[%swap3A_1736, %swap3A_1737], %gather3A_1730 {strides = array<i32>} : memref<16x4112xf32, #tpu.memory_space<vmem>>, vector<16xf32>,
    %add3A_1739 = arith.constant 2 : i32
    %add3A_1740 = vector.broadcast %add3A_1739 : i32 to vector<16xi32>
    %add3A_1741 = arith.addi %add3A_1740, %shift_right_arithmetic3A_3 : vector<16xi32>
    %sub3A_1742 = arith.constant 14 : i32
    %sub3A_1743 = vector.broadcast %sub3A_1742 : i32 to vector<16xi32>
    %sub3A_1744 = arith.subi %sub3A_1743, %add3A_1741 : vector<16xi32>
    %sub3A_1745 = arith.constant 7 : i32
    %sub3A_1746 = vector.broadcast %sub3A_1745 : i32 to vector<16xi32>
    %sub3A_1747 = arith.subi %sub3A_1746, %and3A_1 : vector<16xi32>
    %add3A_1748 = arith.constant 7 : i32
    %add3A_1749 = vector.broadcast %add3A_1748 : i32 to vector<16xi32>
    %add3A_1750 = arith.addi %sub3A_1747, %add3A_1749 : vector<16xi32>
    %mul3A_1751 = arith.constant 240 : i32
    %mul3A_1752 = vector.broadcast %mul3A_1751 : i32 to vector<16xi32>
    %mul3A_1753 = arith.muli %add3A_1750, %mul3A_1752 : vector<16xi32>
    %mul3A_1754 = arith.constant 16 : i32
    %mul3A_1755 = vector.broadcast %mul3A_1754 : i32 to vector<16xi32>
    %mul3A_1756 = arith.muli %sub3A_1744, %mul3A_1755 : vector<16xi32>
    %add3A_1757 = arith.addi %mul3A_1753, %mul3A_1756 : vector<16xi32>
    %add3A_1758 = vector.broadcast %arg1 : i32 to vector<16xi32>
    %add3A_1759 = arith.addi %add3A_1757, %add3A_1758 : vector<16xi32>
    %gather3A_1760 = tpu.vector_load_idx %arg4[%add3A_1759] : memref<3600xf32, #tpu.memory_space<vmem>>[vector<16xi32>], vector<16xf32>,
    %swap3A_1761 = arith.constant 7 : i32
    %swap3A_1762 = arith.index_cast %swap3A_1761 : i32 to index
    %swap3A_1763 = arith.constant 2008 : index
    %swap3A_1764 = tpu.vector_load %arg5[%swap3A_1762, %swap3A_1763] {strides = array<i32>} : memref<16x4112xf32, #tpu.memory_space<vmem>>, vector<16xf32>,
    tpu.vector_store %arg5[%swap3A_1762, %swap3A_1763], %gather3A_1760 {strides = array<i32>} : memref<16x4112xf32, #tpu.memory_space<vmem>>, vector<16xf32>,
    %swap3A_1765 = arith.constant 15 : i32
    %swap3A_1766 = arith.index_cast %swap3A_1765 : i32 to index
    %swap3A_1767 = arith.constant 2016 : index
    %swap3A_1768 = tpu.vector_load %arg5[%swap3A_1766, %swap3A_1767] {strides = array<i32>} : memref<16x4112xf32, #tpu.memory_space<vmem>>, vector<16xf32>,
    tpu.vector_store %arg5[%swap3A_1766, %swap3A_1767], %gather3A_1760 {strides = array<i32>} : memref<16x4112xf32, #tpu.memory_space<vmem>>, vector<16xf32>,
    %add3A_1769 = arith.constant 4 : i32
    %add3A_1770 = vector.broadcast %add3A_1769 : i32 to vector<16xi32>
    %add3A_1771 = arith.addi %add3A_1770, %shift_right_arithmetic3A_3 : vector<16xi32>
    %sub3A_1772 = arith.constant 14 : i32
    %sub3A_1773 = vector.broadcast %sub3A_1772 : i32 to vector<16xi32>
    %sub3A_1774 = arith.subi %sub3A_1773, %add3A_1771 : vector<16xi32>
    %sub3A_1775 = arith.constant 7 : i32
    %sub3A_1776 = vector.broadcast %sub3A_1775 : i32 to vector<16xi32>
    %sub3A_1777 = arith.subi %sub3A_1776, %and3A_1 : vector<16xi32>
    %add3A_1778 = arith.constant 7 : i32
    %add3A_1779 = vector.broadcast %add3A_1778 : i32 to vector<16xi32>
    %add3A_1780 = arith.addi %sub3A_1777, %add3A_1779 : vector<16xi32>
    %mul3A_1781 = arith.constant 240 : i32
    %mul3A_1782 = vector.broadcast %mul3A_1781 : i32 to vector<16xi32>
    %mul3A_1783 = arith.muli %add3A_1780, %mul3A_1782 : vector<16xi32>
    %mul3A_1784 = arith.constant 16 : i32
    %mul3A_1785 = vector.broadcast %mul3A_1784 : i32 to vector<16xi32>
    %mul3A_1786 = arith.muli %sub3A_1774, %mul3A_1785 : vector<16xi32>
    %add3A_1787 = arith.addi %mul3A_1783, %mul3A_1786 : vector<16xi32>
    %add3A_1788 = vector.broadcast %arg1 : i32 to vector<16xi32>
    %add3A_1789 = arith.addi %add3A_1787, %add3A_1788 : vector<16xi32>
    %gather3A_1790 = tpu.vector_load_idx %arg4[%add3A_1789] : memref<3600xf32, #tpu.memory_space<vmem>>[vector<16xi32>], vector<16xf32>,
    %swap3A_1791 = arith.constant 7 : i32
    %swap3A_1792 = arith.index_cast %swap3A_1791 : i32 to index
    %swap3A_1793 = arith.constant 2024 : index
    %swap3A_1794 = tpu.vector_load %arg5[%swap3A_1792, %swap3A_1793] {strides = array<i32>} : memref<16x4112xf32, #tpu.memory_space<vmem>>, vector<16xf32>,
    tpu.vector_store %arg5[%swap3A_1792, %swap3A_1793], %gather3A_1790 {strides = array<i32>} : memref<16x4112xf32, #tpu.memory_space<vmem>>, vector<16xf32>,
    %swap3A_1795 = arith.constant 15 : i32
    %swap3A_1796 = arith.index_cast %swap3A_1795 : i32 to index
    %swap3A_1797 = arith.constant 2032 : index
    %swap3A_1798 = tpu.vector_load %arg5[%swap3A_1796, %swap3A_1797] {strides = array<i32>} : memref<16x4112xf32, #tpu.memory_space<vmem>>, vector<16xf32>,
    tpu.vector_store %arg5[%swap3A_1796, %swap3A_1797], %gather3A_1790 {strides = array<i32>} : memref<16x4112xf32, #tpu.memory_space<vmem>>, vector<16xf32>,
    %add3A_1799 = arith.constant 6 : i32
    %add3A_1800 = vector.broadcast %add3A_1799 : i32 to vector<16xi32>
    %add3A_1801 = arith.addi %add3A_1800, %shift_right_arithmetic3A_3 : vector<16xi32>
    %sub3A_1802 = arith.constant 14 : i32
    %sub3A_1803 = vector.broadcast %sub3A_1802 : i32 to vector<16xi32>
    %sub3A_1804 = arith.subi %sub3A_1803, %add3A_1801 : vector<16xi32>
    %sub3A_1805 = arith.constant 7 : i32
    %sub3A_1806 = vector.broadcast %sub3A_1805 : i32 to vector<16xi32>
    %sub3A_1807 = arith.subi %sub3A_1806, %and3A_1 : vector<16xi32>
    %add3A_1808 = arith.constant 7 : i32
    %add3A_1809 = vector.broadcast %add3A_1808 : i32 to vector<16xi32>
    %add3A_1810 = arith.addi %sub3A_1807, %add3A_1809 : vector<16xi32>
    %mul3A_1811 = arith.constant 240 : i32
    %mul3A_1812 = vector.broadcast %mul3A_1811 : i32 to vector<16xi32>
    %mul3A_1813 = arith.muli %add3A_1810, %mul3A_1812 : vector<16xi32>
    %mul3A_1814 = arith.constant 16 : i32
    %mul3A_1815 = vector.broadcast %mul3A_1814 : i32 to vector<16xi32>
    %mul3A_1816 = arith.muli %sub3A_1804, %mul3A_1815 : vector<16xi32>
    %add3A_1817 = arith.addi %mul3A_1813, %mul3A_1816 : vector<16xi32>
    %add3A_1818 = vector.broadcast %arg1 : i32 to vector<16xi32>
    %add3A_1819 = arith.addi %add3A_1817, %add3A_1818 : vector<16xi32>
    %gather3A_1820 = tpu.vector_load_idx %arg4[%add3A_1819] : memref<3600xf32, #tpu.memory_space<vmem>>[vector<16xi32>], vector<16xf32>,
    %swap3A_1821 = arith.constant 7 : i32
    %swap3A_1822 = arith.index_cast %swap3A_1821 : i32 to index
    %swap3A_1823 = arith.constant 2040 : index
    %swap3A_1824 = tpu.vector_load %arg5[%swap3A_1822, %swap3A_1823] {strides = array<i32>} : memref<16x4112xf32, #tpu.memory_space<vmem>>, vector<16xf32>,
    tpu.vector_store %arg5[%swap3A_1822, %swap3A_1823], %gather3A_1820 {strides = array<i32>} : memref<16x4112xf32, #tpu.memory_space<vmem>>, vector<16xf32>,
    %swap3A_1825 = arith.constant 15 : i32
    %swap3A_1826 = arith.index_cast %swap3A_1825 : i32 to index
    %swap3A_1827 = arith.constant 2048 : index
    %swap3A_1828 = tpu.vector_load %arg5[%swap3A_1826, %swap3A_1827] {strides = array<i32>} : memref<16x4112xf32, #tpu.memory_space<vmem>>, vector<16xf32>,
    tpu.vector_store %arg5[%swap3A_1826, %swap3A_1827], %gather3A_1820 {strides = array<i32>} : memref<16x4112xf32, #tpu.memory_space<vmem>>, vector<16xf32>,
    %add3A_1829 = arith.constant 8 : i32
    %add3A_1830 = vector.broadcast %add3A_1829 : i32 to vector<16xi32>
    %add3A_1831 = arith.addi %add3A_1830, %shift_right_arithmetic3A_3 : vector<16xi32>
    %sub3A_1832 = arith.constant 14 : i32
    %sub3A_1833 = vector.broadcast %sub3A_1832 : i32 to vector<16xi32>
    %sub3A_1834 = arith.subi %sub3A_1833, %add3A_1831 : vector<16xi32>
    %sub3A_1835 = arith.constant 7 : i32
    %sub3A_1836 = vector.broadcast %sub3A_1835 : i32 to vector<16xi32>
    %sub3A_1837 = arith.subi %sub3A_1836, %and3A_1 : vector<16xi32>
    %add3A_1838 = arith.constant 7 : i32
    %add3A_1839 = vector.broadcast %add3A_1838 : i32 to vector<16xi32>
    %add3A_1840 = arith.addi %sub3A_1837, %add3A_1839 : vector<16xi32>
    %mul3A_1841 = arith.constant 240 : i32
    %mul3A_1842 = vector.broadcast %mul3A_1841 : i32 to vector<16xi32>
    %mul3A_1843 = arith.muli %add3A_1840, %mul3A_1842 : vector<16xi32>
    %mul3A_1844 = arith.constant 16 : i32
    %mul3A_1845 = vector.broadcast %mul3A_1844 : i32 to vector<16xi32>
    %mul3A_1846 = arith.muli %sub3A_1834, %mul3A_1845 : vector<16xi32>
    %add3A_1847 = arith.addi %mul3A_1843, %mul3A_1846 : vector<16xi32>
    %add3A_1848 = vector.broadcast %arg1 : i32 to vector<16xi32>
    %add3A_1849 = arith.addi %add3A_1847, %add3A_1848 : vector<16xi32>
    %gather3A_1850 = tpu.vector_load_idx %arg4[%add3A_1849] : memref<3600xf32, #tpu.memory_space<vmem>>[vector<16xi32>], vector<16xf32>,
    %swap3A_1851 = arith.constant 7 : i32
    %swap3A_1852 = arith.index_cast %swap3A_1851 : i32 to index
    %swap3A_1853 = arith.constant 2056 : index
    %swap3A_1854 = tpu.vector_load %arg5[%swap3A_1852, %swap3A_1853] {strides = array<i32>} : memref<16x4112xf32, #tpu.memory_space<vmem>>, vector<16xf32>,
    tpu.vector_store %arg5[%swap3A_1852, %swap3A_1853], %gather3A_1850 {strides = array<i32>} : memref<16x4112xf32, #tpu.memory_space<vmem>>, vector<16xf32>,
    %swap3A_1855 = arith.constant 15 : i32
    %swap3A_1856 = arith.index_cast %swap3A_1855 : i32 to index
    %swap3A_1857 = arith.constant 2064 : index
    %swap3A_1858 = tpu.vector_load %arg5[%swap3A_1856, %swap3A_1857] {strides = array<i32>} : memref<16x4112xf32, #tpu.memory_space<vmem>>, vector<16xf32>,
    tpu.vector_store %arg5[%swap3A_1856, %swap3A_1857], %gather3A_1850 {strides = array<i32>} : memref<16x4112xf32, #tpu.memory_space<vmem>>, vector<16xf32>,
    %add3A_1859 = arith.constant 10 : i32
    %add3A_1860 = vector.broadcast %add3A_1859 : i32 to vector<16xi32>
    %add3A_1861 = arith.addi %add3A_1860, %shift_right_arithmetic3A_3 : vector<16xi32>
    %sub3A_1862 = arith.constant 14 : i32
    %sub3A_1863 = vector.broadcast %sub3A_1862 : i32 to vector<16xi32>
    %sub3A_1864 = arith.subi %sub3A_1863, %add3A_1861 : vector<16xi32>
    %sub3A_1865 = arith.constant 7 : i32
    %sub3A_1866 = vector.broadcast %sub3A_1865 : i32 to vector<16xi32>
    %sub3A_1867 = arith.subi %sub3A_1866, %and3A_1 : vector<16xi32>
    %add3A_1868 = arith.constant 7 : i32
    %add3A_1869 = vector.broadcast %add3A_1868 : i32 to vector<16xi32>
    %add3A_1870 = arith.addi %sub3A_1867, %add3A_1869 : vector<16xi32>
    %mul3A_1871 = arith.constant 240 : i32
    %mul3A_1872 = vector.broadcast %mul3A_1871 : i32 to vector<16xi32>
    %mul3A_1873 = arith.muli %add3A_1870, %mul3A_1872 : vector<16xi32>
    %mul3A_1874 = arith.constant 16 : i32
    %mul3A_1875 = vector.broadcast %mul3A_1874 : i32 to vector<16xi32>
    %mul3A_1876 = arith.muli %sub3A_1864, %mul3A_1875 : vector<16xi32>
    %add3A_1877 = arith.addi %mul3A_1873, %mul3A_1876 : vector<16xi32>
    %add3A_1878 = vector.broadcast %arg1 : i32 to vector<16xi32>
    %add3A_1879 = arith.addi %add3A_1877, %add3A_1878 : vector<16xi32>
    %gather3A_1880 = tpu.vector_load_idx %arg4[%add3A_1879] : memref<3600xf32, #tpu.memory_space<vmem>>[vector<16xi32>], vector<16xf32>,
    %swap3A_1881 = arith.constant 7 : i32
    %swap3A_1882 = arith.index_cast %swap3A_1881 : i32 to index
    %swap3A_1883 = arith.constant 2072 : index
    %swap3A_1884 = tpu.vector_load %arg5[%swap3A_1882, %swap3A_1883] {strides = array<i32>} : memref<16x4112xf32, #tpu.memory_space<vmem>>, vector<16xf32>,
    tpu.vector_store %arg5[%swap3A_1882, %swap3A_1883], %gather3A_1880 {strides = array<i32>} : memref<16x4112xf32, #tpu.memory_space<vmem>>, vector<16xf32>,
    %swap3A_1885 = arith.constant 15 : i32
    %swap3A_1886 = arith.index_cast %swap3A_1885 : i32 to index
    %swap3A_1887 = arith.constant 2080 : index
    %swap3A_1888 = tpu.vector_load %arg5[%swap3A_1886, %swap3A_1887] {strides = array<i32>} : memref<16x4112xf32, #tpu.memory_space<vmem>>, vector<16xf32>,
    tpu.vector_store %arg5[%swap3A_1886, %swap3A_1887], %gather3A_1880 {strides = array<i32>} : memref<16x4112xf32, #tpu.memory_space<vmem>>, vector<16xf32>,
    %add3A_1889 = arith.constant 12 : i32
    %add3A_1890 = vector.broadcast %add3A_1889 : i32 to vector<16xi32>
    %add3A_1891 = arith.addi %add3A_1890, %shift_right_arithmetic3A_3 : vector<16xi32>
    %sub3A_1892 = arith.constant 14 : i32
    %sub3A_1893 = vector.broadcast %sub3A_1892 : i32 to vector<16xi32>
    %sub3A_1894 = arith.subi %sub3A_1893, %add3A_1891 : vector<16xi32>
    %sub3A_1895 = arith.constant 7 : i32
    %sub3A_1896 = vector.broadcast %sub3A_1895 : i32 to vector<16xi32>
    %sub3A_1897 = arith.subi %sub3A_1896, %and3A_1 : vector<16xi32>
    %add3A_1898 = arith.constant 7 : i32
    %add3A_1899 = vector.broadcast %add3A_1898 : i32 to vector<16xi32>
    %add3A_1900 = arith.addi %sub3A_1897, %add3A_1899 : vector<16xi32>
    %mul3A_1901 = arith.constant 240 : i32
    %mul3A_1902 = vector.broadcast %mul3A_1901 : i32 to vector<16xi32>
    %mul3A_1903 = arith.muli %add3A_1900, %mul3A_1902 : vector<16xi32>
    %mul3A_1904 = arith.constant 16 : i32
    %mul3A_1905 = vector.broadcast %mul3A_1904 : i32 to vector<16xi32>
    %mul3A_1906 = arith.muli %sub3A_1894, %mul3A_1905 : vector<16xi32>
    %add3A_1907 = arith.addi %mul3A_1903, %mul3A_1906 : vector<16xi32>
    %add3A_1908 = vector.broadcast %arg1 : i32 to vector<16xi32>
    %add3A_1909 = arith.addi %add3A_1907, %add3A_1908 : vector<16xi32>
    %gather3A_1910 = tpu.vector_load_idx %arg4[%add3A_1909] : memref<3600xf32, #tpu.memory_space<vmem>>[vector<16xi32>], vector<16xf32>,
    %swap3A_1911 = arith.constant 7 : i32
    %swap3A_1912 = arith.index_cast %swap3A_1911 : i32 to index
    %swap3A_1913 = arith.constant 2088 : index
    %swap3A_1914 = tpu.vector_load %arg5[%swap3A_1912, %swap3A_1913] {strides = array<i32>} : memref<16x4112xf32, #tpu.memory_space<vmem>>, vector<16xf32>,
    tpu.vector_store %arg5[%swap3A_1912, %swap3A_1913], %gather3A_1910 {strides = array<i32>} : memref<16x4112xf32, #tpu.memory_space<vmem>>, vector<16xf32>,
    %swap3A_1915 = arith.constant 15 : i32
    %swap3A_1916 = arith.index_cast %swap3A_1915 : i32 to index
    %swap3A_1917 = arith.constant 2096 : index
    %swap3A_1918 = tpu.vector_load %arg5[%swap3A_1916, %swap3A_1917] {strides = array<i32>} : memref<16x4112xf32, #tpu.memory_space<vmem>>, vector<16xf32>,
    tpu.vector_store %arg5[%swap3A_1916, %swap3A_1917], %gather3A_1910 {strides = array<i32>} : memref<16x4112xf32, #tpu.memory_space<vmem>>, vector<16xf32>,
    %scan3A = arith.constant 0 : i32
    %scan3A_1919 = arith.constant 0 : i32
    %scan3A_1920 = arith.constant 124 : i32
    %scan3A_1921 = arith.addi %scan3A_1919, %scan3A_1920 : i32
    %scan3A_1922 = arith.constant 1 : i32
    scf.for %scan3A_2049 = %scan3A_1919 to %scan3A_1921 step %scan3A_1922  : i32 {
      %mul3A_2050 = arith.constant 16 : i32
      %mul3A_2051 = arith.muli %mul3A_2050, %scan3A_2049 : i32
      %add3A_2052 = arith.constant 8 : i32
      %add3A_2053 = arith.addi %add3A_2052, %mul3A_2051 : i32
      %swap3A_2054 = arith.constant 0 : i32
      %swap3A_2055 = arith.index_cast %swap3A_2054 : i32 to index
      %swap3A_2056 = arith.index_cast %add3A_2053 : i32 to index
      %swap3A_2057 = tpu.vector_load %arg5[%swap3A_2055, %swap3A_2056] {strides = array<i32>} : memref<16x4112xf32, #tpu.memory_space<vmem>>, vector<16xf32>,
      tpu.vector_store %arg5[%swap3A_2055, %swap3A_2056], %gather3A {strides = array<i32>} : memref<16x4112xf32, #tpu.memory_space<vmem>>, vector<16xf32>,
      %add3A_2058 = arith.constant 16 : i32
      %add3A_2059 = arith.addi %add3A_2058, %mul3A_2051 : i32
      %swap3A_2060 = arith.constant 8 : i32
      %swap3A_2061 = arith.index_cast %swap3A_2060 : i32 to index
      %swap3A_2062 = arith.index_cast %add3A_2059 : i32 to index
      %swap3A_2063 = tpu.vector_load %arg5[%swap3A_2061, %swap3A_2062] {strides = array<i32>} : memref<16x4112xf32, #tpu.memory_space<vmem>>, vector<16xf32>,
      tpu.vector_store %arg5[%swap3A_2061, %swap3A_2062], %gather3A {strides = array<i32>} : memref<16x4112xf32, #tpu.memory_space<vmem>>, vector<16xf32>,
      %add3A_2064 = arith.constant 2104 : i32
      %add3A_2065 = arith.addi %add3A_2064, %mul3A_2051 : i32
      %swap3A_2066 = arith.constant 0 : i32
      %swap3A_2067 = arith.index_cast %swap3A_2066 : i32 to index
      %swap3A_2068 = arith.index_cast %add3A_2065 : i32 to index
      %swap3A_2069 = tpu.vector_load %arg5[%swap3A_2067, %swap3A_2068] {strides = array<i32>} : memref<16x4112xf32, #tpu.memory_space<vmem>>, vector<16xf32>,
      tpu.vector_store %arg5[%swap3A_2067, %swap3A_2068], %gather3A_134 {strides = array<i32>} : memref<16x4112xf32, #tpu.memory_space<vmem>>, vector<16xf32>,
      %add3A_2070 = arith.constant 2112 : i32
      %add3A_2071 = arith.addi %add3A_2070, %mul3A_2051 : i32
      %swap3A_2072 = arith.constant 8 : i32
      %swap3A_2073 = arith.index_cast %swap3A_2072 : i32 to index
      %swap3A_2074 = arith.index_cast %add3A_2071 : i32 to index
      %swap3A_2075 = tpu.vector_load %arg5[%swap3A_2073, %swap3A_2074] {strides = array<i32>} : memref<16x4112xf32, #tpu.memory_space<vmem>>, vector<16xf32>,
      tpu.vector_store %arg5[%swap3A_2073, %swap3A_2074], %gather3A_134 {strides = array<i32>} : memref<16x4112xf32, #tpu.memory_space<vmem>>, vector<16xf32>,
      %add3A_2076 = arith.constant 8 : i32
      %add3A_2077 = arith.addi %add3A_2076, %mul3A_2051 : i32
      %swap3A_2078 = arith.constant 1 : i32
      %swap3A_2079 = arith.index_cast %swap3A_2078 : i32 to index
      %swap3A_2080 = arith.index_cast %add3A_2077 : i32 to index
      %swap3A_2081 = tpu.vector_load %arg5[%swap3A_2079, %swap3A_2080] {strides = array<i32>} : memref<16x4112xf32, #tpu.memory_space<vmem>>, vector<16xf32>,
      tpu.vector_store %arg5[%swap3A_2079, %swap3A_2080], %gather3A_29 {strides = array<i32>} : memref<16x4112xf32, #tpu.memory_space<vmem>>, vector<16xf32>,
      %add3A_2082 = arith.constant 16 : i32
      %add3A_2083 = arith.addi %add3A_2082, %mul3A_2051 : i32
      %swap3A_2084 = arith.constant 9 : i32
      %swap3A_2085 = arith.index_cast %swap3A_2084 : i32 to index
      %swap3A_2086 = arith.index_cast %add3A_2083 : i32 to index
      %swap3A_2087 = tpu.vector_load %arg5[%swap3A_2085, %swap3A_2086] {strides = array<i32>} : memref<16x4112xf32, #tpu.memory_space<vmem>>, vector<16xf32>,
      tpu.vector_store %arg5[%swap3A_2085, %swap3A_2086], %gather3A_29 {strides = array<i32>} : memref<16x4112xf32, #tpu.memory_space<vmem>>, vector<16xf32>,
      %add3A_2088 = arith.constant 2104 : i32
      %add3A_2089 = arith.addi %add3A_2088, %mul3A_2051 : i32
      %swap3A_2090 = arith.constant 1 : i32
      %swap3A_2091 = arith.index_cast %swap3A_2090 : i32 to index
      %swap3A_2092 = arith.index_cast %add3A_2089 : i32 to index
      %swap3A_2093 = tpu.vector_load %arg5[%swap3A_2091, %swap3A_2092] {strides = array<i32>} : memref<16x4112xf32, #tpu.memory_space<vmem>>, vector<16xf32>,
      tpu.vector_store %arg5[%swap3A_2091, %swap3A_2092], %gather3A_149 {strides = array<i32>} : memref<16x4112xf32, #tpu.memory_space<vmem>>, vector<16xf32>,
      %add3A_2094 = arith.constant 2112 : i32
      %add3A_2095 = arith.addi %add3A_2094, %mul3A_2051 : i32
      %swap3A_2096 = arith.constant 9 : i32
      %swap3A_2097 = arith.index_cast %swap3A_2096 : i32 to index
      %swap3A_2098 = arith.index_cast %add3A_2095 : i32 to index
      %swap3A_2099 = tpu.vector_load %arg5[%swap3A_2097, %swap3A_2098] {strides = array<i32>} : memref<16x4112xf32, #tpu.memory_space<vmem>>, vector<16xf32>,
      tpu.vector_store %arg5[%swap3A_2097, %swap3A_2098], %gather3A_149 {strides = array<i32>} : memref<16x4112xf32, #tpu.memory_space<vmem>>, vector<16xf32>,
      %add3A_2100 = arith.constant 8 : i32
      %add3A_2101 = arith.addi %add3A_2100, %mul3A_2051 : i32
      %swap3A_2102 = arith.constant 2 : i32
      %swap3A_2103 = arith.index_cast %swap3A_2102 : i32 to index
      %swap3A_2104 = arith.index_cast %add3A_2101 : i32 to index
      %swap3A_2105 = tpu.vector_load %arg5[%swap3A_2103, %swap3A_2104] {strides = array<i32>} : memref<16x4112xf32, #tpu.memory_space<vmem>>, vector<16xf32>,
      tpu.vector_store %arg5[%swap3A_2103, %swap3A_2104], %gather3A_44 {strides = array<i32>} : memref<16x4112xf32, #tpu.memory_space<vmem>>, vector<16xf32>,
      %add3A_2106 = arith.constant 16 : i32
      %add3A_2107 = arith.addi %add3A_2106, %mul3A_2051 : i32
      %swap3A_2108 = arith.constant 10 : i32
      %swap3A_2109 = arith.index_cast %swap3A_2108 : i32 to index
      %swap3A_2110 = arith.index_cast %add3A_2107 : i32 to index
      %swap3A_2111 = tpu.vector_load %arg5[%swap3A_2109, %swap3A_2110] {strides = array<i32>} : memref<16x4112xf32, #tpu.memory_space<vmem>>, vector<16xf32>,
      tpu.vector_store %arg5[%swap3A_2109, %swap3A_2110], %gather3A_44 {strides = array<i32>} : memref<16x4112xf32, #tpu.memory_space<vmem>>, vector<16xf32>,
      %add3A_2112 = arith.constant 2104 : i32
      %add3A_2113 = arith.addi %add3A_2112, %mul3A_2051 : i32
      %swap3A_2114 = arith.constant 2 : i32
      %swap3A_2115 = arith.index_cast %swap3A_2114 : i32 to index
      %swap3A_2116 = arith.index_cast %add3A_2113 : i32 to index
      %swap3A_2117 = tpu.vector_load %arg5[%swap3A_2115, %swap3A_2116] {strides = array<i32>} : memref<16x4112xf32, #tpu.memory_space<vmem>>, vector<16xf32>,
      tpu.vector_store %arg5[%swap3A_2115, %swap3A_2116], %gather3A_164 {strides = array<i32>} : memref<16x4112xf32, #tpu.memory_space<vmem>>, vector<16xf32>,
      %add3A_2118 = arith.constant 2112 : i32
      %add3A_2119 = arith.addi %add3A_2118, %mul3A_2051 : i32
      %swap3A_2120 = arith.constant 10 : i32
      %swap3A_2121 = arith.index_cast %swap3A_2120 : i32 to index
      %swap3A_2122 = arith.index_cast %add3A_2119 : i32 to index
      %swap3A_2123 = tpu.vector_load %arg5[%swap3A_2121, %swap3A_2122] {strides = array<i32>} : memref<16x4112xf32, #tpu.memory_space<vmem>>, vector<16xf32>,
      tpu.vector_store %arg5[%swap3A_2121, %swap3A_2122], %gather3A_164 {strides = array<i32>} : memref<16x4112xf32, #tpu.memory_space<vmem>>, vector<16xf32>,
      %add3A_2124 = arith.constant 8 : i32
      %add3A_2125 = arith.addi %add3A_2124, %mul3A_2051 : i32
      %swap3A_2126 = arith.constant 3 : i32
      %swap3A_2127 = arith.index_cast %swap3A_2126 : i32 to index
      %swap3A_2128 = arith.index_cast %add3A_2125 : i32 to index
      %swap3A_2129 = tpu.vector_load %arg5[%swap3A_2127, %swap3A_2128] {strides = array<i32>} : memref<16x4112xf32, #tpu.memory_space<vmem>>, vector<16xf32>,
      tpu.vector_store %arg5[%swap3A_2127, %swap3A_2128], %gather3A_59 {strides = array<i32>} : memref<16x4112xf32, #tpu.memory_space<vmem>>, vector<16xf32>,
      %add3A_2130 = arith.constant 16 : i32
      %add3A_2131 = arith.addi %add3A_2130, %mul3A_2051 : i32
      %swap3A_2132 = arith.constant 11 : i32
      %swap3A_2133 = arith.index_cast %swap3A_2132 : i32 to index
      %swap3A_2134 = arith.index_cast %add3A_2131 : i32 to index
      %swap3A_2135 = tpu.vector_load %arg5[%swap3A_2133, %swap3A_2134] {strides = array<i32>} : memref<16x4112xf32, #tpu.memory_space<vmem>>, vector<16xf32>,
      tpu.vector_store %arg5[%swap3A_2133, %swap3A_2134], %gather3A_59 {strides = array<i32>} : memref<16x4112xf32, #tpu.memory_space<vmem>>, vector<16xf32>,
      %add3A_2136 = arith.constant 2104 : i32
      %add3A_2137 = arith.addi %add3A_2136, %mul3A_2051 : i32
      %swap3A_2138 = arith.constant 3 : i32
      %swap3A_2139 = arith.index_cast %swap3A_2138 : i32 to index
      %swap3A_2140 = arith.index_cast %add3A_2137 : i32 to index
      %swap3A_2141 = tpu.vector_load %arg5[%swap3A_2139, %swap3A_2140] {strides = array<i32>} : memref<16x4112xf32, #tpu.memory_space<vmem>>, vector<16xf32>,
      tpu.vector_store %arg5[%swap3A_2139, %swap3A_2140], %gather3A_179 {strides = array<i32>} : memref<16x4112xf32, #tpu.memory_space<vmem>>, vector<16xf32>,
      %add3A_2142 = arith.constant 2112 : i32
      %add3A_2143 = arith.addi %add3A_2142, %mul3A_2051 : i32
      %swap3A_2144 = arith.constant 11 : i32
      %swap3A_2145 = arith.index_cast %swap3A_2144 : i32 to index
      %swap3A_2146 = arith.index_cast %add3A_2143 : i32 to index
      %swap3A_2147 = tpu.vector_load %arg5[%swap3A_2145, %swap3A_2146] {strides = array<i32>} : memref<16x4112xf32, #tpu.memory_space<vmem>>, vector<16xf32>,
      tpu.vector_store %arg5[%swap3A_2145, %swap3A_2146], %gather3A_179 {strides = array<i32>} : memref<16x4112xf32, #tpu.memory_space<vmem>>, vector<16xf32>,
      %add3A_2148 = arith.constant 8 : i32
      %add3A_2149 = arith.addi %add3A_2148, %mul3A_2051 : i32
      %swap3A_2150 = arith.constant 4 : i32
      %swap3A_2151 = arith.index_cast %swap3A_2150 : i32 to index
      %swap3A_2152 = arith.index_cast %add3A_2149 : i32 to index
      %swap3A_2153 = tpu.vector_load %arg5[%swap3A_2151, %swap3A_2152] {strides = array<i32>} : memref<16x4112xf32, #tpu.memory_space<vmem>>, vector<16xf32>,
      tpu.vector_store %arg5[%swap3A_2151, %swap3A_2152], %gather3A_74 {strides = array<i32>} : memref<16x4112xf32, #tpu.memory_space<vmem>>, vector<16xf32>,
      %add3A_2154 = arith.constant 16 : i32
      %add3A_2155 = arith.addi %add3A_2154, %mul3A_2051 : i32
      %swap3A_2156 = arith.constant 12 : i32
      %swap3A_2157 = arith.index_cast %swap3A_2156 : i32 to index
      %swap3A_2158 = arith.index_cast %add3A_2155 : i32 to index
      %swap3A_2159 = tpu.vector_load %arg5[%swap3A_2157, %swap3A_2158] {strides = array<i32>} : memref<16x4112xf32, #tpu.memory_space<vmem>>, vector<16xf32>,
      tpu.vector_store %arg5[%swap3A_2157, %swap3A_2158], %gather3A_74 {strides = array<i32>} : memref<16x4112xf32, #tpu.memory_space<vmem>>, vector<16xf32>,
      %add3A_2160 = arith.constant 2104 : i32
      %add3A_2161 = arith.addi %add3A_2160, %mul3A_2051 : i32
      %swap3A_2162 = arith.constant 4 : i32
      %swap3A_2163 = arith.index_cast %swap3A_2162 : i32 to index
      %swap3A_2164 = arith.index_cast %add3A_2161 : i32 to index
      %swap3A_2165 = tpu.vector_load %arg5[%swap3A_2163, %swap3A_2164] {strides = array<i32>} : memref<16x4112xf32, #tpu.memory_space<vmem>>, vector<16xf32>,
      tpu.vector_store %arg5[%swap3A_2163, %swap3A_2164], %gather3A_194 {strides = array<i32>} : memref<16x4112xf32, #tpu.memory_space<vmem>>, vector<16xf32>,
      %add3A_2166 = arith.constant 2112 : i32
      %add3A_2167 = arith.addi %add3A_2166, %mul3A_2051 : i32
      %swap3A_2168 = arith.constant 12 : i32
      %swap3A_2169 = arith.index_cast %swap3A_2168 : i32 to index
      %swap3A_2170 = arith.index_cast %add3A_2167 : i32 to index
      %swap3A_2171 = tpu.vector_load %arg5[%swap3A_2169, %swap3A_2170] {strides = array<i32>} : memref<16x4112xf32, #tpu.memory_space<vmem>>, vector<16xf32>,
      tpu.vector_store %arg5[%swap3A_2169, %swap3A_2170], %gather3A_194 {strides = array<i32>} : memref<16x4112xf32, #tpu.memory_space<vmem>>, vector<16xf32>,
      %add3A_2172 = arith.constant 8 : i32
      %add3A_2173 = arith.addi %add3A_2172, %mul3A_2051 : i32
      %swap3A_2174 = arith.constant 5 : i32
      %swap3A_2175 = arith.index_cast %swap3A_2174 : i32 to index
      %swap3A_2176 = arith.index_cast %add3A_2173 : i32 to index
      %swap3A_2177 = tpu.vector_load %arg5[%swap3A_2175, %swap3A_2176] {strides = array<i32>} : memref<16x4112xf32, #tpu.memory_space<vmem>>, vector<16xf32>,
      tpu.vector_store %arg5[%swap3A_2175, %swap3A_2176], %gather3A_89 {strides = array<i32>} : memref<16x4112xf32, #tpu.memory_space<vmem>>, vector<16xf32>,
      %add3A_2178 = arith.constant 16 : i32
      %add3A_2179 = arith.addi %add3A_2178, %mul3A_2051 : i32
      %swap3A_2180 = arith.constant 13 : i32
      %swap3A_2181 = arith.index_cast %swap3A_2180 : i32 to index
      %swap3A_2182 = arith.index_cast %add3A_2179 : i32 to index
      %swap3A_2183 = tpu.vector_load %arg5[%swap3A_2181, %swap3A_2182] {strides = array<i32>} : memref<16x4112xf32, #tpu.memory_space<vmem>>, vector<16xf32>,
      tpu.vector_store %arg5[%swap3A_2181, %swap3A_2182], %gather3A_89 {strides = array<i32>} : memref<16x4112xf32, #tpu.memory_space<vmem>>, vector<16xf32>,
      %add3A_2184 = arith.constant 2104 : i32
      %add3A_2185 = arith.addi %add3A_2184, %mul3A_2051 : i32
      %swap3A_2186 = arith.constant 5 : i32
      %swap3A_2187 = arith.index_cast %swap3A_2186 : i32 to index
      %swap3A_2188 = arith.index_cast %add3A_2185 : i32 to index
      %swap3A_2189 = tpu.vector_load %arg5[%swap3A_2187, %swap3A_2188] {strides = array<i32>} : memref<16x4112xf32, #tpu.memory_space<vmem>>, vector<16xf32>,
      tpu.vector_store %arg5[%swap3A_2187, %swap3A_2188], %gather3A_209 {strides = array<i32>} : memref<16x4112xf32, #tpu.memory_space<vmem>>, vector<16xf32>,
      %add3A_2190 = arith.constant 2112 : i32
      %add3A_2191 = arith.addi %add3A_2190, %mul3A_2051 : i32
      %swap3A_2192 = arith.constant 13 : i32
      %swap3A_2193 = arith.index_cast %swap3A_2192 : i32 to index
      %swap3A_2194 = arith.index_cast %add3A_2191 : i32 to index
      %swap3A_2195 = tpu.vector_load %arg5[%swap3A_2193, %swap3A_2194] {strides = array<i32>} : memref<16x4112xf32, #tpu.memory_space<vmem>>, vector<16xf32>,
      tpu.vector_store %arg5[%swap3A_2193, %swap3A_2194], %gather3A_209 {strides = array<i32>} : memref<16x4112xf32, #tpu.memory_space<vmem>>, vector<16xf32>,
      %add3A_2196 = arith.constant 8 : i32
      %add3A_2197 = arith.addi %add3A_2196, %mul3A_2051 : i32
      %swap3A_2198 = arith.constant 6 : i32
      %swap3A_2199 = arith.index_cast %swap3A_2198 : i32 to index
      %swap3A_2200 = arith.index_cast %add3A_2197 : i32 to index
      %swap3A_2201 = tpu.vector_load %arg5[%swap3A_2199, %swap3A_2200] {strides = array<i32>} : memref<16x4112xf32, #tpu.memory_space<vmem>>, vector<16xf32>,
      tpu.vector_store %arg5[%swap3A_2199, %swap3A_2200], %gather3A_104 {strides = array<i32>} : memref<16x4112xf32, #tpu.memory_space<vmem>>, vector<16xf32>,
      %add3A_2202 = arith.constant 16 : i32
      %add3A_2203 = arith.addi %add3A_2202, %mul3A_2051 : i32
      %swap3A_2204 = arith.constant 14 : i32
      %swap3A_2205 = arith.index_cast %swap3A_2204 : i32 to index
      %swap3A_2206 = arith.index_cast %add3A_2203 : i32 to index
      %swap3A_2207 = tpu.vector_load %arg5[%swap3A_2205, %swap3A_2206] {strides = array<i32>} : memref<16x4112xf32, #tpu.memory_space<vmem>>, vector<16xf32>,
      tpu.vector_store %arg5[%swap3A_2205, %swap3A_2206], %gather3A_104 {strides = array<i32>} : memref<16x4112xf32, #tpu.memory_space<vmem>>, vector<16xf32>,
      %add3A_2208 = arith.constant 2104 : i32
      %add3A_2209 = arith.addi %add3A_2208, %mul3A_2051 : i32
      %swap3A_2210 = arith.constant 6 : i32
      %swap3A_2211 = arith.index_cast %swap3A_2210 : i32 to index
      %swap3A_2212 = arith.index_cast %add3A_2209 : i32 to index
      %swap3A_2213 = tpu.vector_load %arg5[%swap3A_2211, %swap3A_2212] {strides = array<i32>} : memref<16x4112xf32, #tpu.memory_space<vmem>>, vector<16xf32>,
      tpu.vector_store %arg5[%swap3A_2211, %swap3A_2212], %gather3A_224 {strides = array<i32>} : memref<16x4112xf32, #tpu.memory_space<vmem>>, vector<16xf32>,
      %add3A_2214 = arith.constant 2112 : i32
      %add3A_2215 = arith.addi %add3A_2214, %mul3A_2051 : i32
      %swap3A_2216 = arith.constant 14 : i32
      %swap3A_2217 = arith.index_cast %swap3A_2216 : i32 to index
      %swap3A_2218 = arith.index_cast %add3A_2215 : i32 to index
      %swap3A_2219 = tpu.vector_load %arg5[%swap3A_2217, %swap3A_2218] {strides = array<i32>} : memref<16x4112xf32, #tpu.memory_space<vmem>>, vector<16xf32>,
      tpu.vector_store %arg5[%swap3A_2217, %swap3A_2218], %gather3A_224 {strides = array<i32>} : memref<16x4112xf32, #tpu.memory_space<vmem>>, vector<16xf32>,
      %add3A_2220 = arith.constant 8 : i32
      %add3A_2221 = arith.addi %add3A_2220, %mul3A_2051 : i32
      %swap3A_2222 = arith.constant 7 : i32
      %swap3A_2223 = arith.index_cast %swap3A_2222 : i32 to index
      %swap3A_2224 = arith.index_cast %add3A_2221 : i32 to index
      %swap3A_2225 = tpu.vector_load %arg5[%swap3A_2223, %swap3A_2224] {strides = array<i32>} : memref<16x4112xf32, #tpu.memory_space<vmem>>, vector<16xf32>,
      tpu.vector_store %arg5[%swap3A_2223, %swap3A_2224], %gather3A_119 {strides = array<i32>} : memref<16x4112xf32, #tpu.memory_space<vmem>>, vector<16xf32>,
      %add3A_2226 = arith.constant 16 : i32
      %add3A_2227 = arith.addi %add3A_2226, %mul3A_2051 : i32
      %swap3A_2228 = arith.constant 15 : i32
      %swap3A_2229 = arith.index_cast %swap3A_2228 : i32 to index
      %swap3A_2230 = arith.index_cast %add3A_2227 : i32 to index
      %swap3A_2231 = tpu.vector_load %arg5[%swap3A_2229, %swap3A_2230] {strides = array<i32>} : memref<16x4112xf32, #tpu.memory_space<vmem>>, vector<16xf32>,
      tpu.vector_store %arg5[%swap3A_2229, %swap3A_2230], %gather3A_119 {strides = array<i32>} : memref<16x4112xf32, #tpu.memory_space<vmem>>, vector<16xf32>,
      %add3A_2232 = arith.constant 2104 : i32
      %add3A_2233 = arith.addi %add3A_2232, %mul3A_2051 : i32
      %swap3A_2234 = arith.constant 7 : i32
      %swap3A_2235 = arith.index_cast %swap3A_2234 : i32 to index
      %swap3A_2236 = arith.index_cast %add3A_2233 : i32 to index
      %swap3A_2237 = tpu.vector_load %arg5[%swap3A_2235, %swap3A_2236] {strides = array<i32>} : memref<16x4112xf32, #tpu.memory_space<vmem>>, vector<16xf32>,
      tpu.vector_store %arg5[%swap3A_2235, %swap3A_2236], %gather3A_239 {strides = array<i32>} : memref<16x4112xf32, #tpu.memory_space<vmem>>, vector<16xf32>,
      %add3A_2238 = arith.constant 2112 : i32
      %add3A_2239 = arith.addi %add3A_2238, %mul3A_2051 : i32
      %swap3A_2240 = arith.constant 15 : i32
      %swap3A_2241 = arith.index_cast %swap3A_2240 : i32 to index
      %swap3A_2242 = arith.index_cast %add3A_2239 : i32 to index
      %swap3A_2243 = tpu.vector_load %arg5[%swap3A_2241, %swap3A_2242] {strides = array<i32>} : memref<16x4112xf32, #tpu.memory_space<vmem>>, vector<16xf32>,
      tpu.vector_store %arg5[%swap3A_2241, %swap3A_2242], %gather3A_239 {strides = array<i32>} : memref<16x4112xf32, #tpu.memory_space<vmem>>, vector<16xf32>,
    }
    %scan3A_1923 = arith.constant 124 : i32
    %swap3A_1924 = arith.constant 0 : i32
    %swap3A_1925 = arith.index_cast %swap3A_1924 : i32 to index
    %swap3A_1926 = arith.constant 4080 : index
    %swap3A_1927 = tpu.vector_load %arg5[%swap3A_1925, %swap3A_1926] {strides = array<i32>} : memref<16x4112xf32, #tpu.memory_space<vmem>>, vector<16xf32>,
    tpu.vector_store %arg5[%swap3A_1925, %swap3A_1926], %gather3A_134 {strides = array<i32>} : memref<16x4112xf32, #tpu.memory_space<vmem>>, vector<16xf32>,
    %swap3A_1928 = arith.constant 8 : i32
    %swap3A_1929 = arith.index_cast %swap3A_1928 : i32 to index
    %swap3A_1930 = arith.constant 4096 : index
    %swap3A_1931 = tpu.vector_load %arg5[%swap3A_1929, %swap3A_1930] {strides = array<i32>} : memref<16x4112xf32, #tpu.memory_space<vmem>>, vector<16xf32>,
    tpu.vector_store %arg5[%swap3A_1929, %swap3A_1930], %gather3A_134 {strides = array<i32>} : memref<16x4112xf32, #tpu.memory_space<vmem>>, vector<16xf32>,
    %swap3A_1932 = arith.constant 1 : i32
    %swap3A_1933 = arith.index_cast %swap3A_1932 : i32 to index
    %swap3A_1934 = arith.constant 4080 : index
    %swap3A_1935 = tpu.vector_load %arg5[%swap3A_1933, %swap3A_1934] {strides = array<i32>} : memref<16x4112xf32, #tpu.memory_space<vmem>>, vector<16xf32>,
    tpu.vector_store %arg5[%swap3A_1933, %swap3A_1934], %gather3A_149 {strides = array<i32>} : memref<16x4112xf32, #tpu.memory_space<vmem>>, vector<16xf32>,
    %swap3A_1936 = arith.constant 9 : i32
    %swap3A_1937 = arith.index_cast %swap3A_1936 : i32 to index
    %swap3A_1938 = arith.constant 4096 : index
    %swap3A_1939 = tpu.vector_load %arg5[%swap3A_1937, %swap3A_1938] {strides = array<i32>} : memref<16x4112xf32, #tpu.memory_space<vmem>>, vector<16xf32>,
    tpu.vector_store %arg5[%swap3A_1937, %swap3A_1938], %gather3A_149 {strides = array<i32>} : memref<16x4112xf32, #tpu.memory_space<vmem>>, vector<16xf32>,
    %swap3A_1940 = arith.constant 2 : i32
    %swap3A_1941 = arith.index_cast %swap3A_1940 : i32 to index
    %swap3A_1942 = arith.constant 4080 : index
    %swap3A_1943 = tpu.vector_load %arg5[%swap3A_1941, %swap3A_1942] {strides = array<i32>} : memref<16x4112xf32, #tpu.memory_space<vmem>>, vector<16xf32>,
    tpu.vector_store %arg5[%swap3A_1941, %swap3A_1942], %gather3A_164 {strides = array<i32>} : memref<16x4112xf32, #tpu.memory_space<vmem>>, vector<16xf32>,
    %swap3A_1944 = arith.constant 10 : i32
    %swap3A_1945 = arith.index_cast %swap3A_1944 : i32 to index
    %swap3A_1946 = arith.constant 4096 : index
    %swap3A_1947 = tpu.vector_load %arg5[%swap3A_1945, %swap3A_1946] {strides = array<i32>} : memref<16x4112xf32, #tpu.memory_space<vmem>>, vector<16xf32>,
    tpu.vector_store %arg5[%swap3A_1945, %swap3A_1946], %gather3A_164 {strides = array<i32>} : memref<16x4112xf32, #tpu.memory_space<vmem>>, vector<16xf32>,
    %swap3A_1948 = arith.constant 3 : i32
    %swap3A_1949 = arith.index_cast %swap3A_1948 : i32 to index
    %swap3A_1950 = arith.constant 4080 : index
    %swap3A_1951 = tpu.vector_load %arg5[%swap3A_1949, %swap3A_1950] {strides = array<i32>} : memref<16x4112xf32, #tpu.memory_space<vmem>>, vector<16xf32>,
    tpu.vector_store %arg5[%swap3A_1949, %swap3A_1950], %gather3A_179 {strides = array<i32>} : memref<16x4112xf32, #tpu.memory_space<vmem>>, vector<16xf32>,
    %swap3A_1952 = arith.constant 11 : i32
    %swap3A_1953 = arith.index_cast %swap3A_1952 : i32 to index
    %swap3A_1954 = arith.constant 4096 : index
    %swap3A_1955 = tpu.vector_load %arg5[%swap3A_1953, %swap3A_1954] {strides = array<i32>} : memref<16x4112xf32, #tpu.memory_space<vmem>>, vector<16xf32>,
    tpu.vector_store %arg5[%swap3A_1953, %swap3A_1954], %gather3A_179 {strides = array<i32>} : memref<16x4112xf32, #tpu.memory_space<vmem>>, vector<16xf32>,
    %swap3A_1956 = arith.constant 4 : i32
    %swap3A_1957 = arith.index_cast %swap3A_1956 : i32 to index
    %swap3A_1958 = arith.constant 4080 : index
    %swap3A_1959 = tpu.vector_load %arg5[%swap3A_1957, %swap3A_1958] {strides = array<i32>} : memref<16x4112xf32, #tpu.memory_space<vmem>>, vector<16xf32>,
    tpu.vector_store %arg5[%swap3A_1957, %swap3A_1958], %gather3A_194 {strides = array<i32>} : memref<16x4112xf32, #tpu.memory_space<vmem>>, vector<16xf32>,
    %swap3A_1960 = arith.constant 12 : i32
    %swap3A_1961 = arith.index_cast %swap3A_1960 : i32 to index
    %swap3A_1962 = arith.constant 4096 : index
    %swap3A_1963 = tpu.vector_load %arg5[%swap3A_1961, %swap3A_1962] {strides = array<i32>} : memref<16x4112xf32, #tpu.memory_space<vmem>>, vector<16xf32>,
    tpu.vector_store %arg5[%swap3A_1961, %swap3A_1962], %gather3A_194 {strides = array<i32>} : memref<16x4112xf32, #tpu.memory_space<vmem>>, vector<16xf32>,
    %swap3A_1964 = arith.constant 5 : i32
    %swap3A_1965 = arith.index_cast %swap3A_1964 : i32 to index
    %swap3A_1966 = arith.constant 4080 : index
    %swap3A_1967 = tpu.vector_load %arg5[%swap3A_1965, %swap3A_1966] {strides = array<i32>} : memref<16x4112xf32, #tpu.memory_space<vmem>>, vector<16xf32>,
    tpu.vector_store %arg5[%swap3A_1965, %swap3A_1966], %gather3A_209 {strides = array<i32>} : memref<16x4112xf32, #tpu.memory_space<vmem>>, vector<16xf32>,
    %swap3A_1968 = arith.constant 13 : i32
    %swap3A_1969 = arith.index_cast %swap3A_1968 : i32 to index
    %swap3A_1970 = arith.constant 4096 : index
    %swap3A_1971 = tpu.vector_load %arg5[%swap3A_1969, %swap3A_1970] {strides = array<i32>} : memref<16x4112xf32, #tpu.memory_space<vmem>>, vector<16xf32>,
    tpu.vector_store %arg5[%swap3A_1969, %swap3A_1970], %gather3A_209 {strides = array<i32>} : memref<16x4112xf32, #tpu.memory_space<vmem>>, vector<16xf32>,
    %swap3A_1972 = arith.constant 6 : i32
    %swap3A_1973 = arith.index_cast %swap3A_1972 : i32 to index
    %swap3A_1974 = arith.constant 4080 : index
    %swap3A_1975 = tpu.vector_load %arg5[%swap3A_1973, %swap3A_1974] {strides = array<i32>} : memref<16x4112xf32, #tpu.memory_space<vmem>>, vector<16xf32>,
    tpu.vector_store %arg5[%swap3A_1973, %swap3A_1974], %gather3A_224 {strides = array<i32>} : memref<16x4112xf32, #tpu.memory_space<vmem>>, vector<16xf32>,
    %swap3A_1976 = arith.constant 14 : i32
    %swap3A_1977 = arith.index_cast %swap3A_1976 : i32 to index
    %swap3A_1978 = arith.constant 4096 : index
    %swap3A_1979 = tpu.vector_load %arg5[%swap3A_1977, %swap3A_1978] {strides = array<i32>} : memref<16x4112xf32, #tpu.memory_space<vmem>>, vector<16xf32>,
    tpu.vector_store %arg5[%swap3A_1977, %swap3A_1978], %gather3A_224 {strides = array<i32>} : memref<16x4112xf32, #tpu.memory_space<vmem>>, vector<16xf32>,
    %swap3A_1980 = arith.constant 7 : i32
    %swap3A_1981 = arith.index_cast %swap3A_1980 : i32 to index
    %swap3A_1982 = arith.constant 4080 : index
    %swap3A_1983 = tpu.vector_load %arg5[%swap3A_1981, %swap3A_1982] {strides = array<i32>} : memref<16x4112xf32, #tpu.memory_space<vmem>>, vector<16xf32>,
    tpu.vector_store %arg5[%swap3A_1981, %swap3A_1982], %gather3A_239 {strides = array<i32>} : memref<16x4112xf32, #tpu.memory_space<vmem>>, vector<16xf32>,
    %swap3A_1984 = arith.constant 15 : i32
    %swap3A_1985 = arith.index_cast %swap3A_1984 : i32 to index
    %swap3A_1986 = arith.constant 4096 : index
    %swap3A_1987 = tpu.vector_load %arg5[%swap3A_1985, %swap3A_1986] {strides = array<i32>} : memref<16x4112xf32, #tpu.memory_space<vmem>>, vector<16xf32>,
    tpu.vector_store %arg5[%swap3A_1985, %swap3A_1986], %gather3A_239 {strides = array<i32>} : memref<16x4112xf32, #tpu.memory_space<vmem>>, vector<16xf32>,
    %mul3A_1988 = arith.constant 128 : i32
    %mul3A_1989 = arith.muli %arg0, %mul3A_1988 : i32
    %scan3A_1990 = arith.constant 0 : i32
    %scan3A_1991 = arith.constant 0 : i32
    %scan3A_1992 = arith.constant 64 : i32
    %scan3A_1993 = arith.addi %scan3A_1991, %scan3A_1992 : i32
    %scan3A_1994 = arith.constant 1 : i32
    scf.for %scan3A_2049 = %scan3A_1991 to %scan3A_1993 step %scan3A_1994  : i32 {
      %mul3A_2050 = arith.constant 2 : i32
      %mul3A_2051 = arith.muli %mul3A_2050, %scan3A_2049 : i32
      %add3A_2052 = arith.addi %mul3A_1989, %mul3A_2051 : i32
      %sub3A_2053 = arith.constant 256 : i32
      %sub3A_2054 = arith.subi %sub3A_2053, %add3A_2052 : i32
      %mul3A_2055 = arith.constant 8 : i32
      %mul3A_2056 = arith.muli %mul3A_2055, %sub3A_2054 : i32
      %mul3A_2057 = arith.constant 8 : i32
      %mul3A_2058 = arith.muli %mul3A_2057, %add3A_2052 : i32
      %dma_start3A = arith.constant 0 : i32
      %dma_start3A_2059 = tpu.memref_slice %arg5[%dma_start3A, %mul3A_2056] : memref<16x4112xf32, #tpu.memory_space<vmem>> -> memref<16x2048xf32, #tpu.memory_space<vmem>>
      %dma_start3A_2060 = arith.constant 0 : i32
      %dma_start3A_2061 = tpu.memref_slice %arg3[%arg1, %mul3A_2058, %dma_start3A_2060] : memref<16x2048x2048xf32, #tpu.memory_space<hbm>> -> memref<1x16x2048xf32, #tpu.memory_space<hbm>>
      %dma_start3A_2062 = tpu.memref_squeeze %dma_start3A_2061 : memref<1x16x2048xf32, #tpu.memory_space<hbm>> -> memref<16x2048xf32, #tpu.memory_space<hbm>>
      %dma_start3A_2063 = arith.constant 0 : i32
      %dma_start3A_2064 = tpu.memref_slice %arg3[%arg1, %mul3A_2058, %dma_start3A_2063] : memref<16x2048x2048xf32, #tpu.memory_space<hbm>> -> memref<1x16x2048xf32, #tpu.memory_space<hbm>>
      %dma_start3A_2065 = tpu.memref_squeeze %dma_start3A_2064 : memref<1x16x2048xf32, #tpu.memory_space<hbm>> -> memref<16x2048xf32, #tpu.memory_space<hbm>>
      %dma_start3A_2066 = arith.constant 0 : i32
      %dma_start3A_2067 = tpu.memref_slice %arg5[%dma_start3A_2066, %mul3A_2056] : memref<16x4112xf32, #tpu.memory_space<vmem>> -> memref<16x2048xf32, #tpu.memory_space<vmem>>
      tpu.enqueue_dma source(%dma_start3A_2067 : memref<16x2048xf32, #tpu.memory_space<vmem>>) target(%dma_start3A_2065 : memref<16x2048xf32, #tpu.memory_space<hbm>>) target_semaphore(%arg6 : memref<!tpu.dma_semaphore, #tpu.memory_space<semaphore_mem>>)
      %ge3A = arith.constant 3 : i32
      %ge3A_2068 = arith.cmpi sge, %scan3A_2049, %ge3A : i32
      %convert_element_type3A = arith.extui %ge3A_2068 : i1 to i32
      %cond3A = arith.constant 0 : i32
      %cond3A_2069 = arith.cmpi ne, %convert_element_type3A, %cond3A : i32
      scf.if %cond3A_2069 {
        %add3A_2070 = arith.constant 0 : i32
        %add3A_2071 = arith.addi %mul3A_1989, %add3A_2070 : i32
        %sub3A_2072 = arith.constant 256 : i32
        %sub3A_2073 = arith.subi %sub3A_2072, %add3A_2071 : i32
        %mul3A_2074 = arith.constant 8 : i32
        %mul3A_2075 = arith.muli %mul3A_2074, %sub3A_2073 : i32
        %mul3A_2076 = arith.constant 8 : i32
        %mul3A_2077 = arith.muli %mul3A_2076, %add3A_2071 : i32
        %dma_wait3A_2078 = arith.constant 0 : i32
        %dma_wait3A_2079 = tpu.memref_slice %arg5[%dma_wait3A_2078, %mul3A_2075] : memref<16x4112xf32, #tpu.memory_space<vmem>> -> memref<16x2048xf32, #tpu.memory_space<vmem>>
        %dma_wait3A_2080 = arith.constant 0 : i32
        %dma_wait3A_2081 = tpu.memref_slice %arg3[%arg1, %mul3A_2077, %dma_wait3A_2080] : memref<16x2048x2048xf32, #tpu.memory_space<hbm>> -> memref<1x16x2048xf32, #tpu.memory_space<hbm>>
        %dma_wait3A_2082 = tpu.memref_squeeze %dma_wait3A_2081 : memref<1x16x2048xf32, #tpu.memory_space<hbm>> -> memref<16x2048xf32, #tpu.memory_space<hbm>>
        %dma_wait3A_2083 = arith.constant 0 : i32
        %dma_wait3A_2084 = tpu.memref_slice %arg3[%arg1, %mul3A_2077, %dma_wait3A_2083] : memref<16x2048x2048xf32, #tpu.memory_space<hbm>> -> memref<1x16x2048xf32, #tpu.memory_space<hbm>>
        %dma_wait3A_2085 = tpu.memref_squeeze %dma_wait3A_2084 : memref<1x16x2048xf32, #tpu.memory_space<hbm>> -> memref<16x2048xf32, #tpu.memory_space<hbm>>
        %dma_wait3A_2086 = arith.constant 0 : i32
        %dma_wait3A_2087 = tpu.memref_slice %arg5[%dma_wait3A_2086, %mul3A_2075] : memref<16x4112xf32, #tpu.memory_space<vmem>> -> memref<16x2048xf32, #tpu.memory_space<vmem>>
        tpu.wait_dma2 semaphore(%arg6 : memref<!tpu.dma_semaphore, #tpu.memory_space<semaphore_mem>>) src(%dma_wait3A_2087 : memref<16x2048xf32, #tpu.memory_space<vmem>>) dst(%dma_wait3A_2085 : memref<16x2048xf32, #tpu.memory_space<hbm>>)
      } else {
      }
    }
    %scan3A_1995 = arith.constant 64 : i32
    %add3A_1996 = arith.constant 0 : i32
    %add3A_1997 = arith.addi %mul3A_1989, %add3A_1996 : i32
    %sub3A_1998 = arith.constant 256 : i32
    %sub3A_1999 = arith.subi %sub3A_1998, %add3A_1997 : i32
    %mul3A_2000 = arith.constant 8 : i32
    %mul3A_2001 = arith.muli %mul3A_2000, %sub3A_1999 : i32
    %mul3A_2002 = arith.constant 8 : i32
    %mul3A_2003 = arith.muli %mul3A_2002, %add3A_1997 : i32
    %dma_wait3A = arith.constant 0 : i32
    %dma_wait3A_2004 = tpu.memref_slice %arg5[%dma_wait3A, %mul3A_2001] : memref<16x4112xf32, #tpu.memory_space<vmem>> -> memref<16x2048xf32, #tpu.memory_space<vmem>>
    %dma_wait3A_2005 = arith.constant 0 : i32
    %dma_wait3A_2006 = tpu.memref_slice %arg3[%arg1, %mul3A_2003, %dma_wait3A_2005] : memref<16x2048x2048xf32, #tpu.memory_space<hbm>> -> memref<1x16x2048xf32, #tpu.memory_space<hbm>>
    %dma_wait3A_2007 = tpu.memref_squeeze %dma_wait3A_2006 : memref<1x16x2048xf32, #tpu.memory_space<hbm>> -> memref<16x2048xf32, #tpu.memory_space<hbm>>
    %dma_wait3A_2008 = arith.constant 0 : i32
    %dma_wait3A_2009 = tpu.memref_slice %arg3[%arg1, %mul3A_2003, %dma_wait3A_2008] : memref<16x2048x2048xf32, #tpu.memory_space<hbm>> -> memref<1x16x2048xf32, #tpu.memory_space<hbm>>
    %dma_wait3A_2010 = tpu.memref_squeeze %dma_wait3A_2009 : memref<1x16x2048xf32, #tpu.memory_space<hbm>> -> memref<16x2048xf32, #tpu.memory_space<hbm>>
    %dma_wait3A_2011 = arith.constant 0 : i32
    %dma_wait3A_2012 = tpu.memref_slice %arg5[%dma_wait3A_2011, %mul3A_2001] : memref<16x4112xf32, #tpu.memory_space<vmem>> -> memref<16x2048xf32, #tpu.memory_space<vmem>>
    tpu.wait_dma2 semaphore(%arg6 : memref<!tpu.dma_semaphore, #tpu.memory_space<semaphore_mem>>) src(%dma_wait3A_2012 : memref<16x2048xf32, #tpu.memory_space<vmem>>) dst(%dma_wait3A_2010 : memref<16x2048xf32, #tpu.memory_space<hbm>>)
    %add3A_2013 = arith.constant 0 : i32
    %add3A_2014 = arith.addi %mul3A_1989, %add3A_2013 : i32
    %sub3A_2015 = arith.constant 256 : i32
    %sub3A_2016 = arith.subi %sub3A_2015, %add3A_2014 : i32
    %mul3A_2017 = arith.constant 8 : i32
    %mul3A_2018 = arith.muli %mul3A_2017, %sub3A_2016 : i32
    %mul3A_2019 = arith.constant 8 : i32
    %mul3A_2020 = arith.muli %mul3A_2019, %add3A_2014 : i32
    %dma_wait3A_2021 = arith.constant 0 : i32
    %dma_wait3A_2022 = tpu.memref_slice %arg5[%dma_wait3A_2021, %mul3A_2018] : memref<16x4112xf32, #tpu.memory_space<vmem>> -> memref<16x2048xf32, #tpu.memory_space<vmem>>
    %dma_wait3A_2023 = arith.constant 0 : i32
    %dma_wait3A_2024 = tpu.memref_slice %arg3[%arg1, %mul3A_2020, %dma_wait3A_2023] : memref<16x2048x2048xf32, #tpu.memory_space<hbm>> -> memref<1x16x2048xf32, #tpu.memory_space<hbm>>
    %dma_wait3A_2025 = tpu.memref_squeeze %dma_wait3A_2024 : memref<1x16x2048xf32, #tpu.memory_space<hbm>> -> memref<16x2048xf32, #tpu.memory_space<hbm>>
    %dma_wait3A_2026 = arith.constant 0 : i32
    %dma_wait3A_2027 = tpu.memref_slice %arg3[%arg1, %mul3A_2020, %dma_wait3A_2026] : memref<16x2048x2048xf32, #tpu.memory_space<hbm>> -> memref<1x16x2048xf32, #tpu.memory_space<hbm>>
    %dma_wait3A_2028 = tpu.memref_squeeze %dma_wait3A_2027 : memref<1x16x2048xf32, #tpu.memory_space<hbm>> -> memref<16x2048xf32, #tpu.memory_space<hbm>>
    %dma_wait3A_2029 = arith.constant 0 : i32
    %dma_wait3A_2030 = tpu.memref_slice %arg5[%dma_wait3A_2029, %mul3A_2018] : memref<16x4112xf32, #tpu.memory_space<vmem>> -> memref<16x2048xf32, #tpu.memory_space<vmem>>
    tpu.wait_dma2 semaphore(%arg6 : memref<!tpu.dma_semaphore, #tpu.memory_space<semaphore_mem>>) src(%dma_wait3A_2030 : memref<16x2048xf32, #tpu.memory_space<vmem>>) dst(%dma_wait3A_2028 : memref<16x2048xf32, #tpu.memory_space<hbm>>)
    %add3A_2031 = arith.constant 0 : i32
    %add3A_2032 = arith.addi %mul3A_1989, %add3A_2031 : i32
    %sub3A_2033 = arith.constant 256 : i32
    %sub3A_2034 = arith.subi %sub3A_2033, %add3A_2032 : i32
    %mul3A_2035 = arith.constant 8 : i32
    %mul3A_2036 = arith.muli %mul3A_2035, %sub3A_2034 : i32
    %mul3A_2037 = arith.constant 8 : i32
    %mul3A_2038 = arith.muli %mul3A_2037, %add3A_2032 : i32
    %dma_wait3A_2039 = arith.constant 0 : i32
    %dma_wait3A_2040 = tpu.memref_slice %arg5[%dma_wait3A_2039, %mul3A_2036] : memref<16x4112xf32, #tpu.memory_space<vmem>> -> memref<16x2048xf32, #tpu.memory_space<vmem>>
    %dma_wait3A_2041 = arith.constant 0 : i32
    %dma_wait3A_2042 = tpu.memref_slice %arg3[%arg1, %mul3A_2038, %dma_wait3A_2041] : memref<16x2048x2048xf32, #tpu.memory_space<hbm>> -> memref<1x16x2048xf32, #tpu.memory_space<hbm>>
    %dma_wait3A_2043 = tpu.memref_squeeze %dma_wait3A_2042 : memref<1x16x2048xf32, #tpu.memory_space<hbm>> -> memref<16x2048xf32, #tpu.memory_space<hbm>>
    %dma_wait3A_2044 = arith.constant 0 : i32
    %dma_wait3A_2045 = tpu.memref_slice %arg3[%arg1, %mul3A_2038, %dma_wait3A_2044] : memref<16x2048x2048xf32, #tpu.memory_space<hbm>> -> memref<1x16x2048xf32, #tpu.memory_space<hbm>>
    %dma_wait3A_2046 = tpu.memref_squeeze %dma_wait3A_2045 : memref<1x16x2048xf32, #tpu.memory_space<hbm>> -> memref<16x2048xf32, #tpu.memory_space<hbm>>
    %dma_wait3A_2047 = arith.constant 0 : i32
    %dma_wait3A_2048 = tpu.memref_slice %arg5[%dma_wait3A_2047, %mul3A_2036] : memref<16x4112xf32, #tpu.memory_space<vmem>> -> memref<16x2048xf32, #tpu.memory_space<vmem>>
    tpu.wait_dma2 semaphore(%arg6 : memref<!tpu.dma_semaphore, #tpu.memory_space<semaphore_mem>>) src(%dma_wait3A_2048 : memref<16x2048xf32, #tpu.memory_space<vmem>>) dst(%dma_wait3A_2046 : memref<16x2048xf32, #tpu.memory_space<hbm>>)
    return
  }
}

</mosaic_0001>

<sc_bundles>
// kernel: kernel.3.cloned.1.call-start
scs
__scs_entry_jumppad:
0x0: {  	(pc) =	sbr.rel $0x88, $3  }
0x1: {  	(tag) =	ssettag $0x0;
	lr =	simm.s32 $0x1  }
0x2: {  	[smem:$0x3FA0] =	sst lr;
	_ =	strace $0xD0000000  }
0x3: {  	_ = 	snop  }
0x4: {  	_ = 	snop  }
0x5: {  	_ = 	snop  }
0x6: {  	_ = 	snop  }
0x7: {  	_ = 	snop  }
__scs_overlays_trampoline_lowered:
0x8: {  	[smem:$0x3FAF] =	sst s0  }
0x9: {  	[smem:$0x3FB0] =	sst s1  }
0xa: {  	[smem:$0x3FB1] =	sst s2  }
0xb: {  	[smem:$0x3FB2] =	sst s3  }
0xc: {  	[smem:$0x3FB3] =	sst s4  }
0xd: {  	[smem:$0x3FB4] =	sst s5  }
0xe: {  	[smem:$0x3FB5] =	sst s6  }
0xf: {  	[smem:$0x3FB6] =	sst s7  }
0x10: {  	[smem:$0x3FB7] =	sst s8  }
0x11: {  	[smem:$0x3FB8] =	sst s9;
	s0 =	simm.s32 @!p0 $0x0  }
0x12: {  	s1 =	sld [smem:$0x3F9E];
	s0 =	simm.s32 @p0 $0x1  }
0x13: {  	[smem:$0x3FB9] =	sst s0;
	s0 =	simm.s32 @!p1 $0x0  }
0x14: {  	s2 =	sld [smem:$0x3F9D];
	s0 =	simm.s32 @p1 $0x1  }
0x15: {  	[smem:$0x3FBA] =	sst s0;
	s0 =	simm.s32 @!p2 $0x0  }
0x16: {  	s3 =	sld [smem:$0x3FDB];
	s0 =	simm.s32 @p2 $0x1  }
0x17: {  	s4 =	simm.s32 $0x1BF5;
	[smem:$0x3FBC] =	sst s0  }
0x18: {  	s0 =	sld [smem:$0x3F9F];
	_ =	swait.ge [sflag:s4], $0x0  }
0x19: {  	s7 =	sld [smem:$0x3FA0]  }
0x1a: {  	s8 =	sadd.s32 $0xFFFFE003, lr  }
0x1b: {  	s9 =	sadd.s32 $0xFFFFFEF7, lr;
	s5 =	simm.s32 $0xFFFFFFFF;
	p2 =	slt.u32 s8, $0xFFFFF086  }
0x1c: {  	p1 =	slt.u32 s9, $0xF7A;
	s5 =	simm.s32 @!p2 $0x0  }
0x1d: {  	s5 =	simm.s32 @p1 $0x1;
	p0 =	seq.s32 s7, s2  }
0x1e: {  	s7 =	smul.u32 @!p0 $0xF7A, s2;
	p2 =	seq.s32 @!p0 s5, $0x0  }
0x1f: {  	s9 =	smul.u32 $0xF7A, s1;
	s8 =	simm.s32 @!p0 $0x1BF5;
	p2 =	por !p2, p0  }
0x20: {  	[sflag:s8] =	ssyncset.s32 @!p0 $0xFFFFF086;
	s6 =	sadd.s32 @!p0 s3, s7;
	s7 =	simm.s32 @!p0 $0x108  }
0x21: {  	s3 =	sadd.s32 s3, s9;
	s6 =	sadd.s32 @!p0 $0x88, s6;
	s7 =	simm.s32 @p2 $0x1082  }
0x22: {  	[simem:s7], [sflag:s8] =	dma.local @!p0 [hbm:s6], $0xF7A  }
0x23: {  	s9 =	sor.u32 $0xD0000000, s2;
	s6 =	simm.s32 $0x108;
	_ =	swait.ge @!p0 [sflag:s8], $0x0  }
0x24: {  	s3 =	sadd.s32 $0x88, s3;
	s6 =	simm.s32 @!p1 $0x1082;
	[sflag:s4] =	ssyncset.s32 $0xFFFFF086  }
0x25: {  	[simem:s6], [sflag:s4] =	dma.local [hbm:s3], $0xF7A  }
0x26: {  	[smem:$0x3FA0] =	sst s1;
	(tag) =	ssettag s2;
	_ =	strace s9  }
0x27: {  	s1 =	sld [smem:$0x3FB0]  }
0x28: {  	s2 =	sld [smem:$0x3FB1]  }
0x29: {  	s4 =	sld [smem:$0x3FB3]  }
0x2a: {  	p0 =	seq.s32 s5, $0x0;
	s5 =	sld [smem:$0x3FB4]  }
0x2b: {  	s6 =	sld [smem:$0x3FB5]  }
0x2c: {  	s7 =	sld [smem:$0x3FB6]  }
0x2d: {  	s3 =	simm.s32 $0x108;
	s8 =	sld [smem:$0x3FB7]  }
0x2e: {  	s3 =	simm.s32 @!p0 $0x1082;
	s9 =	sld [smem:$0x3FB8]  }
0x2f: {  	lr =	sadd.s32 s0, s3;
	s0 =	sld [smem:$0x3FAF]  }
0x30: {  	s3 =	sld [smem:$0x3FB2]  }
0x31: {  	[smem:$0x3FBB] =	sst s10  }
0x32: {  	s10 =	sld [smem:$0x3FB9];
	_ =	sdelay $0x3  }
0x33: {  	p0 =	seq.s32 s10, $0x1;
	s10 =	sld [smem:$0x3FBB];
	_ =	sdelay $0x3  }
0x34: {  	[smem:$0x3FBB] =	sst s10  }
0x35: {  	s10 =	sld [smem:$0x3FBA];
	_ =	sdelay $0x3  }
0x36: {  	p1 =	seq.s32 s10, $0x1;
	s10 =	sld [smem:$0x3FBB];
	_ =	sdelay $0x3  }
0x37: {  	[smem:$0x3FBB] =	sst s10  }
0x38: {  	s10 =	sld [smem:$0x3FBC]  }
0x39: {  	_ = 	snop;
	(pc) =	sbr.ind lr, $3  }
0x3a: {  	_ = 	snop  }
0x3b: {  	_ = 	snop  }
0x3c: {  	p2 =	seq.s32 s10, $0x1;
	s10 =	sld [smem:$0x3FBB]  }
0x3d: {  	_ =	shalt  }
0x3e: {  	_ =	shalt  }
0x3f: {  	_ =	shalt  }
0x40: {  	_ =	shalt  }
0x41: {  	_ =	shalt  }
0x42: {  	_ =	shalt  }
0x43: {  	_ =	shalt  }
0x44: {  	_ =	shalt  }
0x45: {  	_ =	shalt  }
0x46: {  	_ =	shalt  }
0x47: {  	_ =	shalt  }
0x48: {  	_ =	shalt  }
0x49: {  	_ =	shalt  }
0x4a: {  	_ =	shalt  }
0x4b: {  	_ =	shalt  }
0x4c: {  	_ =	shalt  }
0x4d: {  	_ =	shalt  }
0x4e: {  	_ =	shalt  }
0x4f: {  	_ =	shalt  }
0x50: {  	_ =	shalt  }
0x51: {  	_ =	shalt  }
0x52: {  	_ =	shalt  }
0x53: {  	_ =	shalt  }
0x54: {  	_ =	shalt  }
0x55: {  	_ =	shalt  }
0x56: {  	_ =	shalt  }
0x57: {  	_ =	shalt  }
0x58: {  	_ =	shalt  }
0x59: {  	_ =	shalt  }
0x5a: {  	_ =	shalt  }
0x5b: {  	_ =	shalt  }
0x5c: {  	_ =	shalt  }
0x5d: {  	_ =	shalt  }
0x5e: {  	_ =	shalt  }
0x5f: {  	_ =	shalt  }
0x60: {  	_ =	shalt  }
0x61: {  	_ =	shalt  }
0x62: {  	_ =	shalt  }
0x63: {  	_ =	shalt  }
0x64: {  	_ =	shalt  }
0x65: {  	_ =	shalt  }
0x66: {  	_ =	shalt  }
0x67: {  	_ =	shalt  }
0x68: {  	_ =	shalt  }
0x69: {  	_ =	shalt  }
0x6a: {  	_ =	shalt  }
0x6b: {  	_ =	shalt  }
0x6c: {  	_ =	shalt  }
0x6d: {  	_ =	shalt  }
0x6e: {  	_ =	shalt  }
0x6f: {  	_ =	shalt  }
0x70: {  	_ =	shalt  }
0x71: {  	_ =	shalt  }
0x72: {  	_ =	shalt  }
0x73: {  	_ =	shalt  }
0x74: {  	_ =	shalt  }
0x75: {  	_ =	shalt  }
0x76: {  	_ =	shalt  }
0x77: {  	_ =	shalt  }
0x78: {  	_ =	shalt  }
0x79: {  	_ =	shalt  }
0x7a: {  	_ =	shalt  }
0x7b: {  	_ =	shalt  }
0x7c: {  	_ =	shalt  }
0x7d: {  	_ =	shalt  }
0x7e: {  	_ =	shalt  }
0x7f: {  	_ =	shalt  }
0x80: {  	_ =	shalt  }
0x81: {  	_ =	shalt  }
0x82: {  	_ =	shalt  }
0x83: {  	_ =	shalt  }
0x84: {  	_ =	shalt  }
0x85: {  	_ =	shalt  }
0x86: {  	_ =	shalt  }
0x87: {  	_ =	shalt  }
.Lfunc_end0:
.L_simem_size_0:
called_computation_lowered:
.L_overlay_start_0:
0x88: {  	s2 =	sld [smem:$0x3FD9]  }
0x89: {  	s3 =	sld [smem:$0x3FFE];
	_ =	sdelay $0x1  }
0x8a: {  	s1 =	srdreg.scid  }
0x8b: {  	s0 =	sand.u32 $0x1, s1  }
0x8c: {  	s17 =	sshll.u32 s0, $0xA;
	s2 =	sadd.s32 s3, s2  }
0x8d: {  	s2 =	sadd.s32 s2, s17  }
0x8e: {  	[smem:$0x3FC7] =	sst s2  }
0x8f: {  	_ = 	snop  }
0x90: {  	s2 =	sld [smem:$0x3FD0];
	(tm) =	ssettm $0x1  }
0x91: {  	s18 =	sld [smem:$0x3FFB];
	_ =	sdelay $0x3  }
0x92: {  	_ =	strace s18  }
0x93: {  	s3 =	sld [smem:$0x3FFC];
	_ =	sdelay $0x3  }
0x94: {  	_ =	strace s3  }
0x95: {  	s3 =	sld [smem:$0x3FFD];
	_ =	sdelay $0x3  }
0x96: {  	_ =	strace s3  }
0x97: {  	_ =	strace $0x8FFFFFFF  }
0x98: {  	s19 =	sld [smem:$0x3FDB];
	_ =	sdelay $0x1  }
0x99: {  	s4 =	simm.s32 $_scs_section_size  }
0x9a: {  	s5 =	simm.s32 $_size__tile_overlayer_lowered;
	s6 =	simm.s32 $_tile_overlayer_lowered  }
0x9b: {  	s22 =	simm.s32 $0x1BFF;
	s21 =	sshll.u32 s6, $0x1;
	s3 =	sadd.s32 s4, s19  }
0x9c: {  	s7 =	simm.s32 $0x0;
	s20 =	sshll.u32 s5, $0x1;
	s5 =	sadd.s32 s21, s3  }
0x9d: {  	[timem:s7], [sflag:s22] =	dma.local [hbm:s5], s20  }
0x9e: {  	_ =	swait.ge [sflag:s22], s20  }
0x9f: {  	s4 =	ssub.s32 $0x0, s20;
	[sflag:s22] =	ssyncset.done $0x0  }
0xa0: {  	[sflag:s22] =	ssyncadd.s32 s4;
	_ =	sdelay $0x1  }
0xa1: {  	s23 =	simm.s32 $0x1B8B  }
0xa2: {  	_ =	swait.ge [sflag:s23], $0x1  }
0xa3: {  	[sflag:s23] =	ssyncset.done $0x0  }
0xa4: {  	s25 =	simm.s32 $0x1B8E;
	s24 =	sld [smem:$0x3FFE];
	[sflag:s23] =	ssyncadd.s32 $0xFFFFFFFF  }
0xa5: {  	s26 =	simm.s32 $execute0_lowered;
	[smem:$0x3FD2] =	sst s25  }
0xa6: {  	s5 =	sshll.u32 s26, $0x1;
	_ =	strace $0x80000046;
	[dreg:$0x1] =	wrdreg $0xFFFFFFFF  }
0xa7: {  	s28 =	simm.s32 $_size_execute0_lowered;
	s3 =	sadd.s32 s3, s5;
	[dreg:$0x0] =	wrdreg $0x0  }
0xa8: {  	s5 =	sshll.u32 s28, $0x1;
	[dreg:$0x2] =	wrdreg s3  }
0xa9: {  	[dreg:$0x3] =	wrdreg s5  }
0xaa: {  	[dreg:$0x4] =	wrdreg $0xC0  }
0xab: {  	_ =	task [dreg:s7], $0x5FFFF  }
0xac: {  	[dreg:$0x1] =	wrdreg $0xFFFFFFFF  }
0xad: {  	[dreg:$0x0] =	wrdreg $0x60  }
0xae: {  	[dreg:$0x2] =	wrdreg s2  }
0xaf: {  	[dreg:$0x3] =	wrdreg s24  }
0xb0: {  	[dreg:$0x4] =	wrdreg $0x9  }
0xb1: {  	_ =	task.clear_ibuf [dreg:s7], $0x5FFFF;
	_ =	strace $0x90000046  }
0xb2: {  	s29 =	simm.s32 $0x9;
	_ =	strace $0x80000048  }
0xb3: {  	_ =	swait.ge [sflag:s29], $0x1  }
0xb4: {  	[sflag:s29] =	ssyncadd.s32 $0xFFFFFFFF  }
0xb5: {  	_ =	strace $0x90000048  }
0xb6: {  	_ =	sfence  }
0xb7: {  	s30 =	sld [smem:$0x0];
	_ =	sdelay $0x2  }
0xb8: {  	s31 =	sshll.u32 s1, $0xD;
	s1 =	sshrl.u32 s1, $0x2  }
0xb9: {  	s3 =	sand.u32 $0x4000, s31;
	s1 =	sadd.s32 s1, s30  }
0xba: {  	s0 =	sor.u32 s3, s0;
	s1 =	sshll.u32 s1, $0x11  }
0xbb: {  	s0 =	sor.u32 s1, s0  }
0xbc: {  	s0 =	sadd.s32 $0x8F2B, s0  }
0xbd: {  	[sflag:s0] =	ssyncadd.remote.s32 $0x1  }
0xbe: {  	_ =	sfence.sel $0xFFFF  }
0xbf: {  	[dreg:$0x0] =	wrdreg $0xFFFFFFFF;
	(pc) =	sbr.abs _section_cstart, $3  }
0xc0: {  	[dreg:$0x1] =	wrdreg $0xFFFFFFFF  }
0xc1: {  	_ =	task.clear_ibuf [dreg:s7], $0x2FFFF;
	_ =	strace $0x9FFFFFFF  }
0xc2: {  	(tm) =	ssettm $0x7FFFFFFF  }
0xc3: {  	_ =	shalt  }
tec
execute0_lowered:
.L_overlay_start_1:
0x0: {  	(tag) =	ssettag $0x1  }
0x1: {  	v0 =	vlaneseq.u32;
	vm10 =	vcmask $0x300;
	vm11 =	vcmask $0x704  }
0x2: {  	vm12 =	vcmask $0xB08;
	vm13 =	vcmask $0xF0C;
	v0 =	vand.u32 $0x7, v0  }
0x3: {  	vm14 =	vcmask $0x1310;
	vm9 =	vcmask $0x1714;
	v0 =	vmul.u32 $0xFFFFFF10, v0  }
0x4: {  	vm8 =	vcmask $0x1B18;
	vm7 =	vcmask $0x1F1C;
	vm6 =	vcmask $0x2320  }
0x5: {  	s0 =	stileid.u32;
	vm5 =	vcmask $0x2724;
	vm4 =	vcmask $0x2B28;
	v1 =	vadd.s32 $0x770, v0  }
0x6: {  	vm3 =	vcmask $0x2F2C;
	v2 =	vadd.s32 $0x860, v0;
	v1 =	vor.u32 s0, v1  }
0x7: {  	vm2 =	vcmask $0x3330;
	v3 =	vadd.s32 $0x950, v0;
	[tilespmem:$0x1FE70] =	vst v1;
	v1 =	vor.u32 s0, v2  }
0x8: {  	vm1 =	vcmask $0x3734;
	vm0 =	vcmask $0x3B38;
	[tilespmem:$0x1FE80] =	vst v1;
	v1 =	vor.u32 s0, v3  }
0x9: {  	v4 =	vimm.s32 $0x700;
	v5 =	vimm.s32 $0x6E0;
	[tilespmem:$0x1FE90] =	vst v1;
	v1 =	vadd.s32 $0xA40, v0  }
0xa: {  	v6 =	vimm.s32 $0x6C0;
	v2 =	vadd.s32 $0xB30, v0;
	v1 =	vor.u32 s0, v1  }
0xb: {  	v7 =	vimm.s32 $0x6A0;
	v3 =	vadd.s32 $0xC20, v0;
	[tilespmem:$0x1FEA0] =	vst v1;
	v1 =	vor.u32 s0, v2  }
0xc: {  	v4 =	vsel vm10, $0xDA0, v4;
	v5 =	vsel vm10, $0xD80, v5;
	[tilespmem:$0x1FEB0] =	vst v1;
	v1 =	vor.u32 s0, v3  }
0xd: {  	v6 =	vsel vm10, $0xD60, v6;
	v7 =	vsel vm10, $0xD40, v7;
	[tilespmem:$0x1FEC0] =	vst v1;
	v1 =	vadd.s32 $0xD10, v0  }
0xe: {  	v4 =	vsel vm11, $0xCB0, v4;
	v2 =	vadd.s32 $0xE00, v0;
	v1 =	vor.u32 s0, v1  }
0xf: {  	v5 =	vsel vm11, $0xC90, v5;
	v3 =	vadd.s32 $0x690, v0;
	[tilespmem:$0x1FED0] =	vst v1;
	v1 =	vor.u32 s0, v2  }
0x10: {  	v6 =	vsel vm11, $0xC70, v6;
	v7 =	vsel vm11, $0xC50, v7;
	[tilespmem:$0x1FEE0] =	vst v1;
	v1 =	vor.u32 s0, v3  }
0x11: {  	v4 =	vsel vm12, $0xBC0, v4;
	v5 =	vsel vm12, $0xBA0, v5;
	[tilespmem:$0x1FEF0] =	vst v1;
	v1 =	vadd.s32 $0x780, v0  }
0x12: {  	v6 =	vsel vm12, $0xB80, v6;
	v2 =	vadd.s32 $0x870, v0;
	v1 =	vor.u32 s0, v1  }
0x13: {  	v7 =	vsel vm12, $0xB60, v7;
	v3 =	vadd.s32 $0x960, v0;
	[tilespmem:$0x1FF00] =	vst v1;
	v1 =	vor.u32 s0, v2  }
0x14: {  	v4 =	vsel vm13, $0xAD0, v4;
	v5 =	vsel vm13, $0xAB0, v5;
	[tilespmem:$0x1FF10] =	vst v1;
	v1 =	vor.u32 s0, v3  }
0x15: {  	v6 =	vsel vm13, $0xA90, v6;
	v7 =	vsel vm13, $0xA70, v7;
	[tilespmem:$0x1FF20] =	vst v1;
	v1 =	vadd.s32 $0xA50, v0  }
0x16: {  	v4 =	vsel vm14, $0x9E0, v4;
	v2 =	vadd.s32 $0xB40, v0;
	v1 =	vor.u32 s0, v1  }
0x17: {  	v5 =	vsel vm14, $0x9C0, v5;
	v3 =	vadd.s32 $0xC30, v0;
	[tilespmem:$0x1FF30] =	vst v1;
	v1 =	vor.u32 s0, v2  }
0x18: {  	v6 =	vsel vm14, $0x9A0, v6;
	v7 =	vsel vm14, $0x980, v7;
	[tilespmem:$0x1FF40] =	vst v1;
	v1 =	vor.u32 s0, v3  }
0x19: {  	v4 =	vsel vm9, $0x8F0, v4;
	v5 =	vsel vm9, $0x8D0, v5;
	[tilespmem:$0x1FF50] =	vst v1;
	v1 =	vimm.s32 $0xD0  }
0x1a: {  	v6 =	vsel vm9, $0x8B0, v6;
	v2 =	vimm.s32 $0xB0;
	v1 =	vsel vm10, $0x770, v1  }
0x1b: {  	v7 =	vsel vm9, $0x890, v7;
	v2 =	vsel vm10, $0x750, v2;
	v1 =	vsel vm11, $0x680, v1  }
0x1c: {  	v4 =	vsel vm8, $0x800, v4;
	v2 =	vsel vm11, $0x660, v2;
	v1 =	vsel vm12, $0x590, v1  }
0x1d: {  	v5 =	vsel vm8, $0x7E0, v5;
	v2 =	vsel vm12, $0x570, v2;
	v1 =	vsel vm13, $0x4A0, v1  }
0x1e: {  	v6 =	vsel vm8, $0x7C0, v6;
	v2 =	vsel vm13, $0x480, v2;
	v1 =	vsel vm14, $0x3B0, v1  }
0x1f: {  	v7 =	vsel vm8, $0x7A0, v7;
	v2 =	vsel vm14, $0x390, v2;
	v1 =	vsel vm9, $0x2C0, v1  }
0x20: {  	v4 =	vsel vm7, $0x710, v4;
	v2 =	vsel vm9, $0x2A0, v2;
	v1 =	vsel vm8, $0x1D0, v1  }
0x21: {  	v5 =	vsel vm7, $0x6F0, v5;
	v2 =	vsel vm8, $0x1B0, v2;
	v1 =	vsel vm7, $0xE0, v1  }
0x22: {  	v6 =	vsel vm7, $0x6D0, v6;
	v2 =	vsel vm7, $0xC0, v2;
	v1 =	vsel vm6, $0x760, v1  }
0x23: {  	v7 =	vsel vm7, $0x6B0, v7;
	v2 =	vsel vm6, $0x740, v2;
	v1 =	vsel vm5, $0x670, v1  }
0x24: {  	v4 =	vsel vm6, $0xD90, v4;
	v2 =	vsel vm5, $0x650, v2;
	v1 =	vsel vm4, $0x580, v1  }
0x25: {  	v5 =	vsel vm6, $0xD70, v5;
	v2 =	vsel vm4, $0x560, v2;
	v1 =	vsel vm3, $0x490, v1  }
0x26: {  	v6 =	vsel vm6, $0xD50, v6;
	v2 =	vsel vm3, $0x470, v2;
	v1 =	vsel vm2, $0x3A0, v1  }
0x27: {  	v0 =	vadd.s32 $0xD20, v0;
	v2 =	vsel vm2, $0x380, v2;
	v1 =	vsel vm1, $0x2B0, v1  }
0x28: {  	v0 =	vor.u32 s0, v0;
	v2 =	vsel vm1, $0x290, v2;
	v1 =	vsel vm0, $0x1C0, v1  }
0x29: {  	v7 =	vsel vm6, $0xD30, v7;
	[tilespmem:$0x1FF60] =	vst v0;
	v2 =	vsel vm0, $0x1A0, v2;
	v0 =	vor.u32 s0, v1  }
0x2a: {  	v4 =	vsel vm5, $0xCA0, v4;
	v5 =	vsel vm5, $0xC80, v5;
	[tilespmem:$0x1FF70] =	vst v0;
	v0 =	vor.u32 s0, v2  }
0x2b: {  	v6 =	vsel vm5, $0xC60, v6;
	v7 =	vsel vm5, $0xC40, v7;
	[tilespmem:$0x1FF80] =	vst v0;
	v0 =	vimm.s32 $0x90  }
0x2c: {  	v4 =	vsel vm4, $0xBB0, v4;
	v1 =	vimm.s32 $0x70;
	v0 =	vsel vm10, $0x730, v0  }
0x2d: {  	v2 =	vimm.s32 $0x50;
	v1 =	vsel vm10, $0x710, v1;
	v0 =	vsel vm11, $0x640, v0  }
0x2e: {  	v2 =	vsel vm10, $0x6F0, v2;
	v1 =	vsel vm11, $0x620, v1;
	v0 =	vsel vm12, $0x550, v0  }
0x2f: {  	v2 =	vsel vm11, $0x600, v2;
	v1 =	vsel vm12, $0x530, v1;
	v0 =	vsel vm13, $0x460, v0  }
0x30: {  	v2 =	vsel vm12, $0x510, v2;
	v1 =	vsel vm13, $0x440, v1;
	v0 =	vsel vm14, $0x370, v0  }
0x31: {  	v2 =	vsel vm13, $0x420, v2;
	v1 =	vsel vm14, $0x350, v1;
	v0 =	vsel vm9, $0x280, v0  }
0x32: {  	v2 =	vsel vm14, $0x330, v2;
	v1 =	vsel vm9, $0x260, v1;
	v0 =	vsel vm8, $0x190, v0  }
0x33: {  	v2 =	vsel vm9, $0x240, v2;
	v1 =	vsel vm8, $0x170, v1;
	v0 =	vsel vm7, $0xA0, v0  }
0x34: {  	v2 =	vsel vm8, $0x150, v2;
	v1 =	vsel vm7, $0x80, v1;
	v0 =	vsel vm6, $0x720, v0  }
0x35: {  	v2 =	vsel vm7, $0x60, v2;
	v1 =	vsel vm6, $0x700, v1;
	v0 =	vsel vm5, $0x630, v0  }
0x36: {  	v2 =	vsel vm6, $0x6E0, v2;
	v1 =	vsel vm5, $0x610, v1;
	v0 =	vsel vm4, $0x540, v0  }
0x37: {  	v2 =	vsel vm5, $0x5F0, v2;
	v1 =	vsel vm4, $0x520, v1;
	v0 =	vsel vm3, $0x450, v0  }
0x38: {  	v2 =	vsel vm4, $0x500, v2;
	v1 =	vsel vm3, $0x430, v1;
	v0 =	vsel vm2, $0x360, v0  }
0x39: {  	v2 =	vsel vm3, $0x410, v2;
	v1 =	vsel vm2, $0x340, v1;
	v0 =	vsel vm1, $0x270, v0  }
0x3a: {  	v2 =	vsel vm2, $0x320, v2;
	v1 =	vsel vm1, $0x250, v1;
	v0 =	vsel vm0, $0x180, v0  }
0x3b: {  	v2 =	vsel vm1, $0x230, v2;
	v1 =	vsel vm0, $0x160, v1;
	v0 =	vor.u32 s0, v0  }
0x3c: {  	v5 =	vsel vm4, $0xB90, v5;
	v2 =	vsel vm0, $0x140, v2;
	[tilespmem:$0x1FF90] =	vst v0;
	v0 =	vor.u32 s0, v1  }
0x3d: {  	v6 =	vsel vm4, $0xB70, v6;
	v7 =	vsel vm4, $0xB50, v7;
	[tilespmem:$0x1FFA0] =	vst v0;
	v0 =	vor.u32 s0, v2  }
0x3e: {  	v4 =	vsel vm3, $0xAC0, v4;
	v5 =	vsel vm3, $0xAA0, v5;
	[tilespmem:$0x1FFB0] =	vst v0;
	v0 =	vimm.s32 $0x30  }
0x3f: {  	v6 =	vsel vm3, $0xA80, v6;
	v1 =	vimm.s32 $0x10;
	v0 =	vsel vm10, $0x6D0, v0  }
0x40: {  	v2 =	vimm.s32 $0x1C0;
	v1 =	vsel vm10, $0x6B0, v1;
	v0 =	vsel vm11, $0x5E0, v0  }
0x41: {  	v2 =	vsel vm10, $0x860, v2;
	v1 =	vsel vm11, $0x5C0, v1;
	v0 =	vsel vm12, $0x4F0, v0  }
0x42: {  	v2 =	vsel vm11, $0x770, v2;
	v1 =	vsel vm12, $0x4D0, v1;
	v0 =	vsel vm13, $0x400, v0  }
0x43: {  	v2 =	vsel vm12, $0x680, v2;
	v1 =	vsel vm13, $0x3E0, v1;
	v0 =	vsel vm14, $0x310, v0  }
0x44: {  	v2 =	vsel vm13, $0x590, v2;
	v1 =	vsel vm14, $0x2F0, v1;
	v0 =	vsel vm9, $0x220, v0  }
0x45: {  	v2 =	vsel vm14, $0x4A0, v2;
	v1 =	vsel vm9, $0x200, v1;
	v0 =	vsel vm8, $0x130, v0  }
0x46: {  	v2 =	vsel vm9, $0x3B0, v2;
	v1 =	vsel vm8, $0x110, v1;
	v0 =	vsel vm7, $0x40, v0  }
0x47: {  	v2 =	vsel vm8, $0x2C0, v2;
	v1 =	vsel vm7, $0x20, v1;
	v0 =	vsel vm6, $0x6C0, v0  }
0x48: {  	v2 =	vsel vm7, $0x1D0, v2;
	v1 =	vsel vm6, $0x6A0, v1;
	v0 =	vsel vm5, $0x5D0, v0  }
0x49: {  	v2 =	vsel vm6, $0x850, v2;
	v1 =	vsel vm5, $0x5B0, v1;
	v0 =	vsel vm4, $0x4E0, v0  }
0x4a: {  	v2 =	vsel vm5, $0x760, v2;
	v1 =	vsel vm4, $0x4C0, v1;
	v0 =	vsel vm3, $0x3F0, v0  }
0x4b: {  	v2 =	vsel vm4, $0x670, v2;
	v1 =	vsel vm3, $0x3D0, v1;
	v0 =	vsel vm2, $0x300, v0  }
0x4c: {  	v2 =	vsel vm3, $0x580, v2;
	v1 =	vsel vm2, $0x2E0, v1;
	v0 =	vsel vm1, $0x210, v0  }
0x4d: {  	v2 =	vsel vm2, $0x490, v2;
	v1 =	vsel vm1, $0x1F0, v1;
	v0 =	vsel vm0, $0x120, v0  }
0x4e: {  	v2 =	vsel vm1, $0x3A0, v2;
	v1 =	vsel vm0, $0x100, v1;
	v0 =	vor.u32 s0, v0  }
0x4f: {  	v7 =	vsel vm3, $0xA60, v7;
	v2 =	vsel vm0, $0x2B0, v2;
	[tilespmem:$0x1FFC0] =	vst v0;
	v0 =	vor.u32 s0, v1  }
0x50: {  	v3 =	vimm.s32 $0x720;
	v1 =	vimm.s32 $0x180;
	[tilespmem:$0x1FFD0] =	vst v0;
	v0 =	vor.u32 s0, v2  }
0x51: {  	v2 =	vimm.s32 $0x160;
	v1 =	vsel vm10, $0x820, v1;
	[tilespmem:$0x1FFE0] =	vst v0;
	v0 =	vimm.s32 $0x1A0  }
0x52: {  	v2 =	vsel vm10, $0x800, v2;
	v1 =	vsel vm11, $0x730, v1;
	v0 =	vsel vm10, $0x840, v0  }
0x53: {  	v2 =	vsel vm11, $0x710, v2;
	v1 =	vsel vm12, $0x640, v1;
	v0 =	vsel vm11, $0x750, v0  }
0x54: {  	v2 =	vsel vm12, $0x620, v2;
	v1 =	vsel vm13, $0x550, v1;
	v0 =	vsel vm12, $0x660, v0  }
0x55: {  	v2 =	vsel vm13, $0x530, v2;
	v1 =	vsel vm14, $0x460, v1;
	v0 =	vsel vm13, $0x570, v0  }
0x56: {  	v2 =	vsel vm14, $0x440, v2;
	v1 =	vsel vm9, $0x370, v1;
	v0 =	vsel vm14, $0x480, v0  }
0x57: {  	v2 =	vsel vm9, $0x350, v2;
	v1 =	vsel vm8, $0x280, v1;
	v0 =	vsel vm9, $0x390, v0  }
0x58: {  	v2 =	vsel vm8, $0x260, v2;
	v1 =	vsel vm7, $0x190, v1;
	v0 =	vsel vm8, $0x2A0, v0  }
0x59: {  	v2 =	vsel vm7, $0x170, v2;
	v1 =	vsel vm6, $0x810, v1;
	v0 =	vsel vm7, $0x1B0, v0  }
0x5a: {  	v2 =	vsel vm6, $0x7F0, v2;
	v1 =	vsel vm5, $0x720, v1;
	v0 =	vsel vm6, $0x830, v0  }
0x5b: {  	v2 =	vsel vm5, $0x700, v2;
	v1 =	vsel vm4, $0x630, v1;
	v0 =	vsel vm5, $0x740, v0  }
0x5c: {  	v2 =	vsel vm4, $0x610, v2;
	v1 =	vsel vm3, $0x540, v1;
	v0 =	vsel vm4, $0x650, v0  }
0x5d: {  	v2 =	vsel vm3, $0x520, v2;
	v1 =	vsel vm2, $0x450, v1;
	v0 =	vsel vm3, $0x560, v0  }
0x5e: {  	v2 =	vsel vm2, $0x430, v2;
	v1 =	vsel vm1, $0x360, v1;
	v0 =	vsel vm2, $0x470, v0  }
0x5f: {  	v2 =	vsel vm1, $0x340, v2;
	v1 =	vsel vm0, $0x270, v1;
	v0 =	vsel vm1, $0x380, v0  }
0x60: {  	v2 =	vsel vm0, $0x250, v2;
	v25 =	vor.u32 s0, v1;
	v1 =	vimm.s32 $0x120  }
0x61: {  	v0 =	vsel vm0, $0x290, v0;
	v26 =	vor.u32 s0, v2;
	v2 =	vimm.s32 $0x100  }
0x62: {  	v1 =	vsel vm10, $0x7C0, v1;
	v0 =	vor.u32 s0, v0;
	v2 =	vsel vm10, $0x7A0, v2  }
0x63: {  	v1 =	vsel vm11, $0x6D0, v1;
	[tilespmem:$0x1FFF0] =	vst v0;
	v0 =	vimm.s32 $0x140;
	v2 =	vsel vm11, $0x6B0, v2  }
0x64: {  	v1 =	vsel vm12, $0x5E0, v1;
	v0 =	vsel vm10, $0x7E0, v0;
	v2 =	vsel vm12, $0x5C0, v2  }
0x65: {  	v1 =	vsel vm13, $0x4F0, v1;
	v0 =	vsel vm11, $0x6F0, v0;
	v2 =	vsel vm13, $0x4D0, v2  }
0x66: {  	v1 =	vsel vm14, $0x400, v1;
	v0 =	vsel vm12, $0x600, v0;
	v2 =	vsel vm14, $0x3E0, v2  }
0x67: {  	v1 =	vsel vm9, $0x310, v1;
	v0 =	vsel vm13, $0x510, v0;
	v2 =	vsel vm9, $0x2F0, v2  }
0x68: {  	v1 =	vsel vm8, $0x220, v1;
	v0 =	vsel vm14, $0x420, v0;
	v2 =	vsel vm8, $0x200, v2  }
0x69: {  	v1 =	vsel vm7, $0x130, v1;
	v0 =	vsel vm9, $0x330, v0;
	v2 =	vsel vm7, $0x110, v2  }
0x6a: {  	v1 =	vsel vm6, $0x7B0, v1;
	v0 =	vsel vm8, $0x240, v0;
	v2 =	vsel vm6, $0x790, v2  }
0x6b: {  	v1 =	vsel vm5, $0x6C0, v1;
	v0 =	vsel vm7, $0x150, v0;
	v2 =	vsel vm5, $0x6A0, v2  }
0x6c: {  	v1 =	vsel vm4, $0x5D0, v1;
	v0 =	vsel vm6, $0x7D0, v0;
	v2 =	vsel vm4, $0x5B0, v2  }
0x6d: {  	v1 =	vsel vm3, $0x4E0, v1;
	v0 =	vsel vm5, $0x6E0, v0;
	v2 =	vsel vm3, $0x4C0, v2  }
0x6e: {  	v1 =	vsel vm2, $0x3F0, v1;
	v0 =	vsel vm4, $0x5F0, v0;
	v2 =	vsel vm2, $0x3D0, v2  }
0x6f: {  	v1 =	vsel vm1, $0x300, v1;
	v0 =	vsel vm3, $0x500, v0;
	v2 =	vsel vm1, $0x2E0, v2  }
0x70: {  	v1 =	vsel vm0, $0x210, v1;
	v0 =	vsel vm2, $0x410, v0;
	v2 =	vsel vm0, $0x1F0, v2  }
0x71: {  	v28 =	vor.u32 s0, v1;
	v1 =	vimm.s32 $0x290;
	v0 =	vsel vm1, $0x320, v0  }
0x72: {  	v29 =	vor.u32 s0, v2;
	v2 =	vimm.s32 $0x270;
	v1 =	vsel vm10, $0x930, v1  }
0x73: {  	v0 =	vsel vm0, $0x230, v0;
	v2 =	vsel vm10, $0x910, v2;
	v1 =	vsel vm11, $0x840, v1  }
0x74: {  	v27 =	vor.u32 s0, v0;
	v0 =	vimm.s32 $0x2B0;
	v2 =	vsel vm11, $0x820, v2  }
0x75: {  	v1 =	vsel vm12, $0x750, v1;
	v0 =	vsel vm10, $0x950, v0;
	v2 =	vsel vm12, $0x730, v2  }
0x76: {  	v1 =	vsel vm13, $0x660, v1;
	v0 =	vsel vm11, $0x860, v0;
	v2 =	vsel vm13, $0x640, v2  }
0x77: {  	v1 =	vsel vm14, $0x570, v1;
	v0 =	vsel vm12, $0x770, v0;
	v2 =	vsel vm14, $0x550, v2  }
0x78: {  	v1 =	vsel vm9, $0x480, v1;
	v0 =	vsel vm13, $0x680, v0;
	v2 =	vsel vm9, $0x460, v2  }
0x79: {  	v1 =	vsel vm8, $0x390, v1;
	v0 =	vsel vm14, $0x590, v0;
	v2 =	vsel vm8, $0x370, v2  }
0x7a: {  	v1 =	vsel vm7, $0x2A0, v1;
	v0 =	vsel vm9, $0x4A0, v0;
	v2 =	vsel vm7, $0x280, v2  }
0x7b: {  	v1 =	vsel vm6, $0x920, v1;
	v0 =	vsel vm8, $0x3B0, v0;
	v2 =	vsel vm6, $0x900, v2  }
0x7c: {  	v1 =	vsel vm5, $0x830, v1;
	v0 =	vsel vm7, $0x2C0, v0;
	v2 =	vsel vm5, $0x810, v2  }
0x7d: {  	v1 =	vsel vm4, $0x740, v1;
	v0 =	vsel vm6, $0x940, v0;
	v2 =	vsel vm4, $0x720, v2  }
0x7e: {  	v1 =	vsel vm3, $0x650, v1;
	v0 =	vsel vm5, $0x850, v0;
	v2 =	vsel vm3, $0x630, v2  }
0x7f: {  	v1 =	vsel vm2, $0x560, v1;
	v0 =	vsel vm4, $0x760, v0;
	v2 =	vsel vm2, $0x540, v2  }
0x80: {  	v1 =	vsel vm1, $0x470, v1;
	v0 =	vsel vm3, $0x670, v0;
	v2 =	vsel vm1, $0x450, v2  }
0x81: {  	v1 =	vsel vm0, $0x380, v1;
	v0 =	vsel vm2, $0x580, v0;
	v2 =	vsel vm0, $0x360, v2  }
0x82: {  	v31 =	vor.u32 s0, v1;
	v1 =	vimm.s32 $0x230;
	v0 =	vsel vm1, $0x490, v0  }
0x83: {  	v32 =	vor.u32 s0, v2;
	v2 =	vimm.s32 $0x210;
	v1 =	vsel vm10, $0x8D0, v1  }
0x84: {  	v0 =	vsel vm0, $0x3A0, v0;
	v2 =	vsel vm10, $0x8B0, v2;
	v1 =	vsel vm11, $0x7E0, v1  }
0x85: {  	v30 =	vor.u32 s0, v0;
	v0 =	vimm.s32 $0x250;
	v2 =	vsel vm11, $0x7C0, v2  }
0x86: {  	v1 =	vsel vm12, $0x6F0, v1;
	v0 =	vsel vm10, $0x8F0, v0;
	v2 =	vsel vm12, $0x6D0, v2  }
0x87: {  	v1 =	vsel vm13, $0x600, v1;
	v0 =	vsel vm11, $0x800, v0;
	v2 =	vsel vm13, $0x5E0, v2  }
0x88: {  	v1 =	vsel vm14, $0x510, v1;
	v0 =	vsel vm12, $0x710, v0;
	v2 =	vsel vm14, $0x4F0, v2  }
0x89: {  	v1 =	vsel vm9, $0x420, v1;
	v0 =	vsel vm13, $0x620, v0;
	v2 =	vsel vm9, $0x400, v2  }
0x8a: {  	v1 =	vsel vm8, $0x330, v1;
	v0 =	vsel vm14, $0x530, v0;
	v2 =	vsel vm8, $0x310, v2  }
0x8b: {  	v1 =	vsel vm7, $0x240, v1;
	v0 =	vsel vm9, $0x440, v0;
	v2 =	vsel vm7, $0x220, v2  }
0x8c: {  	v1 =	vsel vm6, $0x8C0, v1;
	v0 =	vsel vm8, $0x350, v0;
	v2 =	vsel vm6, $0x8A0, v2  }
0x8d: {  	v1 =	vsel vm5, $0x7D0, v1;
	v0 =	vsel vm7, $0x260, v0;
	v2 =	vsel vm5, $0x7B0, v2  }
0x8e: {  	v1 =	vsel vm4, $0x6E0, v1;
	v0 =	vsel vm6, $0x8E0, v0;
	v2 =	vsel vm4, $0x6C0, v2  }
0x8f: {  	v1 =	vsel vm3, $0x5F0, v1;
	v0 =	vsel vm5, $0x7F0, v0;
	v2 =	vsel vm3, $0x5D0, v2  }
0x90: {  	v1 =	vsel vm2, $0x500, v1;
	v0 =	vsel vm4, $0x700, v0;
	v2 =	vsel vm2, $0x4E0, v2  }
0x91: {  	v1 =	vsel vm1, $0x410, v1;
	v0 =	vsel vm3, $0x610, v0;
	v2 =	vsel vm1, $0x3F0, v2  }
0x92: {  	v1 =	vsel vm0, $0x320, v1;
	v0 =	vsel vm2, $0x520, v0;
	v2 =	vsel vm0, $0x300, v2  }
0x93: {  	v34 =	vor.u32 s0, v1;
	v1 =	vimm.s32 $0x3A0;
	v0 =	vsel vm1, $0x430, v0  }
0x94: {  	v35 =	vor.u32 s0, v2;
	v2 =	vimm.s32 $0x380;
	v1 =	vsel vm10, $0xA40, v1  }
0x95: {  	v0 =	vsel vm0, $0x340, v0;
	v2 =	vsel vm10, $0xA20, v2;
	v1 =	vsel vm11, $0x950, v1  }
0x96: {  	v33 =	vor.u32 s0, v0;
	v0 =	vimm.s32 $0x1F0;
	v2 =	vsel vm11, $0x930, v2  }
0x97: {  	v1 =	vsel vm12, $0x860, v1;
	v0 =	vsel vm10, $0x890, v0;
	v2 =	vsel vm12, $0x840, v2  }
0x98: {  	v1 =	vsel vm13, $0x770, v1;
	v0 =	vsel vm11, $0x7A0, v0;
	v2 =	vsel vm13, $0x750, v2  }
0x99: {  	v1 =	vsel vm14, $0x680, v1;
	v0 =	vsel vm12, $0x6B0, v0;
	v2 =	vsel vm14, $0x660, v2  }
0x9a: {  	v1 =	vsel vm9, $0x590, v1;
	v0 =	vsel vm13, $0x5C0, v0;
	v2 =	vsel vm9, $0x570, v2  }
0x9b: {  	v1 =	vsel vm8, $0x4A0, v1;
	v0 =	vsel vm14, $0x4D0, v0;
	v2 =	vsel vm8, $0x480, v2  }
0x9c: {  	v1 =	vsel vm7, $0x3B0, v1;
	v0 =	vsel vm9, $0x3E0, v0;
	v2 =	vsel vm7, $0x390, v2  }
0x9d: {  	v1 =	vsel vm6, $0xA30, v1;
	v0 =	vsel vm8, $0x2F0, v0;
	v2 =	vsel vm6, $0xA10, v2  }
0x9e: {  	v1 =	vsel vm5, $0x940, v1;
	v0 =	vsel vm7, $0x200, v0;
	v2 =	vsel vm5, $0x920, v2  }
0x9f: {  	v1 =	vsel vm4, $0x850, v1;
	v0 =	vsel vm6, $0x880, v0;
	v2 =	vsel vm4, $0x830, v2  }
0xa0: {  	v1 =	vsel vm3, $0x760, v1;
	v0 =	vsel vm5, $0x790, v0;
	v2 =	vsel vm3, $0x740, v2  }
0xa1: {  	v1 =	vsel vm2, $0x670, v1;
	v0 =	vsel vm4, $0x6A0, v0;
	v2 =	vsel vm2, $0x650, v2  }
0xa2: {  	v1 =	vsel vm1, $0x580, v1;
	v0 =	vsel vm3, $0x5B0, v0;
	v2 =	vsel vm1, $0x560, v2  }
0xa3: {  	v1 =	vsel vm0, $0x490, v1;
	v0 =	vsel vm2, $0x4C0, v0;
	v2 =	vsel vm0, $0x470, v2  }
0xa4: {  	v37 =	vor.u32 s0, v1;
	v1 =	vimm.s32 $0x340;
	v0 =	vsel vm1, $0x3D0, v0  }
0xa5: {  	v38 =	vor.u32 s0, v2;
	v2 =	vimm.s32 $0x320;
	v1 =	vsel vm10, $0x9E0, v1  }
0xa6: {  	v0 =	vsel vm0, $0x2E0, v0;
	v2 =	vsel vm10, $0x9C0, v2;
	v1 =	vsel vm11, $0x8F0, v1  }
0xa7: {  	v36 =	vor.u32 s0, v0;
	v0 =	vimm.s32 $0x360;
	v2 =	vsel vm11, $0x8D0, v2  }
0xa8: {  	v1 =	vsel vm12, $0x800, v1;
	v0 =	vsel vm10, $0xA00, v0;
	v2 =	vsel vm12, $0x7E0, v2  }
0xa9: {  	v1 =	vsel vm13, $0x710, v1;
	v0 =	vsel vm11, $0x910, v0;
	v2 =	vsel vm13, $0x6F0, v2  }
0xaa: {  	v1 =	vsel vm14, $0x620, v1;
	v0 =	vsel vm12, $0x820, v0;
	v2 =	vsel vm14, $0x600, v2  }
0xab: {  	v1 =	vsel vm9, $0x530, v1;
	v0 =	vsel vm13, $0x730, v0;
	v2 =	vsel vm9, $0x510, v2  }
0xac: {  	v1 =	vsel vm8, $0x440, v1;
	v0 =	vsel vm14, $0x640, v0;
	v2 =	vsel vm8, $0x420, v2  }
0xad: {  	v1 =	vsel vm7, $0x350, v1;
	v0 =	vsel vm9, $0x550, v0;
	v2 =	vsel vm7, $0x330, v2  }
0xae: {  	v1 =	vsel vm6, $0x9D0, v1;
	v0 =	vsel vm8, $0x460, v0;
	v2 =	vsel vm6, $0x9B0, v2  }
0xaf: {  	v1 =	vsel vm5, $0x8E0, v1;
	v0 =	vsel vm7, $0x370, v0;
	v2 =	vsel vm5, $0x8C0, v2  }
0xb0: {  	v1 =	vsel vm4, $0x7F0, v1;
	v0 =	vsel vm6, $0x9F0, v0;
	v2 =	vsel vm4, $0x7D0, v2  }
0xb1: {  	v1 =	vsel vm3, $0x700, v1;
	v0 =	vsel vm5, $0x900, v0;
	v2 =	vsel vm3, $0x6E0, v2  }
0xb2: {  	v1 =	vsel vm2, $0x610, v1;
	v0 =	vsel vm4, $0x810, v0;
	v2 =	vsel vm2, $0x5F0, v2  }
0xb3: {  	v1 =	vsel vm1, $0x520, v1;
	v0 =	vsel vm3, $0x720, v0;
	v2 =	vsel vm1, $0x500, v2  }
0xb4: {  	v1 =	vsel vm0, $0x430, v1;
	v0 =	vsel vm2, $0x630, v0;
	v2 =	vsel vm0, $0x410, v2  }
0xb5: {  	v40 =	vor.u32 s0, v1;
	v1 =	vimm.s32 $0x2E0;
	v0 =	vsel vm1, $0x540, v0  }
0xb6: {  	v41 =	vor.u32 s0, v2;
	v2 =	vimm.s32 $0x490;
	v1 =	vsel vm10, $0x980, v1  }
0xb7: {  	v0 =	vsel vm0, $0x450, v0;
	v2 =	vsel vm10, $0xB30, v2;
	v1 =	vsel vm11, $0x890, v1  }
0xb8: {  	v39 =	vor.u32 s0, v0;
	v0 =	vimm.s32 $0x300;
	v2 =	vsel vm11, $0xA40, v2  }
0xb9: {  	v1 =	vsel vm12, $0x7A0, v1;
	v0 =	vsel vm10, $0x9A0, v0;
	v2 =	vsel vm12, $0x950, v2  }
0xba: {  	v1 =	vsel vm13, $0x6B0, v1;
	v0 =	vsel vm11, $0x8B0, v0;
	v2 =	vsel vm13, $0x860, v2  }
0xbb: {  	v1 =	vsel vm14, $0x5C0, v1;
	v0 =	vsel vm12, $0x7C0, v0;
	v2 =	vsel vm14, $0x770, v2  }
0xbc: {  	v1 =	vsel vm9, $0x4D0, v1;
	v0 =	vsel vm13, $0x6D0, v0;
	v2 =	vsel vm9, $0x680, v2  }
0xbd: {  	v1 =	vsel vm8, $0x3E0, v1;
	v0 =	vsel vm14, $0x5E0, v0;
	v2 =	vsel vm8, $0x590, v2  }
0xbe: {  	v1 =	vsel vm7, $0x2F0, v1;
	v0 =	vsel vm9, $0x4F0, v0;
	v2 =	vsel vm7, $0x4A0, v2  }
0xbf: {  	v1 =	vsel vm6, $0x970, v1;
	v0 =	vsel vm8, $0x400, v0;
	v2 =	vsel vm6, $0xB20, v2  }
0xc0: {  	v1 =	vsel vm5, $0x880, v1;
	v0 =	vsel vm7, $0x310, v0;
	v2 =	vsel vm5, $0xA30, v2  }
0xc1: {  	v1 =	vsel vm4, $0x790, v1;
	v0 =	vsel vm6, $0x990, v0;
	v2 =	vsel vm4, $0x940, v2  }
0xc2: {  	v1 =	vsel vm3, $0x6A0, v1;
	v0 =	vsel vm5, $0x8A0, v0;
	v2 =	vsel vm3, $0x850, v2  }
0xc3: {  	v1 =	vsel vm2, $0x5B0, v1;
	v0 =	vsel vm4, $0x7B0, v0;
	v2 =	vsel vm2, $0x760, v2  }
0xc4: {  	v1 =	vsel vm1, $0x4C0, v1;
	v0 =	vsel vm3, $0x6C0, v0;
	v2 =	vsel vm1, $0x670, v2  }
0xc5: {  	v1 =	vsel vm0, $0x3D0, v1;
	v0 =	vsel vm2, $0x5D0, v0;
	v2 =	vsel vm0, $0x580, v2  }
0xc6: {  	v43 =	vor.u32 s0, v1;
	v1 =	vimm.s32 $0x450;
	v0 =	vsel vm1, $0x4E0, v0  }
0xc7: {  	v44 =	vor.u32 s0, v2;
	v2 =	vimm.s32 $0x430;
	v1 =	vsel vm10, $0xAF0, v1  }
0xc8: {  	v0 =	vsel vm0, $0x3F0, v0;
	v2 =	vsel vm10, $0xAD0, v2;
	v1 =	vsel vm11, $0xA00, v1  }
0xc9: {  	v42 =	vor.u32 s0, v0;
	v0 =	vimm.s32 $0x470;
	v2 =	vsel vm11, $0x9E0, v2  }
0xca: {  	v1 =	vsel vm12, $0x910, v1;
	v0 =	vsel vm10, $0xB10, v0;
	v2 =	vsel vm12, $0x8F0, v2  }
0xcb: {  	v1 =	vsel vm13, $0x820, v1;
	v0 =	vsel vm11, $0xA20, v0;
	v2 =	vsel vm13, $0x800, v2  }
0xcc: {  	v1 =	vsel vm14, $0x730, v1;
	v0 =	vsel vm12, $0x930, v0;
	v2 =	vsel vm14, $0x710, v2  }
0xcd: {  	v1 =	vsel vm9, $0x640, v1;
	v0 =	vsel vm13, $0x840, v0;
	v2 =	vsel vm9, $0x620, v2  }
0xce: {  	v1 =	vsel vm8, $0x550, v1;
	v0 =	vsel vm14, $0x750, v0;
	v2 =	vsel vm8, $0x530, v2  }
0xcf: {  	v1 =	vsel vm7, $0x460, v1;
	v0 =	vsel vm9, $0x660, v0;
	v2 =	vsel vm7, $0x440, v2  }
0xd0: {  	v1 =	vsel vm6, $0xAE0, v1;
	v0 =	vsel vm8, $0x570, v0;
	v2 =	vsel vm6, $0xAC0, v2  }
0xd1: {  	v1 =	vsel vm5, $0x9F0, v1;
	v0 =	vsel vm7, $0x480, v0;
	v2 =	vsel vm5, $0x9D0, v2  }
0xd2: {  	v1 =	vsel vm4, $0x900, v1;
	v0 =	vsel vm6, $0xB00, v0;
	v2 =	vsel vm4, $0x8E0, v2  }
0xd3: {  	v1 =	vsel vm3, $0x810, v1;
	v0 =	vsel vm5, $0xA10, v0;
	v2 =	vsel vm3, $0x7F0, v2  }
0xd4: {  	v1 =	vsel vm2, $0x720, v1;
	v0 =	vsel vm4, $0x920, v0;
	v2 =	vsel vm2, $0x700, v2  }
0xd5: {  	v1 =	vsel vm1, $0x630, v1;
	v0 =	vsel vm3, $0x830, v0;
	v2 =	vsel vm1, $0x610, v2  }
0xd6: {  	v1 =	vsel vm0, $0x540, v1;
	v0 =	vsel vm2, $0x740, v0;
	v2 =	vsel vm0, $0x520, v2  }
0xd7: {  	v46 =	vor.u32 s0, v1;
	v1 =	vimm.s32 $0x3F0;
	v0 =	vsel vm1, $0x650, v0  }
0xd8: {  	v47 =	vor.u32 s0, v2;
	v2 =	vimm.s32 $0x3D0;
	v1 =	vsel vm10, $0xA90, v1  }
0xd9: {  	v0 =	vsel vm0, $0x560, v0;
	v2 =	vsel vm10, $0xA70, v2;
	v1 =	vsel vm11, $0x9A0, v1  }
0xda: {  	v45 =	vor.u32 s0, v0;
	v0 =	vimm.s32 $0x410;
	v2 =	vsel vm11, $0x980, v2  }
0xdb: {  	v1 =	vsel vm12, $0x8B0, v1;
	v0 =	vsel vm10, $0xAB0, v0;
	v2 =	vsel vm12, $0x890, v2  }
0xdc: {  	v1 =	vsel vm13, $0x7C0, v1;
	v0 =	vsel vm11, $0x9C0, v0;
	v2 =	vsel vm13, $0x7A0, v2  }
0xdd: {  	v1 =	vsel vm14, $0x6D0, v1;
	v0 =	vsel vm12, $0x8D0, v0;
	v2 =	vsel vm14, $0x6B0, v2  }
0xde: {  	v1 =	vsel vm9, $0x5E0, v1;
	v0 =	vsel vm13, $0x7E0, v0;
	v2 =	vsel vm9, $0x5C0, v2  }
0xdf: {  	v1 =	vsel vm8, $0x4F0, v1;
	v0 =	vsel vm14, $0x6F0, v0;
	v2 =	vsel vm8, $0x4D0, v2  }
0xe0: {  	v1 =	vsel vm7, $0x400, v1;
	v0 =	vsel vm9, $0x600, v0;
	v2 =	vsel vm7, $0x3E0, v2  }
0xe1: {  	v1 =	vsel vm6, $0xA80, v1;
	v0 =	vsel vm8, $0x510, v0;
	v2 =	vsel vm6, $0xA60, v2  }
0xe2: {  	v1 =	vsel vm5, $0x990, v1;
	v0 =	vsel vm7, $0x420, v0;
	v2 =	vsel vm5, $0x970, v2  }
0xe3: {  	v1 =	vsel vm4, $0x8A0, v1;
	v0 =	vsel vm6, $0xAA0, v0;
	v2 =	vsel vm4, $0x880, v2  }
0xe4: {  	v1 =	vsel vm3, $0x7B0, v1;
	v0 =	vsel vm5, $0x9B0, v0;
	v2 =	vsel vm3, $0x790, v2  }
0xe5: {  	v1 =	vsel vm2, $0x6C0, v1;
	v0 =	vsel vm4, $0x8C0, v0;
	v2 =	vsel vm2, $0x6A0, v2  }
0xe6: {  	v1 =	vsel vm1, $0x5D0, v1;
	v0 =	vsel vm3, $0x7D0, v0;
	v2 =	vsel vm1, $0x5B0, v2  }
0xe7: {  	v1 =	vsel vm0, $0x4E0, v1;
	v0 =	vsel vm2, $0x6E0, v0;
	v2 =	vsel vm0, $0x4C0, v2  }
0xe8: {  	v49 =	vor.u32 s0, v1;
	v1 =	vimm.s32 $0x560;
	v0 =	vsel vm1, $0x5F0, v0  }
0xe9: {  	v50 =	vor.u32 s0, v2;
	v2 =	vimm.s32 $0x540;
	v1 =	vsel vm10, $0xC00, v1  }
0xea: {  	v0 =	vsel vm0, $0x500, v0;
	v2 =	vsel vm10, $0xBE0, v2;
	v1 =	vsel vm11, $0xB10, v1  }
0xeb: {  	v48 =	vor.u32 s0, v0;
	v0 =	vimm.s32 $0x580;
	v2 =	vsel vm11, $0xAF0, v2  }
0xec: {  	v1 =	vsel vm12, $0xA20, v1;
	v0 =	vsel vm10, $0xC20, v0;
	v2 =	vsel vm12, $0xA00, v2  }
0xed: {  	v1 =	vsel vm13, $0x930, v1;
	v0 =	vsel vm11, $0xB30, v0;
	v2 =	vsel vm13, $0x910, v2  }
0xee: {  	v1 =	vsel vm14, $0x840, v1;
	v0 =	vsel vm12, $0xA40, v0;
	v2 =	vsel vm14, $0x820, v2  }
0xef: {  	v1 =	vsel vm9, $0x750, v1;
	v0 =	vsel vm13, $0x950, v0;
	v2 =	vsel vm9, $0x730, v2  }
0xf0: {  	v1 =	vsel vm8, $0x660, v1;
	v0 =	vsel vm14, $0x860, v0;
	v2 =	vsel vm8, $0x640, v2  }
0xf1: {  	v1 =	vsel vm7, $0x570, v1;
	v0 =	vsel vm9, $0x770, v0;
	v2 =	vsel vm7, $0x550, v2  }
0xf2: {  	v1 =	vsel vm6, $0xBF0, v1;
	v0 =	vsel vm8, $0x680, v0;
	v2 =	vsel vm6, $0xBD0, v2  }
0xf3: {  	v1 =	vsel vm5, $0xB00, v1;
	v0 =	vsel vm7, $0x590, v0;
	v2 =	vsel vm5, $0xAE0, v2  }
0xf4: {  	v1 =	vsel vm4, $0xA10, v1;
	v0 =	vsel vm6, $0xC10, v0;
	v2 =	vsel vm4, $0x9F0, v2  }
0xf5: {  	v1 =	vsel vm3, $0x920, v1;
	v0 =	vsel vm5, $0xB20, v0;
	v2 =	vsel vm3, $0x900, v2  }
0xf6: {  	v1 =	vsel vm2, $0x830, v1;
	v0 =	vsel vm4, $0xA30, v0;
	v2 =	vsel vm2, $0x810, v2  }
0xf7: {  	v1 =	vsel vm1, $0x740, v1;
	v0 =	vsel vm3, $0x940, v0;
	v2 =	vsel vm1, $0x720, v2  }
0xf8: {  	v1 =	vsel vm0, $0x650, v1;
	v0 =	vsel vm2, $0x850, v0;
	v2 =	vsel vm0, $0x630, v2  }
0xf9: {  	v52 =	vor.u32 s0, v1;
	v1 =	vimm.s32 $0x500;
	v0 =	vsel vm1, $0x760, v0  }
0xfa: {  	v53 =	vor.u32 s0, v2;
	v2 =	vimm.s32 $0x4E0;
	v1 =	vsel vm10, $0xBA0, v1  }
0xfb: {  	v0 =	vsel vm0, $0x670, v0;
	v2 =	vsel vm10, $0xB80, v2;
	v1 =	vsel vm11, $0xAB0, v1  }
0xfc: {  	v51 =	vor.u32 s0, v0;
	v0 =	vimm.s32 $0x520;
	v2 =	vsel vm11, $0xA90, v2  }
0xfd: {  	v1 =	vsel vm12, $0x9C0, v1;
	v0 =	vsel vm10, $0xBC0, v0;
	v2 =	vsel vm12, $0x9A0, v2  }
0xfe: {  	v1 =	vsel vm13, $0x8D0, v1;
	v0 =	vsel vm11, $0xAD0, v0;
	v2 =	vsel vm13, $0x8B0, v2  }
0xff: {  	v1 =	vsel vm14, $0x7E0, v1;
	v0 =	vsel vm12, $0x9E0, v0;
	v2 =	vsel vm14, $0x7C0, v2  }
0x100: {  	v1 =	vsel vm9, $0x6F0, v1;
	v0 =	vsel vm13, $0x8F0, v0;
	v2 =	vsel vm9, $0x6D0, v2  }
0x101: {  	v1 =	vsel vm8, $0x600, v1;
	v0 =	vsel vm14, $0x800, v0;
	v2 =	vsel vm8, $0x5E0, v2  }
0x102: {  	v1 =	vsel vm7, $0x510, v1;
	v0 =	vsel vm9, $0x710, v0;
	v2 =	vsel vm7, $0x4F0, v2  }
0x103: {  	v1 =	vsel vm6, $0xB90, v1;
	v0 =	vsel vm8, $0x620, v0;
	v2 =	vsel vm6, $0xB70, v2  }
0x104: {  	v1 =	vsel vm5, $0xAA0, v1;
	v0 =	vsel vm7, $0x530, v0;
	v2 =	vsel vm5, $0xA80, v2  }
0x105: {  	v1 =	vsel vm4, $0x9B0, v1;
	v0 =	vsel vm6, $0xBB0, v0;
	v2 =	vsel vm4, $0x990, v2  }
0x106: {  	v1 =	vsel vm3, $0x8C0, v1;
	v0 =	vsel vm5, $0xAC0, v0;
	v2 =	vsel vm3, $0x8A0, v2  }
0x107: {  	v1 =	vsel vm2, $0x7D0, v1;
	v0 =	vsel vm4, $0x9D0, v0;
	v2 =	vsel vm2, $0x7B0, v2  }
0x108: {  	v1 =	vsel vm1, $0x6E0, v1;
	v0 =	vsel vm3, $0x8E0, v0;
	v2 =	vsel vm1, $0x6C0, v2  }
0x109: {  	v1 =	vsel vm0, $0x5F0, v1;
	v0 =	vsel vm2, $0x7F0, v0;
	v2 =	vsel vm0, $0x5D0, v2  }
0x10a: {  	v55 =	vor.u32 s0, v1;
	v1 =	vimm.s32 $0x670;
	v0 =	vsel vm1, $0x700, v0  }
0x10b: {  	v56 =	vor.u32 s0, v2;
	v2 =	vimm.s32 $0x650;
	v1 =	vsel vm10, $0xD10, v1  }
0x10c: {  	v0 =	vsel vm0, $0x610, v0;
	v2 =	vsel vm10, $0xCF0, v2;
	v1 =	vsel vm11, $0xC20, v1  }
0x10d: {  	v54 =	vor.u32 s0, v0;
	v0 =	vimm.s32 $0x4C0;
	v2 =	vsel vm11, $0xC00, v2  }
0x10e: {  	v1 =	vsel vm12, $0xB30, v1;
	v0 =	vsel vm10, $0xB60, v0;
	v2 =	vsel vm12, $0xB10, v2  }
0x10f: {  	v1 =	vsel vm13, $0xA40, v1;
	v0 =	vsel vm11, $0xA70, v0;
	v2 =	vsel vm13, $0xA20, v2  }
0x110: {  	v1 =	vsel vm14, $0x950, v1;
	v0 =	vsel vm12, $0x980, v0;
	v2 =	vsel vm14, $0x930, v2  }
0x111: {  	v1 =	vsel vm9, $0x860, v1;
	v0 =	vsel vm13, $0x890, v0;
	v2 =	vsel vm9, $0x840, v2  }
0x112: {  	v1 =	vsel vm8, $0x770, v1;
	v0 =	vsel vm14, $0x7A0, v0;
	v2 =	vsel vm8, $0x750, v2  }
0x113: {  	v1 =	vsel vm7, $0x680, v1;
	v0 =	vsel vm9, $0x6B0, v0;
	v2 =	vsel vm7, $0x660, v2  }
0x114: {  	v1 =	vsel vm6, $0xD00, v1;
	v0 =	vsel vm8, $0x5C0, v0;
	v2 =	vsel vm6, $0xCE0, v2  }
0x115: {  	v1 =	vsel vm5, $0xC10, v1;
	v0 =	vsel vm7, $0x4D0, v0;
	v2 =	vsel vm5, $0xBF0, v2  }
0x116: {  	v1 =	vsel vm4, $0xB20, v1;
	v0 =	vsel vm6, $0xB50, v0;
	v2 =	vsel vm4, $0xB00, v2  }
0x117: {  	v1 =	vsel vm3, $0xA30, v1;
	v0 =	vsel vm5, $0xA60, v0;
	v2 =	vsel vm3, $0xA10, v2  }
0x118: {  	v1 =	vsel vm2, $0x940, v1;
	v0 =	vsel vm4, $0x970, v0;
	v2 =	vsel vm2, $0x920, v2  }
0x119: {  	v1 =	vsel vm1, $0x850, v1;
	v0 =	vsel vm3, $0x880, v0;
	v2 =	vsel vm1, $0x830, v2  }
0x11a: {  	v1 =	vsel vm0, $0x760, v1;
	v0 =	vsel vm2, $0x790, v0;
	v2 =	vsel vm0, $0x740, v2  }
0x11b: {  	v58 =	vor.u32 s0, v1;
	v1 =	vimm.s32 $0x610;
	v0 =	vsel vm1, $0x6A0, v0  }
0x11c: {  	v59 =	vor.u32 s0, v2;
	v2 =	vimm.s32 $0x5F0;
	v0 =	vsel vm0, $0x5B0, v0  }
0x11d: {  	v1 =	vsel vm10, $0xCB0, v1;
	v57 =	vor.u32 s0, v0;
	v0 =	vimm.s32 $0x630  }
0x11e: {  	v2 =	vsel vm10, $0xC90, v2;
	v1 =	vsel vm11, $0xBC0, v1;
	v0 =	vsel vm10, $0xCD0, v0  }
0x11f: {  	v2 =	vsel vm11, $0xBA0, v2;
	v1 =	vsel vm12, $0xAD0, v1;
	v0 =	vsel vm11, $0xBE0, v0  }
0x120: {  	v2 =	vsel vm12, $0xAB0, v2;
	v1 =	vsel vm13, $0x9E0, v1;
	v0 =	vsel vm12, $0xAF0, v0  }
0x121: {  	v2 =	vsel vm13, $0x9C0, v2;
	v1 =	vsel vm14, $0x8F0, v1;
	v0 =	vsel vm13, $0xA00, v0  }
0x122: {  	v2 =	vsel vm14, $0x8D0, v2;
	v1 =	vsel vm9, $0x800, v1;
	v0 =	vsel vm14, $0x910, v0  }
0x123: {  	v2 =	vsel vm9, $0x7E0, v2;
	v1 =	vsel vm8, $0x710, v1;
	v0 =	vsel vm9, $0x820, v0  }
0x124: {  	v2 =	vsel vm8, $0x6F0, v2;
	v1 =	vsel vm7, $0x620, v1;
	v0 =	vsel vm8, $0x730, v0  }
0x125: {  	v2 =	vsel vm7, $0x600, v2;
	v1 =	vsel vm6, $0xCA0, v1;
	v0 =	vsel vm7, $0x640, v0  }
0x126: {  	v2 =	vsel vm6, $0xC80, v2;
	v1 =	vsel vm5, $0xBB0, v1;
	v0 =	vsel vm6, $0xCC0, v0  }
0x127: {  	v2 =	vsel vm5, $0xB90, v2;
	v1 =	vsel vm4, $0xAC0, v1;
	v0 =	vsel vm5, $0xBD0, v0  }
0x128: {  	v2 =	vsel vm4, $0xAA0, v2;
	v1 =	vsel vm3, $0x9D0, v1;
	v0 =	vsel vm4, $0xAE0, v0  }
0x129: {  	v2 =	vsel vm3, $0x9B0, v2;
	v1 =	vsel vm2, $0x8E0, v1;
	v0 =	vsel vm3, $0x9F0, v0  }
0x12a: {  	v2 =	vsel vm2, $0x8C0, v2;
	v1 =	vsel vm1, $0x7F0, v1;
	v0 =	vsel vm2, $0x900, v0  }
0x12b: {  	v2 =	vsel vm1, $0x7D0, v2;
	v1 =	vsel vm0, $0x700, v1;
	v0 =	vsel vm1, $0x810, v0  }
0x12c: {  	v2 =	vsel vm0, $0x6E0, v2;
	v61 =	vor.u32 s0, v1;
	v0 =	vsel vm0, $0x720, v0  }
0x12d: {  	v1 =	vimm.s32 $0x5B0;
	v60 =	vor.u32 s0, v0;
	v0 =	vimm.s32 $0x5D0  }
0x12e: {  	v62 =	vor.u32 s0, v2;
	v2 =	vimm.s32 $0x760;
	v0 =	vsel vm10, $0xC70, v0  }
0x12f: {  	v1 =	vsel vm10, $0xC50, v1;
	v2 =	vsel vm10, $0xE00, v2;
	v0 =	vsel vm11, $0xB80, v0  }
0x130: {  	v1 =	vsel vm11, $0xB60, v1;
	v2 =	vsel vm11, $0xD10, v2;
	v0 =	vsel vm12, $0xA90, v0  }
0x131: {  	v1 =	vsel vm12, $0xA70, v1;
	v2 =	vsel vm12, $0xC20, v2;
	v0 =	vsel vm13, $0x9A0, v0  }
0x132: {  	v1 =	vsel vm13, $0x980, v1;
	v2 =	vsel vm13, $0xB30, v2;
	v0 =	vsel vm14, $0x8B0, v0  }
0x133: {  	v1 =	vsel vm14, $0x890, v1;
	v2 =	vsel vm14, $0xA40, v2;
	v0 =	vsel vm9, $0x7C0, v0  }
0x134: {  	v1 =	vsel vm9, $0x7A0, v1;
	v2 =	vsel vm9, $0x950, v2;
	v0 =	vsel vm8, $0x6D0, v0  }
0x135: {  	v1 =	vsel vm8, $0x6B0, v1;
	v2 =	vsel vm8, $0x860, v2;
	v0 =	vsel vm7, $0x5E0, v0  }
0x136: {  	v1 =	vsel vm7, $0x5C0, v1;
	v2 =	vsel vm7, $0x770, v2;
	v0 =	vsel vm6, $0xC60, v0  }
0x137: {  	v1 =	vsel vm6, $0xC40, v1;
	v2 =	vsel vm6, $0xDF0, v2;
	v0 =	vsel vm5, $0xB70, v0  }
0x138: {  	v1 =	vsel vm5, $0xB50, v1;
	v2 =	vsel vm5, $0xD00, v2;
	v0 =	vsel vm4, $0xA80, v0  }
0x139: {  	v1 =	vsel vm4, $0xA60, v1;
	v2 =	vsel vm4, $0xC10, v2;
	v0 =	vsel vm3, $0x990, v0  }
0x13a: {  	v1 =	vsel vm3, $0x970, v1;
	v2 =	vsel vm3, $0xB20, v2;
	v0 =	vsel vm2, $0x8A0, v0  }
0x13b: {  	v1 =	vsel vm2, $0x880, v1;
	v2 =	vsel vm2, $0xA30, v2;
	v0 =	vsel vm1, $0x7B0, v0  }
0x13c: {  	v1 =	vsel vm1, $0x790, v1;
	v2 =	vsel vm1, $0x940, v2;
	v0 =	vsel vm0, $0x6C0, v0  }
0x13d: {  	v1 =	vsel vm0, $0x6A0, v1;
	v2 =	vsel vm0, $0x850, v2;
	v63 =	vor.u32 s0, v0  }
0x13e: {  	v0 =	vor.u32 s0, v1;
	v1 =	vor.u32 s0, v2;
	v2 =	vimm.s32 $0x740  }
0x13f: {  	v4 =	vsel vm2, $0x9D0, v4;
	v3 =	vsel vm10, $0xDC0, v3;
	v2 =	vsel vm10, $0xDE0, v2  }
0x140: {  	v5 =	vsel vm2, $0x9B0, v5;
	v3 =	vsel vm11, $0xCD0, v3;
	v2 =	vsel vm11, $0xCF0, v2  }
0x141: {  	v6 =	vsel vm2, $0x990, v6;
	v3 =	vsel vm12, $0xBE0, v3;
	v2 =	vsel vm12, $0xC00, v2  }
0x142: {  	v7 =	vsel vm2, $0x970, v7;
	v3 =	vsel vm13, $0xAF0, v3;
	v2 =	vsel vm13, $0xB10, v2  }
0x143: {  	v4 =	vsel vm1, $0x8E0, v4;
	v3 =	vsel vm14, $0xA00, v3;
	v2 =	vsel vm14, $0xA20, v2  }
0x144: {  	v5 =	vsel vm1, $0x8C0, v5;
	v3 =	vsel vm9, $0x910, v3;
	v2 =	vsel vm9, $0x930, v2  }
0x145: {  	s1 =	rddreg [dreg:$0x0];
	v6 =	vsel vm1, $0x8A0, v6;
	v3 =	vsel vm8, $0x820, v3;
	v2 =	vsel vm8, $0x840, v2  }
0x146: {  	s4 =	rddreg [dreg:$0x1];
	v7 =	vsel vm1, $0x880, v7;
	v3 =	vsel vm7, $0x730, v3;
	v2 =	vsel vm7, $0x750, v2  }
0x147: {  	s2 =	rddreg [dreg:$0x2];
	s5 =	srdreg.scid;
	v4 =	vsel vm0, $0x7F0, v4;
	v3 =	vsel vm6, $0xDB0, v3;
	v2 =	vsel vm6, $0xDD0, v2  }
0x148: {  	s3 =	simm.s32 $0x0;
	s5 =	sand.u32 $0x1, s5;
	s6 =	sshll.u32 s0, $0x13;
	v5 =	vsel vm0, $0x7D0, v5;
	v3 =	vsel vm5, $0xCC0, v3;
	v2 =	vsel vm5, $0xCE0, v2  }
0x149: {  	[smem:$0x7FF] =	sst s3;
	s7 =	sshll.u32 s5, $0xC;
	s4 =	sadd.s32 s6, s4;
	v6 =	vsel vm0, $0x7B0, v6;
	v3 =	vsel vm4, $0xBD0, v3;
	v2 =	vsel vm4, $0xBF0, v2  }
0x14a: {  	s31 =	ssub.s32 $0x2, s5;
	s5 =	sshll.u32 s5, $0x12;
	s7 =	ssub.s32 $0x0, s7;
	v7 =	vsel vm0, $0x790, v7;
	v3 =	vsel vm3, $0xAE0, v3;
	v2 =	vsel vm3, $0xB00, v2  }
0x14b: {  	s8 =	sshrl.u32 s31, $0x1;
	s5 =	sadd.s32 s5, s4;
	s7 =	sshra.s32 s7, $0x2;
	v4 =	vor.u32 s0, v4;
	v3 =	vsel vm2, $0x9F0, v3;
	v2 =	vsel vm2, $0xA10, v2  }
0x14c: {  	s6 =	ssub.s32 s31, s8;
	s5 =	sadd.s32 $0x400, s5;
	s8 =	simm.s32 $0x0;
	v5 =	vor.u32 s0, v5;
	v3 =	vsel vm1, $0x900, v3;
	v2 =	vsel vm1, $0x920, v2  }
0x14d: {  	s7 =	sadd.s32 $0xE10, s7;
	s4 =	smax.u32 s6, $0x1;
	s6 =	simm.s32 $0x2;
	v6 =	vor.u32 s0, v6;
	v3 =	vsel vm0, $0x810, v3;
	v2 =	vsel vm0, $0x830, v2  }
0x14e: {  	v7 =	vor.u32 s0, v7;
	v3 =	vor.u32 s0, v3;
	_ =	strace $0x80000047;
	[dreg:$0x3] =	wrdreg s7;
	s7 =	simm.s32 $0x1;
	v2 =	vor.u32 s0, v2  }
.LBB2_1:
0x14f: {  	[tilespmem:s3], [sflag:$0x2] =	stream.linear.gather [hbm4b:s1+s3], $0xE10, $0x38;
	[tilespmem:$0x10F10] =	vst v63  }
0x150: {  	_ =	swait.ge [sflag:s6], $0xE10  }
0x151: {  	v8 =	vld [tilespmem:$0x1FE70];
	_ =	sdelay $0x5  }
0x152: {  	[sflag:s6] =	ssyncset.done $0x0  }
0x153: {  	[sflag:s6] =	ssyncadd.s32 $0xFFFFF1F0  }
0x154: {  	v23 =	vld.idx.msk [tilespmem:v8+s3+$0x0], $0xffff  }
0x155: {  	v8 =	vld [tilespmem:$0x1FE80];
	_ =	sdelay $0x7  }
0x156: {  	v22 =	vld.idx.msk [tilespmem:v8+s3+$0x0], $0xffff  }
0x157: {  	v8 =	vld [tilespmem:$0x1FE90];
	_ =	sdelay $0x7  }
0x158: {  	v21 =	vld.idx.msk [tilespmem:v8+s3+$0x0], $0xffff  }
0x159: {  	v8 =	vld [tilespmem:$0x1FEA0];
	_ =	sdelay $0x7  }
0x15a: {  	v20 =	vld.idx.msk [tilespmem:v8+s3+$0x0], $0xffff  }
0x15b: {  	v8 =	vld [tilespmem:$0x1FEB0];
	_ =	sdelay $0x7  }
0x15c: {  	v19 =	vld.idx.msk [tilespmem:v8+s3+$0x0], $0xffff  }
0x15d: {  	v8 =	vld [tilespmem:$0x1FEC0];
	_ =	sdelay $0x7  }
0x15e: {  	v18 =	vld.idx.msk [tilespmem:v8+s3+$0x0], $0xffff  }
0x15f: {  	v8 =	vld [tilespmem:$0x1FED0];
	_ =	sdelay $0x7  }
0x160: {  	v17 =	vld.idx.msk [tilespmem:v8+s3+$0x0], $0xffff  }
0x161: {  	v8 =	vld [tilespmem:$0x1FEE0];
	_ =	sdelay $0x7  }
0x162: {  	v16 =	vld.idx.msk [tilespmem:v8+s3+$0x0], $0xffff  }
0x163: {  	v8 =	vld [tilespmem:$0x1FEF0];
	_ =	sdelay $0x7  }
0x164: {  	v15 =	vld.idx.msk [tilespmem:v8+s3+$0x0], $0xffff  }
0x165: {  	v8 =	vld [tilespmem:$0x1FF00];
	_ =	sdelay $0x7  }
0x166: {  	v14 =	vld.idx.msk [tilespmem:v8+s3+$0x0], $0xffff  }
0x167: {  	v8 =	vld [tilespmem:$0x1FF10];
	_ =	sdelay $0x7  }
0x168: {  	v13 =	vld.idx.msk [tilespmem:v8+s3+$0x0], $0xffff  }
0x169: {  	v8 =	vld [tilespmem:$0x1FF20];
	_ =	sdelay $0x7  }
0x16a: {  	v11 =	vld.idx.msk [tilespmem:v8+s3+$0x0], $0xffff  }
0x16b: {  	v8 =	vld [tilespmem:$0x1FF70];
	_ =	sdelay $0x7  }
0x16c: {  	v24 =	vld.idx.msk [tilespmem:v8+s3+$0x0], $0xffff  }
0x16d: {  	v8 =	vld [tilespmem:$0x1FF30];
	_ =	sdelay $0x7  }
0x16e: {  	v12 =	vld.idx.msk [tilespmem:v8+s3+$0x0], $0xffff  }
0x16f: {  	v8 =	vld [tilespmem:$0x1FF40];
	_ =	sdelay $0x7  }
0x170: {  	v10 =	vld.idx.msk [tilespmem:v8+s3+$0x0], $0xffff  }
0x171: {  	v8 =	vld [tilespmem:$0x1FF50];
	_ =	sdelay $0x7  }
0x172: {  	v9 =	vld.idx.msk [tilespmem:v8+s3+$0x0], $0xffff  }
0x173: {  	v8 =	vld [tilespmem:$0x1FF60];
	_ =	sdelay $0x7  }
0x174: {  	v8 =	vld.idx.msk [tilespmem:v8+s3+$0x0], $0xffff;
	[tilespmem:$0x15D8] =	vst v24  }
0x175: {  	[tilespmem:$0x9660] =	vst v24;
	v24 =	vld [tilespmem:$0x1FF80];
	_ =	sdelay $0x7  }
0x176: {  	v24 =	vld.idx.msk [tilespmem:v24+s3+$0x0], $0xffff;
	_ =	sdelay $0x4  }
0x177: {  	[tilespmem:$0x15E8] =	vst v24  }
0x178: {  	[tilespmem:$0x9670] =	vst v24;
	v24 =	vld [tilespmem:$0x1FF90];
	_ =	sdelay $0x7  }
0x179: {  	v24 =	vld.idx.msk [tilespmem:v24+s3+$0x0], $0xffff;
	_ =	sdelay $0x4  }
0x17a: {  	[tilespmem:$0x15F8] =	vst v24  }
0x17b: {  	[tilespmem:$0x9680] =	vst v24;
	v24 =	vld [tilespmem:$0x1FFA0];
	_ =	sdelay $0x7  }
0x17c: {  	v24 =	vld.idx.msk [tilespmem:v24+s3+$0x0], $0xffff;
	_ =	sdelay $0x4  }
0x17d: {  	[tilespmem:$0x1608] =	vst v24  }
0x17e: {  	[tilespmem:$0x9690] =	vst v24;
	v24 =	vld [tilespmem:$0x1FFB0];
	_ =	sdelay $0x7  }
0x17f: {  	v24 =	vld.idx.msk [tilespmem:v24+s3+$0x0], $0xffff;
	_ =	sdelay $0x4  }
0x180: {  	[tilespmem:$0x1618] =	vst v24  }
0x181: {  	[tilespmem:$0x96A0] =	vst v24;
	v24 =	vld [tilespmem:$0x1FFC0];
	_ =	sdelay $0x7  }
0x182: {  	v24 =	vld.idx.msk [tilespmem:v24+s3+$0x0], $0xffff;
	_ =	sdelay $0x4  }
0x183: {  	[tilespmem:$0x1628] =	vst v24  }
0x184: {  	[tilespmem:$0x96B0] =	vst v24;
	v24 =	vld [tilespmem:$0x1FFD0];
	_ =	sdelay $0x7  }
0x185: {  	v24 =	vld.idx.msk [tilespmem:v24+s3+$0x0], $0xffff;
	_ =	sdelay $0x4  }
0x186: {  	[tilespmem:$0x1638] =	vst v24  }
0x187: {  	[tilespmem:$0x96C0] =	vst v24;
	v24 =	vld [tilespmem:$0x1FFE0];
	_ =	sdelay $0x7  }
0x188: {  	v24 =	vld.idx.msk [tilespmem:v24+s3+$0x0], $0xffff;
	_ =	sdelay $0x4  }
0x189: {  	[tilespmem:$0x25E8] =	vst v24  }
0x18a: {  	[tilespmem:$0xA670] =	vst v24;
	v24 =	vld [tilespmem:$0x1FFF0];
	_ =	sdelay $0x7  }
0x18b: {  	v24 =	vld.idx.msk [tilespmem:v24+s3+$0x0], $0xffff;
	_ =	sdelay $0x4  }
0x18c: {  	[tilespmem:$0x25F8] =	vst v24  }
0x18d: {  	[tilespmem:$0xA680] =	vst v24  }
0x18e: {  	v24 =	vld.idx.msk [tilespmem:v25+s3+$0x0], $0xffff;
	_ =	sdelay $0x4  }
0x18f: {  	[tilespmem:$0x2608] =	vst v24  }
0x190: {  	[tilespmem:$0xA690] =	vst v24  }
0x191: {  	v24 =	vld.idx.msk [tilespmem:v26+s3+$0x0], $0xffff;
	_ =	sdelay $0x4  }
0x192: {  	[tilespmem:$0x2618] =	vst v24  }
0x193: {  	[tilespmem:$0xA6A0] =	vst v24  }
0x194: {  	v24 =	vld.idx.msk [tilespmem:v27+s3+$0x0], $0xffff;
	_ =	sdelay $0x4  }
0x195: {  	[tilespmem:$0x2628] =	vst v24  }
0x196: {  	[tilespmem:$0xA6B0] =	vst v24  }
0x197: {  	v24 =	vld.idx.msk [tilespmem:v28+s3+$0x0], $0xffff;
	_ =	sdelay $0x4  }
0x198: {  	[tilespmem:$0x2638] =	vst v24  }
0x199: {  	[tilespmem:$0xA6C0] =	vst v24  }
0x19a: {  	v24 =	vld.idx.msk [tilespmem:v29+s3+$0x0], $0xffff;
	_ =	sdelay $0x4  }
0x19b: {  	[tilespmem:$0x2648] =	vst v24  }
0x19c: {  	[tilespmem:$0xA6D0] =	vst v24  }
0x19d: {  	v24 =	vld.idx.msk [tilespmem:v30+s3+$0x0], $0xffff;
	_ =	sdelay $0x4  }
0x19e: {  	[tilespmem:$0x35F8] =	vst v24  }
0x19f: {  	[tilespmem:$0xB680] =	vst v24  }
0x1a0: {  	v24 =	vld.idx.msk [tilespmem:v31+s3+$0x0], $0xffff;
	_ =	sdelay $0x4  }
0x1a1: {  	[tilespmem:$0x3608] =	vst v24  }
0x1a2: {  	[tilespmem:$0xB690] =	vst v24  }
0x1a3: {  	v24 =	vld.idx.msk [tilespmem:v32+s3+$0x0], $0xffff;
	_ =	sdelay $0x4  }
0x1a4: {  	[tilespmem:$0x3618] =	vst v24  }
0x1a5: {  	[tilespmem:$0xB6A0] =	vst v24  }
0x1a6: {  	v24 =	vld.idx.msk [tilespmem:v33+s3+$0x0], $0xffff;
	_ =	sdelay $0x4  }
0x1a7: {  	[tilespmem:$0x3628] =	vst v24  }
0x1a8: {  	[tilespmem:$0xB6B0] =	vst v24  }
0x1a9: {  	v24 =	vld.idx.msk [tilespmem:v34+s3+$0x0], $0xffff;
	_ =	sdelay $0x4  }
0x1aa: {  	[tilespmem:$0x3638] =	vst v24  }
0x1ab: {  	[tilespmem:$0xB6C0] =	vst v24  }
0x1ac: {  	v24 =	vld.idx.msk [tilespmem:v35+s3+$0x0], $0xffff;
	_ =	sdelay $0x4  }
0x1ad: {  	[tilespmem:$0x3648] =	vst v24  }
0x1ae: {  	[tilespmem:$0xB6D0] =	vst v24  }
0x1af: {  	v24 =	vld.idx.msk [tilespmem:v36+s3+$0x0], $0xffff;
	_ =	sdelay $0x4  }
0x1b0: {  	[tilespmem:$0x3658] =	vst v24  }
0x1b1: {  	[tilespmem:$0xB6E0] =	vst v24  }
0x1b2: {  	v24 =	vld.idx.msk [tilespmem:v37+s3+$0x0], $0xffff;
	_ =	sdelay $0x4  }
0x1b3: {  	[tilespmem:$0x4608] =	vst v24  }
0x1b4: {  	[tilespmem:$0xC690] =	vst v24  }
0x1b5: {  	v24 =	vld.idx.msk [tilespmem:v38+s3+$0x0], $0xffff;
	_ =	sdelay $0x4  }
0x1b6: {  	[tilespmem:$0x4618] =	vst v24  }
0x1b7: {  	[tilespmem:$0xC6A0] =	vst v24  }
0x1b8: {  	v24 =	vld.idx.msk [tilespmem:v39+s3+$0x0], $0xffff;
	_ =	sdelay $0x4  }
0x1b9: {  	[tilespmem:$0x4628] =	vst v24  }
0x1ba: {  	[tilespmem:$0xC6B0] =	vst v24  }
0x1bb: {  	v24 =	vld.idx.msk [tilespmem:v40+s3+$0x0], $0xffff;
	_ =	sdelay $0x4  }
0x1bc: {  	[tilespmem:$0x4638] =	vst v24  }
0x1bd: {  	[tilespmem:$0xC6C0] =	vst v24  }
0x1be: {  	v24 =	vld.idx.msk [tilespmem:v41+s3+$0x0], $0xffff;
	_ =	sdelay $0x4  }
0x1bf: {  	[tilespmem:$0x4648] =	vst v24  }
0x1c0: {  	[tilespmem:$0xC6D0] =	vst v24  }
0x1c1: {  	v24 =	vld.idx.msk [tilespmem:v42+s3+$0x0], $0xffff;
	_ =	sdelay $0x4  }
0x1c2: {  	[tilespmem:$0x4658] =	vst v24  }
0x1c3: {  	[tilespmem:$0xC6E0] =	vst v24  }
0x1c4: {  	v24 =	vld.idx.msk [tilespmem:v43+s3+$0x0], $0xffff;
	_ =	sdelay $0x4  }
0x1c5: {  	[tilespmem:$0x4668] =	vst v24  }
0x1c6: {  	[tilespmem:$0xC6F0] =	vst v24  }
0x1c7: {  	v24 =	vld.idx.msk [tilespmem:v44+s3+$0x0], $0xffff;
	_ =	sdelay $0x4  }
0x1c8: {  	[tilespmem:$0x5618] =	vst v24  }
0x1c9: {  	[tilespmem:$0xD6A0] =	vst v24  }
0x1ca: {  	v24 =	vld.idx.msk [tilespmem:v45+s3+$0x0], $0xffff;
	_ =	sdelay $0x4  }
0x1cb: {  	[tilespmem:$0x5628] =	vst v24  }
0x1cc: {  	[tilespmem:$0xD6B0] =	vst v24  }
0x1cd: {  	v24 =	vld.idx.msk [tilespmem:v46+s3+$0x0], $0xffff;
	_ =	sdelay $0x4  }
0x1ce: {  	[tilespmem:$0x5638] =	vst v24  }
0x1cf: {  	[tilespmem:$0xD6C0] =	vst v24  }
0x1d0: {  	v24 =	vld.idx.msk [tilespmem:v47+s3+$0x0], $0xffff;
	_ =	sdelay $0x4  }
0x1d1: {  	[tilespmem:$0x5648] =	vst v24  }
0x1d2: {  	[tilespmem:$0xD6D0] =	vst v24  }
0x1d3: {  	v24 =	vld.idx.msk [tilespmem:v48+s3+$0x0], $0xffff;
	_ =	sdelay $0x4  }
0x1d4: {  	[tilespmem:$0x5658] =	vst v24  }
0x1d5: {  	[tilespmem:$0xD6E0] =	vst v24  }
0x1d6: {  	v24 =	vld.idx.msk [tilespmem:v49+s3+$0x0], $0xffff;
	_ =	sdelay $0x4  }
0x1d7: {  	[tilespmem:$0x5668] =	vst v24  }
0x1d8: {  	[tilespmem:$0xD6F0] =	vst v24  }
0x1d9: {  	v24 =	vld.idx.msk [tilespmem:v50+s3+$0x0], $0xffff;
	_ =	sdelay $0x4  }
0x1da: {  	[tilespmem:$0x5678] =	vst v24  }
0x1db: {  	[tilespmem:$0xD700] =	vst v24  }
0x1dc: {  	v24 =	vld.idx.msk [tilespmem:v51+s3+$0x0], $0xffff;
	_ =	sdelay $0x4  }
0x1dd: {  	[tilespmem:$0x6628] =	vst v24  }
0x1de: {  	[tilespmem:$0xE6B0] =	vst v24  }
0x1df: {  	v24 =	vld.idx.msk [tilespmem:v52+s3+$0x0], $0xffff;
	_ =	sdelay $0x4  }
0x1e0: {  	[tilespmem:$0x6638] =	vst v24  }
0x1e1: {  	[tilespmem:$0xE6C0] =	vst v24  }
0x1e2: {  	v24 =	vld.idx.msk [tilespmem:v53+s3+$0x0], $0xffff;
	_ =	sdelay $0x4  }
0x1e3: {  	[tilespmem:$0x6648] =	vst v24  }
0x1e4: {  	[tilespmem:$0xE6D0] =	vst v24  }
0x1e5: {  	v24 =	vld.idx.msk [tilespmem:v54+s3+$0x0], $0xffff;
	_ =	sdelay $0x4  }
0x1e6: {  	[tilespmem:$0x6658] =	vst v24  }
0x1e7: {  	[tilespmem:$0xE6E0] =	vst v24  }
0x1e8: {  	v24 =	vld.idx.msk [tilespmem:v55+s3+$0x0], $0xffff;
	_ =	sdelay $0x4  }
0x1e9: {  	[tilespmem:$0x6668] =	vst v24  }
0x1ea: {  	[tilespmem:$0xE6F0] =	vst v24  }
0x1eb: {  	v24 =	vld.idx.msk [tilespmem:v56+s3+$0x0], $0xffff;
	_ =	sdelay $0x4  }
0x1ec: {  	[tilespmem:$0x6678] =	vst v24  }
0x1ed: {  	[tilespmem:$0xE700] =	vst v24  }
0x1ee: {  	v24 =	vld.idx.msk [tilespmem:v57+s3+$0x0], $0xffff;
	_ =	sdelay $0x4  }
0x1ef: {  	[tilespmem:$0x6688] =	vst v24  }
0x1f0: {  	[tilespmem:$0xE710] =	vst v24  }
0x1f1: {  	v24 =	vld.idx.msk [tilespmem:v58+s3+$0x0], $0xffff;
	_ =	sdelay $0x4  }
0x1f2: {  	[tilespmem:$0x7638] =	vst v24  }
0x1f3: {  	[tilespmem:$0xF6C0] =	vst v24  }
0x1f4: {  	v24 =	vld.idx.msk [tilespmem:v59+s3+$0x0], $0xffff;
	_ =	sdelay $0x4  }
0x1f5: {  	[tilespmem:$0x7648] =	vst v24  }
0x1f6: {  	[tilespmem:$0xF6D0] =	vst v24  }
0x1f7: {  	v24 =	vld.idx.msk [tilespmem:v60+s3+$0x0], $0xffff;
	_ =	sdelay $0x4  }
0x1f8: {  	[tilespmem:$0x7658] =	vst v24  }
0x1f9: {  	[tilespmem:$0xF6E0] =	vst v24  }
0x1fa: {  	v24 =	vld.idx.msk [tilespmem:v61+s3+$0x0], $0xffff;
	_ =	sdelay $0x4  }
0x1fb: {  	[tilespmem:$0x7668] =	vst v24  }
0x1fc: {  	[tilespmem:$0xF6F0] =	vst v24  }
0x1fd: {  	v24 =	vld.idx.msk [tilespmem:v62+s3+$0x0], $0xffff;
	_ =	sdelay $0x4  }
0x1fe: {  	[tilespmem:$0x7678] =	vst v24  }
0x1ff: {  	[tilespmem:$0xF700] =	vst v24  }
0x200: {  	v24 =	vld.idx.msk [tilespmem:v63+s3+$0x0], $0xffff;
	_ =	sdelay $0x4  }
0x201: {  	[tilespmem:$0x7688] =	vst v24  }
0x202: {  	[tilespmem:$0xF710] =	vst v24  }
0x203: {  	v24 =	vld.idx.msk [tilespmem:v0+s3+$0x0], $0xffff;
	_ =	sdelay $0x4  }
0x204: {  	[tilespmem:$0x7698] =	vst v24  }
0x205: {  	[tilespmem:$0xF720] =	vst v24  }
0x206: {  	v24 =	vld.idx.msk [tilespmem:v1+s3+$0x0], $0xffff;
	_ =	sdelay $0x4  }
0x207: {  	[tilespmem:$0x8648] =	vst v24  }
0x208: {  	[tilespmem:$0x106D0] =	vst v24  }
0x209: {  	v24 =	vld.idx.msk [tilespmem:v2+s3+$0x0], $0xffff;
	_ =	sdelay $0x4  }
0x20a: {  	[tilespmem:$0x8658] =	vst v24  }
0x20b: {  	[tilespmem:$0x106E0] =	vst v24  }
0x20c: {  	v24 =	vld.idx.msk [tilespmem:v3+s3+$0x0], $0xffff;
	_ =	sdelay $0x4  }
0x20d: {  	[tilespmem:$0x8668] =	vst v24  }
0x20e: {  	[tilespmem:$0x106F0] =	vst v24  }
0x20f: {  	v24 =	vld.idx.msk [tilespmem:v4+s3+$0x0], $0xffff;
	_ =	sdelay $0x4  }
0x210: {  	[tilespmem:$0x8678] =	vst v24  }
0x211: {  	[tilespmem:$0x10700] =	vst v24  }
0x212: {  	v24 =	vld.idx.msk [tilespmem:v5+s3+$0x0], $0xffff;
	_ =	sdelay $0x4  }
0x213: {  	[tilespmem:$0x8688] =	vst v24  }
0x214: {  	[tilespmem:$0x10710] =	vst v24  }
0x215: {  	v24 =	vld.idx.msk [tilespmem:v6+s3+$0x0], $0xffff;
	_ =	sdelay $0x4  }
0x216: {  	[tilespmem:$0x8698] =	vst v24  }
0x217: {  	[tilespmem:$0x10720] =	vst v24  }
0x218: {  	v24 =	vld.idx.msk [tilespmem:v7+s3+$0x0], $0xffff;
	_ =	sdelay $0x4  }
0x219: {  	[tilespmem:$0x86A8] =	vst v24  }
0x21a: {  	s9 =	simm.s32 $0x0;
	s10 =	simm.s32 $0x40;
	[tilespmem:$0x10730] =	vst v24  }
.LBB2_2:
0x21b: {  	p0 =	sne.s32 s10, $0x1EC0;
	[tilespmem:s9+$0x10740] =	vst v8  }
0x21c: {  	[tilespmem:s9+$0xE18] =	vst v23  }
0x21d: {  	[tilespmem:s9+$0x8EA0] =	vst v23  }
0x21e: {  	[tilespmem:s9+$0x1648] =	vst v15  }
0x21f: {  	[tilespmem:s9+$0x96D0] =	vst v15  }
0x220: {  	[tilespmem:s9+$0x1E28] =	vst v22  }
0x221: {  	[tilespmem:s9+$0x9EB0] =	vst v22  }
0x222: {  	[tilespmem:s9+$0x2658] =	vst v14  }
0x223: {  	[tilespmem:s9+$0xA6E0] =	vst v14  }
0x224: {  	[tilespmem:s9+$0x2E38] =	vst v21  }
0x225: {  	[tilespmem:s9+$0xAEC0] =	vst v21  }
0x226: {  	[tilespmem:s9+$0x3668] =	vst v13  }
0x227: {  	[tilespmem:s9+$0xB6F0] =	vst v13  }
0x228: {  	[tilespmem:s9+$0x3E48] =	vst v20  }
0x229: {  	[tilespmem:s9+$0xBED0] =	vst v20  }
0x22a: {  	[tilespmem:s9+$0x4678] =	vst v11  }
0x22b: {  	[tilespmem:s9+$0xC700] =	vst v11  }
0x22c: {  	[tilespmem:s9+$0x4E58] =	vst v19  }
0x22d: {  	[tilespmem:s9+$0xCEE0] =	vst v19  }
0x22e: {  	[tilespmem:s9+$0x5688] =	vst v12  }
0x22f: {  	[tilespmem:s9+$0xD710] =	vst v12  }
0x230: {  	[tilespmem:s9+$0x5E68] =	vst v18  }
0x231: {  	[tilespmem:s9+$0xDEF0] =	vst v18  }
0x232: {  	[tilespmem:s9+$0x6698] =	vst v10  }
0x233: {  	[tilespmem:s9+$0xE720] =	vst v10  }
0x234: {  	[tilespmem:s9+$0x6E78] =	vst v17  }
0x235: {  	[tilespmem:s9+$0xEF00] =	vst v17  }
.Ltmp0:
0x236: {  	[tilespmem:s9+$0x76A8] =	vst v9;
	(pc) =	sbr.rel @p0 .LBB2_2-.Ltmp0, $4  }
0x237: {  	[tilespmem:s9+$0xF730] =	vst v9  }
0x238: {  	[tilespmem:s9+$0x7E88] =	vst v16  }
0x239: {  	[tilespmem:s9+$0xFF10] =	vst v16  }
0x23a: {  	[tilespmem:s9+$0x86B8] =	vst v8;
	s9 =	sshra.s32 s10, $0x2;
	s10 =	sadd.s32 $0x40, s10  }
0x23b: {  	[tilespmem:s9+$0x10740] =	vst v8  }
0x23c: {  	[tilespmem:s9+$0xE18] =	vst v23  }
0x23d: {  	[tilespmem:s9+$0x8EA0] =	vst v23  }
0x23e: {  	[tilespmem:s9+$0x1648] =	vst v15  }
0x23f: {  	[tilespmem:s9+$0x96D0] =	vst v15  }
0x240: {  	[tilespmem:s9+$0x1E28] =	vst v22  }
0x241: {  	[tilespmem:s9+$0x9EB0] =	vst v22  }
0x242: {  	[tilespmem:s9+$0x2658] =	vst v14  }
0x243: {  	[tilespmem:s9+$0xA6E0] =	vst v14  }
0x244: {  	[tilespmem:s9+$0x2E38] =	vst v21  }
0x245: {  	[tilespmem:s9+$0xAEC0] =	vst v21  }
0x246: {  	[tilespmem:s9+$0x3668] =	vst v13  }
0x247: {  	[tilespmem:s9+$0xB6F0] =	vst v13  }
0x248: {  	[tilespmem:s9+$0x3E48] =	vst v20  }
0x249: {  	[tilespmem:s9+$0xBED0] =	vst v20  }
0x24a: {  	[tilespmem:s9+$0x4678] =	vst v11  }
0x24b: {  	[tilespmem:s9+$0xC700] =	vst v11  }
0x24c: {  	[tilespmem:s9+$0x4E58] =	vst v19  }
0x24d: {  	[tilespmem:s9+$0xCEE0] =	vst v19  }
0x24e: {  	[tilespmem:s9+$0x5688] =	vst v12  }
0x24f: {  	[tilespmem:s9+$0xD710] =	vst v12  }
0x250: {  	[tilespmem:s9+$0x5E68] =	vst v18  }
0x251: {  	[tilespmem:s9+$0xDEF0] =	vst v18  }
0x252: {  	[tilespmem:s9+$0x6698] =	vst v10  }
0x253: {  	[tilespmem:s9+$0xE720] =	vst v10  }
0x254: {  	[tilespmem:s9+$0x6E78] =	vst v17  }
0x255: {  	[tilespmem:s9+$0xEF00] =	vst v17  }
0x256: {  	[tilespmem:s9+$0x76A8] =	vst v9  }
0x257: {  	[tilespmem:s9+$0xF730] =	vst v9  }
0x258: {  	[tilespmem:s9+$0x7E88] =	vst v16  }
0x259: {  	[tilespmem:s9+$0xFF10] =	vst v16  }
0x25a: {  	[tilespmem:s9+$0x86B8] =	vst v8  }
0x25b: {  	[tilespmem:$0x1E00] =	vst v15  }
0x25c: {  	[tilespmem:$0x9E90] =	vst v15  }
0x25d: {  	[tilespmem:$0x2E10] =	vst v14  }
0x25e: {  	[tilespmem:$0xAEA0] =	vst v14  }
0x25f: {  	[tilespmem:$0x3E20] =	vst v13  }
0x260: {  	[tilespmem:$0xBEB0] =	vst v13  }
0x261: {  	[tilespmem:$0x4E30] =	vst v11  }
0x262: {  	[tilespmem:$0xCEC0] =	vst v11  }
0x263: {  	[tilespmem:$0x5E40] =	vst v12  }
0x264: {  	[tilespmem:$0xDED0] =	vst v12  }
0x265: {  	[tilespmem:$0x6E50] =	vst v10  }
0x266: {  	[tilespmem:$0xEEE0] =	vst v10  }
0x267: {  	[tilespmem:$0x7E60] =	vst v9  }
0x268: {  	s21 =	rddreg [dreg:$0x3];
	[tilespmem:$0xFEF0] =	vst v9  }
0x269: {  	[tilespmem:$0x8E70] =	vst v8;
	s9 =	sadd.s32 $0x0, s21  }
0x26a: {  	[tilespmem:$0x10F00] =	vst v8;
	s10 =	sadd.s32 $0x800, s9  }
0x26b: {  	[hbm4b:s5+s3] =	stream.linear.scatter [tilespmem:s10], [sflag:$0x1], $0x800, $0x38;
	[tilespmem:$0x10F10] =	vst v63  }
0x26c: {  	s11 =	sadd.s32 $0x100, s5;
	s22 =	sadd.s32 $0x1810, s9  }
0x26d: {  	[hbm4b:s11+s3] =	stream.linear.scatter [tilespmem:s22], [sflag:$0x1], $0x800, $0x38;
	[tilespmem:$0x10F10] =	vst v63  }
0x26e: {  	s24 =	sadd.s32 $0x200, s5;
	s23 =	sadd.s32 $0x2820, s9  }
0x26f: {  	[hbm4b:s24+s3] =	stream.linear.scatter [tilespmem:s23], [sflag:$0x1], $0x800, $0x38;
	[tilespmem:$0x10F10] =	vst v63  }
0x270: {  	s26 =	sadd.s32 $0x300, s5;
	s25 =	sadd.s32 $0x3830, s9  }
0x271: {  	[hbm4b:s26+s3] =	stream.linear.scatter [tilespmem:s25], [sflag:$0x1], $0x800, $0x38;
	[tilespmem:$0x10F10] =	vst v63  }
0x272: {  	s29 =	sadd.s32 $0x400, s5;
	s28 =	sadd.s32 $0x4840, s9  }
0x273: {  	[hbm4b:s29+s3] =	stream.linear.scatter [tilespmem:s28], [sflag:$0x1], $0x800, $0x38;
	[tilespmem:$0x10F10] =	vst v63  }
0x274: {  	s31 =	sadd.s32 $0x500, s5;
	s30 =	sadd.s32 $0x5850, s9  }
0x275: {  	[hbm4b:s31+s3] =	stream.linear.scatter [tilespmem:s30], [sflag:$0x1], $0x800, $0x38;
	[tilespmem:$0x10F10] =	vst v63  }
0x276: {  	s13 =	sadd.s32 $0x600, s5;
	s12 =	sadd.s32 $0x6860, s9  }
0x277: {  	[hbm4b:s13+s3] =	stream.linear.scatter [tilespmem:s12], [sflag:$0x1], $0x800, $0x38;
	[tilespmem:$0x10F10] =	vst v63  }
0x278: {  	s15 =	sadd.s32 $0x700, s5;
	s14 =	sadd.s32 $0x7870, s9  }
0x279: {  	[hbm4b:s15+s3] =	stream.linear.scatter [tilespmem:s14], [sflag:$0x1], $0x800, $0x38;
	[tilespmem:$0x10F10] =	vst v63  }
0x27a: {  	s17 =	sadd.s32 $0x800, s5;
	s16 =	sadd.s32 $0x8880, s9  }
0x27b: {  	[hbm4b:s17+s3] =	stream.linear.scatter [tilespmem:s16], [sflag:$0x1], $0x800, $0x38;
	[tilespmem:$0x10F10] =	vst v63  }
0x27c: {  	s19 =	sadd.s32 $0x900, s5;
	s18 =	sadd.s32 $0x9890, s9  }
0x27d: {  	[hbm4b:s19+s3] =	stream.linear.scatter [tilespmem:s18], [sflag:$0x1], $0x800, $0x38;
	[tilespmem:$0x10F10] =	vst v63  }
0x27e: {  	s21 =	sadd.s32 $0xA00, s5;
	s20 =	sadd.s32 $0xA8A0, s9  }
0x27f: {  	[hbm4b:s21+s3] =	stream.linear.scatter [tilespmem:s20], [sflag:$0x1], $0x800, $0x38;
	[tilespmem:$0x10F10] =	vst v63  }
0x280: {  	s22 =	sadd.s32 $0xB8B0, s9;
	s23 =	sadd.s32 $0xB00, s5  }
0x281: {  	[hbm4b:s23+s3] =	stream.linear.scatter [tilespmem:s22], [sflag:$0x1], $0x800, $0x38;
	[tilespmem:$0x10F10] =	vst v63  }
0x282: {  	p1 =	por $0x1, $0x1;
	s24 =	sadd.s32 $0xC8C0, s9;
	s25 =	sadd.s32 $0xC00, s5  }
0x283: {  	[hbm4b:s25+s3] =	stream.linear.scatter [tilespmem:s24], [sflag:$0x1], $0x800, $0x38;
	[tilespmem:$0x10F10] =	vst v63  }
0x284: {  	s10 =	sadd.s32 $0x1000, s5;
	s26 =	sadd.s32 $0xD8D0, s9;
	s28 =	sadd.s32 $0xD00, s5  }
0x285: {  	[hbm4b:s28+s3] =	stream.linear.scatter [tilespmem:s26], [sflag:$0x1], $0x800, $0x38;
	[tilespmem:$0x10F10] =	vst v63  }
0x286: {  	s11 =	simm.s32 $0xFFFFFFC0;
	s29 =	sadd.s32 $0xE8E0, s9;
	s30 =	sadd.s32 $0xE00, s5  }
0x287: {  	[hbm4b:s30+s3] =	stream.linear.scatter [tilespmem:s29], [sflag:$0x1], $0x800, $0x38;
	[tilespmem:$0x10F10] =	vst v63  }
0x288: {  	s9 =	sadd.s32 $0xF8F0, s9;
	s31 =	sadd.s32 $0xF00, s5;
	s13 =	simm.s32 @!p1 $0x1  }
0x289: {  	[hbm4b:s31+s3] =	stream.linear.scatter [tilespmem:s9], [sflag:$0x1], $0x800, $0x38;
	[tilespmem:$0x10F10] =	vst v63  }
0x28a: {  	s12 =	simm.s32 $0xFFFFFF80;
	s9 =	simm.s32 $0x1;
	_ =	swait.ge @!p1 [sflag:s13], $0x8000  }
.LBB2_4:
0x28b: {  	s14 =	rddreg [dreg:$0x3];
	[sflag:s13] =	ssyncset.done @!p1 $0x0;
	s16 =	sshra.s32 s11, $0x2  }
0x28c: {  	[sflag:s13] =	ssyncadd.s32 @!p1 $0xFFFF8000;
	s13 =	sadd.s32 s16, s14  }
0x28d: {  	s14 =	sadd.s32 $0x800, s13  }
0x28e: {  	[hbm4b:s10+s3] =	stream.linear.scatter [tilespmem:s14], [sflag:$0x1], $0x800, $0x38;
	[tilespmem:$0x10F10] =	vst v63  }
0x28f: {  	s18 =	sadd.s32 $0x100, s10;
	s17 =	sadd.s32 $0x1810, s13  }
0x290: {  	[hbm4b:s18+s3] =	stream.linear.scatter [tilespmem:s17], [sflag:$0x1], $0x800, $0x38;
	[tilespmem:$0x10F10] =	vst v63  }
0x291: {  	s20 =	sadd.s32 $0x200, s10;
	s19 =	sadd.s32 $0x2820, s13  }
0x292: {  	[hbm4b:s20+s3] =	stream.linear.scatter [tilespmem:s19], [sflag:$0x1], $0x800, $0x38;
	[tilespmem:$0x10F10] =	vst v63  }
0x293: {  	s22 =	sadd.s32 $0x300, s10;
	s21 =	sadd.s32 $0x3830, s13  }
0x294: {  	[hbm4b:s22+s3] =	stream.linear.scatter [tilespmem:s21], [sflag:$0x1], $0x800, $0x38;
	[tilespmem:$0x10F10] =	vst v63  }
0x295: {  	s24 =	sadd.s32 $0x400, s10;
	s23 =	sadd.s32 $0x4840, s13  }
0x296: {  	[hbm4b:s24+s3] =	stream.linear.scatter [tilespmem:s23], [sflag:$0x1], $0x800, $0x38;
	[tilespmem:$0x10F10] =	vst v63  }
0x297: {  	s26 =	sadd.s32 $0x500, s10;
	s25 =	sadd.s32 $0x5850, s13  }
0x298: {  	[hbm4b:s26+s3] =	stream.linear.scatter [tilespmem:s25], [sflag:$0x1], $0x800, $0x38;
	[tilespmem:$0x10F10] =	vst v63  }
0x299: {  	s29 =	sadd.s32 $0x600, s10;
	s28 =	sadd.s32 $0x6860, s13  }
0x29a: {  	[hbm4b:s29+s3] =	stream.linear.scatter [tilespmem:s28], [sflag:$0x1], $0x800, $0x38;
	[tilespmem:$0x10F10] =	vst v63  }
0x29b: {  	s31 =	sadd.s32 $0x700, s10;
	s30 =	sadd.s32 $0x7870, s13  }
0x29c: {  	[hbm4b:s31+s3] =	stream.linear.scatter [tilespmem:s30], [sflag:$0x1], $0x800, $0x38;
	[tilespmem:$0x10F10] =	vst v63  }
0x29d: {  	s16 =	sadd.s32 $0x8880, s13;
	s17 =	sadd.s32 $0x800, s10  }
0x29e: {  	[hbm4b:s17+s3] =	stream.linear.scatter [tilespmem:s16], [sflag:$0x1], $0x800, $0x38;
	[tilespmem:$0x10F10] =	vst v63  }
0x29f: {  	s18 =	sadd.s32 $0x9890, s13;
	s19 =	sadd.s32 $0x900, s10  }
0x2a0: {  	[hbm4b:s19+s3] =	stream.linear.scatter [tilespmem:s18], [sflag:$0x1], $0x800, $0x38;
	[tilespmem:$0x10F10] =	vst v63  }
0x2a1: {  	s20 =	sadd.s32 $0xA8A0, s13;
	s21 =	sadd.s32 $0xA00, s10  }
0x2a2: {  	[hbm4b:s21+s3] =	stream.linear.scatter [tilespmem:s20], [sflag:$0x1], $0x800, $0x38;
	[tilespmem:$0x10F10] =	vst v63  }
0x2a3: {  	s22 =	sadd.s32 $0xB8B0, s13;
	s23 =	sadd.s32 $0xB00, s10  }
0x2a4: {  	[hbm4b:s23+s3] =	stream.linear.scatter [tilespmem:s22], [sflag:$0x1], $0x800, $0x38;
	[tilespmem:$0x10F10] =	vst v63  }
0x2a5: {  	s15 =	smov.u32 s12;
	s24 =	sadd.s32 $0xC8C0, s13;
	s25 =	sadd.s32 $0xC00, s10  }
0x2a6: {  	[hbm4b:s25+s3] =	stream.linear.scatter [tilespmem:s24], [sflag:$0x1], $0x800, $0x38;
	[tilespmem:$0x10F10] =	vst v63  }
0x2a7: {  	s12 =	sadd.s32 $0xFFFFFFC0, s12;
	s26 =	sadd.s32 $0xD8D0, s13;
	s28 =	sadd.s32 $0xD00, s10  }
0x2a8: {  	[hbm4b:s28+s3] =	stream.linear.scatter [tilespmem:s26], [sflag:$0x1], $0x800, $0x38;
	[tilespmem:$0x10F10] =	vst v63  }
0x2a9: {  	p0 =	sne.s32 s12, $0xFFFFF000;
	s29 =	sadd.s32 $0xE8E0, s13;
	s30 =	sadd.s32 $0xE00, s10  }
0x2aa: {  	[hbm4b:s30+s3] =	stream.linear.scatter [tilespmem:s29], [sflag:$0x1], $0x800, $0x38;
	[tilespmem:$0x10F10] =	vst v63  }
.Ltmp1:
0x2ab: {  	_ = 	snop;
	(pc) =	sbr.rel @p0 .LBB2_4-.Ltmp1, $4  }
0x2ac: {  	p1 =	slt.u32 s9, $0x3;
	s13 =	sadd.s32 $0xF8F0, s13;
	s31 =	sadd.s32 $0xF00, s10  }
0x2ad: {  	[hbm4b:s31+s3] =	stream.linear.scatter [tilespmem:s13], [sflag:$0x1], $0x800, $0x38;
	[tilespmem:$0x10F10] =	vst v63  }
0x2ae: {  	s11 =	smov.u32 s15;
	s13 =	simm.s32 @!p1 $0x1  }
0x2af: {  	s9 =	sadd.s32 $0x1, s9;
	s10 =	sadd.s32 $0x1000, s10;
	_ =	swait.ge @!p1 [sflag:s13], $0x8000  }
0x2b0: {  	s12 =	rddreg [dreg:$0x3];
	s11 =	sshra.s32 s11, $0x2  }
0x2b1: {  	[sflag:s13] =	ssyncset.done @!p1 $0x0;
	s11 =	sadd.s32 s11, s12  }
0x2b2: {  	[sflag:s13] =	ssyncadd.s32 @!p1 $0xFFFF8000;
	s12 =	sadd.s32 $0x800, s11  }
0x2b3: {  	[hbm4b:s10+s3] =	stream.linear.scatter [tilespmem:s12], [sflag:$0x1], $0x800, $0x38;
	[tilespmem:$0x10F10] =	vst v63  }
0x2b4: {  	s20 =	sadd.s32 $0x100, s10;
	s19 =	sadd.s32 $0x1810, s11  }
0x2b5: {  	[hbm4b:s20+s3] =	stream.linear.scatter [tilespmem:s19], [sflag:$0x1], $0x800, $0x38;
	[tilespmem:$0x10F10] =	vst v63  }
0x2b6: {  	s22 =	sadd.s32 $0x200, s10;
	s21 =	sadd.s32 $0x2820, s11  }
0x2b7: {  	[hbm4b:s22+s3] =	stream.linear.scatter [tilespmem:s21], [sflag:$0x1], $0x800, $0x38;
	[tilespmem:$0x10F10] =	vst v63  }
0x2b8: {  	s24 =	sadd.s32 $0x300, s10;
	s23 =	sadd.s32 $0x3830, s11  }
0x2b9: {  	[hbm4b:s24+s3] =	stream.linear.scatter [tilespmem:s23], [sflag:$0x1], $0x800, $0x38;
	[tilespmem:$0x10F10] =	vst v63  }
0x2ba: {  	s26 =	sadd.s32 $0x400, s10;
	s25 =	sadd.s32 $0x4840, s11  }
0x2bb: {  	[hbm4b:s26+s3] =	stream.linear.scatter [tilespmem:s25], [sflag:$0x1], $0x800, $0x38;
	[tilespmem:$0x10F10] =	vst v63  }
0x2bc: {  	s29 =	sadd.s32 $0x500, s10;
	s28 =	sadd.s32 $0x5850, s11  }
0x2bd: {  	[hbm4b:s29+s3] =	stream.linear.scatter [tilespmem:s28], [sflag:$0x1], $0x800, $0x38;
	[tilespmem:$0x10F10] =	vst v63  }
0x2be: {  	s31 =	sadd.s32 $0x600, s10;
	s30 =	sadd.s32 $0x6860, s11  }
0x2bf: {  	[hbm4b:s31+s3] =	stream.linear.scatter [tilespmem:s30], [sflag:$0x1], $0x800, $0x38;
	[tilespmem:$0x10F10] =	vst v63  }
0x2c0: {  	s15 =	sadd.s32 $0x700, s10;
	s14 =	sadd.s32 $0x7870, s11  }
0x2c1: {  	[hbm4b:s15+s3] =	stream.linear.scatter [tilespmem:s14], [sflag:$0x1], $0x800, $0x38;
	[tilespmem:$0x10F10] =	vst v63  }
0x2c2: {  	s17 =	sadd.s32 $0x800, s10;
	s16 =	sadd.s32 $0x8880, s11  }
0x2c3: {  	[hbm4b:s17+s3] =	stream.linear.scatter [tilespmem:s16], [sflag:$0x1], $0x800, $0x38;
	[tilespmem:$0x10F10] =	vst v63  }
0x2c4: {  	s18 =	sadd.s32 $0x9890, s11;
	s19 =	sadd.s32 $0x900, s10  }
0x2c5: {  	[hbm4b:s19+s3] =	stream.linear.scatter [tilespmem:s18], [sflag:$0x1], $0x800, $0x38;
	[tilespmem:$0x10F10] =	vst v63  }
0x2c6: {  	s20 =	sadd.s32 $0xA8A0, s11;
	s21 =	sadd.s32 $0xA00, s10  }
0x2c7: {  	[hbm4b:s21+s3] =	stream.linear.scatter [tilespmem:s20], [sflag:$0x1], $0x800, $0x38;
	[tilespmem:$0x10F10] =	vst v63  }
0x2c8: {  	s22 =	sadd.s32 $0xB8B0, s11;
	s23 =	sadd.s32 $0xB00, s10  }
0x2c9: {  	[hbm4b:s23+s3] =	stream.linear.scatter [tilespmem:s22], [sflag:$0x1], $0x800, $0x38;
	[tilespmem:$0x10F10] =	vst v63  }
0x2ca: {  	s24 =	sadd.s32 $0xC8C0, s11;
	s25 =	sadd.s32 $0xC00, s10  }
0x2cb: {  	[hbm4b:s25+s3] =	stream.linear.scatter [tilespmem:s24], [sflag:$0x1], $0x800, $0x38;
	[tilespmem:$0x10F10] =	vst v63  }
0x2cc: {  	s26 =	sadd.s32 $0xD8D0, s11;
	s28 =	sadd.s32 $0xD00, s10  }
0x2cd: {  	[hbm4b:s28+s3] =	stream.linear.scatter [tilespmem:s26], [sflag:$0x1], $0x800, $0x38;
	[tilespmem:$0x10F10] =	vst v63  }
0x2ce: {  	p0 =	slt.u32 s9, $0x3;
	s29 =	sadd.s32 $0xE8E0, s11;
	s30 =	sadd.s32 $0xE00, s10  }
0x2cf: {  	[hbm4b:s30+s3] =	stream.linear.scatter [tilespmem:s29], [sflag:$0x1], $0x800, $0x38;
	[tilespmem:$0x10F10] =	vst v63  }
0x2d0: {  	s9 =	simm.s32 @!p0 $0x1;
	s11 =	sadd.s32 $0xF8F0, s11;
	s31 =	sadd.s32 $0xF00, s10  }
0x2d1: {  	[hbm4b:s31+s3] =	stream.linear.scatter [tilespmem:s11], [sflag:$0x1], $0x800, $0x38;
	[tilespmem:$0x10F10] =	vst v63  }
0x2d2: {  	_ =	swait.ge @!p0 [sflag:s9], $0x8000  }
0x2d3: {  	[sflag:s9] =	ssyncset.done @!p0 $0x0  }
0x2d4: {  	[sflag:s9] =	ssyncadd.s32 @!p0 $0xFFFF8000  }
0x2d5: {  	_ =	swait.ge [sflag:s7], $0x8000  }
0x2d6: {  	[sflag:s7] =	ssyncset.done $0x0  }
0x2d7: {  	s8 =	sadd.s32 $0x1, s8;
	[sflag:s7] =	ssyncadd.s32 $0xFFFF8000  }
0x2d8: {  	p0 =	sne.s32 s8, s4;
	_ =	swait.ge [sflag:s7], $0x8000  }
.Ltmp2:
0x2d9: {  	[sflag:s7] =	ssyncset.done $0x0;
	(pc) =	sbr.rel @p0 .LBB2_1-.Ltmp2, $4  }
0x2da: {  	[sflag:s7] =	ssyncadd.s32 $0xFFFF8000  }
0x2db: {  	_ =	swait.ge [sflag:s7], $0x8000  }
0x2dc: {  	[sflag:s7] =	ssyncset.done $0x0  }
0x2dd: {  	[sflag:s7] =	ssyncadd.s32 $0xFFFF8000  }
0x2de: {  	_ =	sfence.sel $0x180000  }
0x2df: {  	[bflag:$0x0] =	sbarrier.arrive $0xFFFF  }
0x2e0: {  	p0 =	sne.s32 s0, $0x0;
	_ =	strace $0x90000047  }
0x2e1: {  	s0 =	sadd.s32 @!p0 $0x100000, s2;
	[bflag:$0x2] =	sbarrier.arrive $0xFFFF  }
0x2e2: {  	[sflag:s0] =	ssyncadd.tile.s32 @!p0 $0x1;
	_ =	shalt  }
.Lfunc_end2:
_tile_overlayer_lowered:
.L_overlay_start_2:
0x2e3: {  	(tag) =	ssettag $0x2  }
0x2e4: {  	s0 =	rddreg [dreg:$0x0];
	s2 =	stileid.u32  }
0x2e5: {  	s1 =	rddreg [dreg:$0x1];
	p0 =	sne.s32 s2, $0x0  }
0x2e6: {  	s3 =	rddreg [dreg:$0x2];
	[bflag:$0x3] =	sbarrier.arrive $0xFFFF;
	s2 =	simm.s32 @!p0 $0x1C02  }
0x2e7: {  	[timem:s3], [sflag:s2] =	dma.local @!p0 [hbm:s0], s1  }
0x2e8: {  	s0 =	simm.s32 @!p0 $0x2  }
0x2e9: {  	_ =	swait.ge @!p0 [sflag:s0], s1  }
0x2ea: {  	s1 =	ssub.s32 @!p0 $0x0, s1;
	[sflag:s0] =	ssyncset.done @!p0 $0x0  }
0x2eb: {  	[sflag:s0] =	ssyncadd.s32 @!p0 s1  }
0x2ec: {  	[bflag:$0x3] =	sbarrier.arrive $0xFFFF  }
0x2ed: {  	_ =	shalt  }

</sc_bundles>
